<compile_context>
chip_gen: v7x
topology: tpu7x:2x2x1
jax: 0.10.2.dev20260603
libtpu: 0.0.44.dev20260713+nightly
codegen_flags: <defaults>
</compile_context>

<pallas_src>
import functools

import jax
import jax.numpy as jnp
from jax import lax
from jax.experimental import pallas as pl
from jax.experimental.pallas import tpu as pltpu
from jax.experimental.pallas import tpu_sc as plsc

N = 10000
E = 320000
D = 128
ALP = 0.1
LAM = 1.0

NC = 2
NS = 16
NW = NC * NS
CHUNK = 128
SEG = 20
BLK_SLOW = 2
BLK_FAST = 6
SLOW_C = 1
NBLK = NS * (BLK_SLOW + BLK_FAST)
TOT_CH = NBLK * SEG
E_PAD = TOT_CH * CHUNK
N_PAD = 10112
ZROWS = N_PAD // NS




def _sc_body(hm, srcr, dstr, zeros, out, acc, src_v, dst_v, rows0, rows1,
             sem0, sem1):
    c = lax.axis_index("c")
    s = lax.axis_index("s")

    pltpu.sync_copy(zeros.at[pl.ds(s * ZROWS, ZROWS)],
                    acc.at[pl.ds(s * ZROWS, ZROWS)])
    plsc.subcore_barrier()

    def block(b):
        pltpu.sync_copy(srcr.at[b], src_v)
        pltpu.sync_copy(dstr.at[b], dst_v)

        pltpu.async_copy(hm.at[src_v.at[0]], rows0, sem0)

        def pair(p, carry):
            c0 = 2 * p
            pltpu.async_copy(hm.at[src_v.at[c0 + 1]], rows1, sem1)
            pltpu.make_async_copy(hm.at[src_v.at[c0]], rows0, sem0).wait()
            pltpu.sync_copy(rows0, acc.at[dst_v.at[c0]], add=True)

            @pl.when(p < SEG // 2 - 1)
            def _():
                pltpu.async_copy(hm.at[src_v.at[c0 + 2]], rows0, sem0)

            pltpu.make_async_copy(hm.at[src_v.at[c0 + 1]], rows1, sem1).wait()
            pltpu.sync_copy(rows1, acc.at[dst_v.at[c0 + 1]], add=True)
            return carry

        lax.fori_loop(0, SEG // 2, pair, 0)

    @pl.when(c == SLOW_C)
    def _():
        for j in range(BLK_SLOW):
            block(s * BLK_SLOW + j)

    @pl.when(c != SLOW_C)
    def _():
        for j in range(BLK_FAST):
            block(NS * BLK_SLOW + s * BLK_FAST + j)

    plsc.subcore_barrier()

    pltpu.sync_copy(acc.at[pl.ds(s * ZROWS, ZROWS)],
                    out.at[c, pl.ds(s * ZROWS, ZROWS)])


@functools.partial(
    pl.kernel,
    out_type=jax.ShapeDtypeStruct((NC, N_PAD, D), jnp.float32),
    mesh=plsc.VectorSubcoreMesh(core_axis_name="c", subcore_axis_name="s"),
    scratch_types=[
        pltpu.VMEM_SHARED((N_PAD, D), jnp.float32),
        pltpu.VMEM((SEG, CHUNK), jnp.int32),
        pltpu.VMEM((SEG, CHUNK), jnp.int32),
        pltpu.VMEM((CHUNK, D), jnp.float32),
        pltpu.VMEM((CHUNK, D), jnp.float32),
        pltpu.SemaphoreType.DMA,
        pltpu.SemaphoreType.DMA,
    ],
)
def _sc_segment_sum(hm, srcr, dstr, zeros, out, acc, src_v, dst_v, rows0,
                    rows1, sem0, sem1):
    _sc_body(hm, srcr, dstr, zeros, out, acc, src_v, dst_v, rows0, rows1,
             sem0, sem1)




def _scale_body(h_ref, a_ref, o_ref):
    o_ref[...] = (h_ref[...] * a_ref[...]).astype(jnp.float32)


def _scale(h, aft_A):
    blk = 2000
    grid = N // blk
    return pl.pallas_call(
        _scale_body,
        grid=(grid,),
        in_specs=[
            pl.BlockSpec((blk, D), lambda i: (i, 0)),
            pl.BlockSpec((blk, 1), lambda i: (i, 0)),
        ],
        out_specs=pl.BlockSpec((blk, D), lambda i: (i, 0)),
        out_shape=jax.ShapeDtypeStruct((N, D), jnp.float32),
    )(h, aft_A)


def _combine_body(agg_ref, h_ref, ini_ref, ba_ref, bx_ref, o_ref):
    agg = (agg_ref[0].astype(jnp.float32) + agg_ref[1].astype(jnp.float32))
    o_ref[...] = ((ALP * LAM) * agg * ba_ref[...]
                  + (1.0 - ALP) * h_ref[...]
                  + ALP * ini_ref[...] * bx_ref[...])


def _combine(agg2, h, ini_h, bef_A, bef_X):
    blk = 2000
    grid = N // blk
    return pl.pallas_call(
        _combine_body,
        grid=(grid,),
        in_specs=[
            pl.BlockSpec((NC, blk, D), lambda i: (0, i, 0)),
            pl.BlockSpec((blk, D), lambda i: (i, 0)),
            pl.BlockSpec((blk, D), lambda i: (i, 0)),
            pl.BlockSpec((blk, 1), lambda i: (i, 0)),
            pl.BlockSpec((blk, 1), lambda i: (i, 0)),
        ],
        out_specs=pl.BlockSpec((blk, D), lambda i: (i, 0)),
        out_shape=jax.ShapeDtypeStruct((N, D), jnp.float32),
    )(agg2, h, ini_h, bef_A, bef_X)




def kernel(h, ini_h, edge_index, bef_A, aft_A, bef_X):
    hm = _scale(h, aft_A)

    hm_p = jnp.concatenate([hm, jnp.zeros((8, D), jnp.float32)])
    pad = E_PAD - E
    srcp = jnp.concatenate(
        [edge_index[0], jnp.full((pad,), N, jnp.int32)]).reshape(NBLK, SEG, CHUNK)
    pad_dst = jnp.arange(pad, dtype=jnp.int32) % N
    dstp = jnp.concatenate(
        [edge_index[1], pad_dst]).reshape(NBLK, SEG, CHUNK)
    zeros = jnp.zeros((N_PAD, D), jnp.float32)

    agg2 = _sc_segment_sum(hm_p, srcp, dstp, zeros)
    return _combine(agg2, h, ini_h, bef_A, bef_X)

# --- scband reference (transcript-rebuilt; emitter-appended) ---
"""Pipeline reference for scband-vsgclayer-38019050505083 (READ-ONLY COPY).

The authoritative reference and input builder live on the scoring server;
editing this copy changes nothing except your own understanding.
"""

import jax, jax.numpy as jnp
import numpy as np

N = 10000
E = 320000
D = 128
ALP = 0.1
LAM = 1.0


def setup_inputs(seed: int = 0) -> dict:
    key = jax.random.key(seed)
    ks = jax.random.split(key, 6)
    h = jax.random.normal(ks[0], (N, D), dtype=jnp.float32)
    ini_h = jax.random.normal(ks[1], (N, D), dtype=jnp.float32)
    edge_index = jax.random.randint(ks[2], (2, E), 0, N, dtype=jnp.int32)
    bef_A = jax.random.uniform(ks[3], (N, 1), dtype=jnp.float32)
    aft_A = jax.random.uniform(ks[4], (N, 1), dtype=jnp.float32)
    bef_X = jax.random.uniform(ks[5], (N, 1), dtype=jnp.float32)
    return {"h": h, "ini_h": ini_h, "edge_index": edge_index, "bef_A": bef_A, "aft_A": aft_A, "bef_X": bef_X}


def reference(h, ini_h, edge_index, bef_A, aft_A, bef_X):
    # VSGCLayer.propagation_lt translated from DGL to explicit gather/segment_sum.
    # DGL copy_u('h','m') + sum('m','h'): for each edge (src -> dst),
    # message = h_scaled[src], aggregated by sum at dst.
    src = edge_index[0]
    dst = edge_index[1]
    ini_h2 = ini_h * bef_X
    pre_h = h
    hm = h * aft_A
    msgs = jnp.take(hm, src, axis=0)
    agg = jax.ops.segment_sum(msgs, dst, num_segments=N)
    hn = agg * bef_A
    out = ALP * LAM * hn + (1.0 - ALP) * pre_h + ALP * ini_h2
    return out

if __name__ == "__main__":
    import jax
    _d = setup_inputs()
    print(jax.jit(kernel)(*tuple(_d.values())))

</pallas_src>

<mosaic_0001>
#map = affine_map<(d0, d1) -> (0, 0)>
#map1 = affine_map<(d0, d1) -> (0, 0, 0)>
module attributes {stable_mosaic.version = 14 : i64} {
  func.func @_sc_segment_sum(%arg0: i32, %arg1: i32, %arg2: memref<10008x128xf32, #tpu.memory_space<hbm>>, %arg3: memref<128x20x128xi32, #tpu.memory_space<hbm>>, %arg4: memref<128x20x128xi32, #tpu.memory_space<hbm>>, %arg5: memref<10112x128xf32, #tpu.memory_space<hbm>>, %arg6: memref<2x10112x128xf32, #tpu.memory_space<hbm>>, %arg7: memref<10112x128xf32, #tpu.memory_space<vmem_shared>>, %arg8: memref<20x128xi32, #tpu.memory_space<vmem>>, %arg9: memref<20x128xi32, #tpu.memory_space<vmem>>, %arg10: memref<128x128xf32, #tpu.memory_space<vmem>>, %arg11: memref<128x128xf32, #tpu.memory_space<vmem>>, %arg12: memref<!tpu.dma_semaphore, #tpu.memory_space<semaphore_mem>>, %arg13: memref<!tpu.dma_semaphore, #tpu.memory_space<semaphore_mem>>) attributes {dimension_semantics = [#tpu.dimension_semantics<core_parallel>, #tpu.dimension_semantics<subcore_parallel>], iteration_bounds = array<i64: 2, 16>, scalar_prefetch = 0 : i64, scratch_operands = 7 : i64, tpu.core_type = #tpu.core_type<sc_vector_subcore>, window_params = [{transform_indices = #map}, {transform_indices = #map1}, {transform_indices = #map1}, {transform_indices = #map}, {transform_indices = #map1}]} {
    %mul3A = arith.constant 632 : i32
    %mul3A_0 = arith.muli %arg1, %mul3A : i32
    %mul3A_1 = arith.constant 632 : i32
    %mul3A_2 = arith.muli %arg1, %mul3A_1 : i32
    "tpu.region"() ({
      %run_scoped3A = tpu.sem_alloc : memref<!tpu.dma_semaphore, #tpu.memory_space<semaphore_mem>>
      %dma_start3A = arith.constant 0 : i32
      %dma_start3A_14 = tpu.memref_slice %arg7[%mul3A_2, %dma_start3A] : memref<10112x128xf32, #tpu.memory_space<vmem_shared>> -> memref<632x128xf32, #tpu.memory_space<vmem_shared>>
      %dma_start3A_15 = arith.constant 0 : i32
      %dma_start3A_16 = tpu.memref_slice %arg5[%mul3A_0, %dma_start3A_15] : memref<10112x128xf32, #tpu.memory_space<hbm>> -> memref<632x128xf32, #tpu.memory_space<hbm>>
      tpu.enqueue_dma source(%dma_start3A_16 : memref<632x128xf32, #tpu.memory_space<hbm>>) target(%dma_start3A_14 : memref<632x128xf32, #tpu.memory_space<vmem_shared>>) target_semaphore(%run_scoped3A : memref<!tpu.dma_semaphore, #tpu.memory_space<semaphore_mem>>)
      %dma_wait3A = arith.constant 0 : i32
      %dma_wait3A_17 = tpu.memref_slice %arg7[%mul3A_2, %dma_wait3A] : memref<10112x128xf32, #tpu.memory_space<vmem_shared>> -> memref<632x128xf32, #tpu.memory_space<vmem_shared>>
      %dma_wait3A_18 = arith.constant 0 : i32
      %dma_wait3A_19 = tpu.memref_slice %arg5[%mul3A_0, %dma_wait3A_18] : memref<10112x128xf32, #tpu.memory_space<hbm>> -> memref<632x128xf32, #tpu.memory_space<hbm>>
      tpu.wait_dma2 semaphore(%run_scoped3A : memref<!tpu.dma_semaphore, #tpu.memory_space<semaphore_mem>>) src(%dma_wait3A_19 : memref<632x128xf32, #tpu.memory_space<hbm>>) dst(%dma_wait3A_17 : memref<632x128xf32, #tpu.memory_space<vmem_shared>>)
      tpu.yield
    }) : () -> ()
    %barrier3A = arith.constant 0 : index
    tpu.barrier barrier_id(%barrier3A)
    %eq3A = arith.constant 1 : i32
    %eq3A_3 = arith.cmpi eq, %arg0, %eq3A : i32
    %convert_element_type3A = arith.extui %eq3A_3 : i1 to i32
    %cond3A = arith.constant 0 : i32
    %cond3A_4 = arith.cmpi ne, %convert_element_type3A, %cond3A : i32
    scf.if %cond3A_4 {
      %mul3A_14 = arith.constant 2 : i32
      %mul3A_15 = arith.muli %arg1, %mul3A_14 : i32
      %add3A = arith.constant 0 : i32
      %add3A_16 = arith.addi %mul3A_15, %add3A : i32
      "tpu.region"() ({
        %run_scoped3A = tpu.sem_alloc : memref<!tpu.dma_semaphore, #tpu.memory_space<semaphore_mem>>
        %dma_start3A_45 = arith.constant 0 : i32
        %dma_start3A_46 = arith.constant 0 : i32
        %dma_start3A_47 = tpu.memref_slice %arg3[%add3A_16, %dma_start3A_45, %dma_start3A_46] : memref<128x20x128xi32, #tpu.memory_space<hbm>> -> memref<1x20x128xi32, #tpu.memory_space<hbm>>
        %dma_start3A_48 = tpu.memref_squeeze %dma_start3A_47 : memref<1x20x128xi32, #tpu.memory_space<hbm>> -> memref<20x128xi32, #tpu.memory_space<hbm>>
        %dma_start3A_49 = arith.constant 0 : i32
        %dma_start3A_50 = arith.constant 0 : i32
        %dma_start3A_51 = tpu.memref_slice %arg3[%add3A_16, %dma_start3A_49, %dma_start3A_50] : memref<128x20x128xi32, #tpu.memory_space<hbm>> -> memref<1x20x128xi32, #tpu.memory_space<hbm>>
        %dma_start3A_52 = tpu.memref_squeeze %dma_start3A_51 : memref<1x20x128xi32, #tpu.memory_space<hbm>> -> memref<20x128xi32, #tpu.memory_space<hbm>>
        tpu.enqueue_dma source(%dma_start3A_52 : memref<20x128xi32, #tpu.memory_space<hbm>>) target(%arg8 : memref<20x128xi32, #tpu.memory_space<vmem>>) target_semaphore(%run_scoped3A : memref<!tpu.dma_semaphore, #tpu.memory_space<semaphore_mem>>)
        %dma_wait3A = arith.constant 0 : i32
        %dma_wait3A_53 = arith.constant 0 : i32
        %dma_wait3A_54 = tpu.memref_slice %arg3[%add3A_16, %dma_wait3A, %dma_wait3A_53] : memref<128x20x128xi32, #tpu.memory_space<hbm>> -> memref<1x20x128xi32, #tpu.memory_space<hbm>>
        %dma_wait3A_55 = tpu.memref_squeeze %dma_wait3A_54 : memref<1x20x128xi32, #tpu.memory_space<hbm>> -> memref<20x128xi32, #tpu.memory_space<hbm>>
        %dma_wait3A_56 = arith.constant 0 : i32
        %dma_wait3A_57 = arith.constant 0 : i32
        %dma_wait3A_58 = tpu.memref_slice %arg3[%add3A_16, %dma_wait3A_56, %dma_wait3A_57] : memref<128x20x128xi32, #tpu.memory_space<hbm>> -> memref<1x20x128xi32, #tpu.memory_space<hbm>>
        %dma_wait3A_59 = tpu.memref_squeeze %dma_wait3A_58 : memref<1x20x128xi32, #tpu.memory_space<hbm>> -> memref<20x128xi32, #tpu.memory_space<hbm>>
        tpu.wait_dma2 semaphore(%run_scoped3A : memref<!tpu.dma_semaphore, #tpu.memory_space<semaphore_mem>>) src(%dma_wait3A_59 : memref<20x128xi32, #tpu.memory_space<hbm>>) dst(%arg8 : memref<20x128xi32, #tpu.memory_space<vmem>>)
        tpu.yield
      }) : () -> ()
      "tpu.region"() ({
        %run_scoped3A = tpu.sem_alloc : memref<!tpu.dma_semaphore, #tpu.memory_space<semaphore_mem>>
        %dma_start3A_45 = arith.constant 0 : i32
        %dma_start3A_46 = arith.constant 0 : i32
        %dma_start3A_47 = tpu.memref_slice %arg4[%add3A_16, %dma_start3A_45, %dma_start3A_46] : memref<128x20x128xi32, #tpu.memory_space<hbm>> -> memref<1x20x128xi32, #tpu.memory_space<hbm>>
        %dma_start3A_48 = tpu.memref_squeeze %dma_start3A_47 : memref<1x20x128xi32, #tpu.memory_space<hbm>> -> memref<20x128xi32, #tpu.memory_space<hbm>>
        %dma_start3A_49 = arith.constant 0 : i32
        %dma_start3A_50 = arith.constant 0 : i32
        %dma_start3A_51 = tpu.memref_slice %arg4[%add3A_16, %dma_start3A_49, %dma_start3A_50] : memref<128x20x128xi32, #tpu.memory_space<hbm>> -> memref<1x20x128xi32, #tpu.memory_space<hbm>>
        %dma_start3A_52 = tpu.memref_squeeze %dma_start3A_51 : memref<1x20x128xi32, #tpu.memory_space<hbm>> -> memref<20x128xi32, #tpu.memory_space<hbm>>
        tpu.enqueue_dma source(%dma_start3A_52 : memref<20x128xi32, #tpu.memory_space<hbm>>) target(%arg9 : memref<20x128xi32, #tpu.memory_space<vmem>>) target_semaphore(%run_scoped3A : memref<!tpu.dma_semaphore, #tpu.memory_space<semaphore_mem>>)
        %dma_wait3A = arith.constant 0 : i32
        %dma_wait3A_53 = arith.constant 0 : i32
        %dma_wait3A_54 = tpu.memref_slice %arg4[%add3A_16, %dma_wait3A, %dma_wait3A_53] : memref<128x20x128xi32, #tpu.memory_space<hbm>> -> memref<1x20x128xi32, #tpu.memory_space<hbm>>
        %dma_wait3A_55 = tpu.memref_squeeze %dma_wait3A_54 : memref<1x20x128xi32, #tpu.memory_space<hbm>> -> memref<20x128xi32, #tpu.memory_space<hbm>>
        %dma_wait3A_56 = arith.constant 0 : i32
        %dma_wait3A_57 = arith.constant 0 : i32
        %dma_wait3A_58 = tpu.memref_slice %arg4[%add3A_16, %dma_wait3A_56, %dma_wait3A_57] : memref<128x20x128xi32, #tpu.memory_space<hbm>> -> memref<1x20x128xi32, #tpu.memory_space<hbm>>
        %dma_wait3A_59 = tpu.memref_squeeze %dma_wait3A_58 : memref<1x20x128xi32, #tpu.memory_space<hbm>> -> memref<20x128xi32, #tpu.memory_space<hbm>>
        tpu.wait_dma2 semaphore(%run_scoped3A : memref<!tpu.dma_semaphore, #tpu.memory_space<semaphore_mem>>) src(%dma_wait3A_59 : memref<20x128xi32, #tpu.memory_space<hbm>>) dst(%arg9 : memref<20x128xi32, #tpu.memory_space<vmem>>)
        tpu.yield
      }) : () -> ()
      %dma_start3A = arith.constant 0 : i32
      %dma_start3A_17 = arith.constant 0 : i32
      %dma_start3A_18 = tpu.memref_slice %arg8[%dma_start3A, %dma_start3A_17] : memref<20x128xi32, #tpu.memory_space<vmem>> -> memref<1x128xi32, #tpu.memory_space<vmem>>
      %dma_start3A_19 = tpu.memref_squeeze %dma_start3A_18 : memref<1x128xi32, #tpu.memory_space<vmem>> -> memref<128xi32, #tpu.memory_space<vmem>>
      %dma_start3A_20 = arith.constant 0 : i32
      %dma_start3A_21 = arith.constant 0 : i32
      %dma_start3A_22 = tpu.memref_slice %arg2[%dma_start3A_20, %dma_start3A_21] : memref<10008x128xf32, #tpu.memory_space<hbm>> -> memref<10008x128xf32, #tpu.memory_space<hbm>>
      tpu.enqueue_indirect_dma source(%dma_start3A_22 : memref<10008x128xf32, #tpu.memory_space<hbm>>) target(%arg10 : memref<128x128xf32, #tpu.memory_space<vmem>>) offsets(%dma_start3A_19 : memref<128xi32, #tpu.memory_space<vmem>>) semaphore(%arg12 : memref<!tpu.dma_semaphore, #tpu.memory_space<semaphore_mem>>)
      %scan3A = arith.constant 0 : i32
      %scan3A_23 = arith.constant 0 : i32
      %scan3A_24 = arith.constant 10 : i32
      %scan3A_25 = arith.addi %scan3A_23, %scan3A_24 : i32
      %scan3A_26 = arith.constant 1 : i32
      scf.for %scan3A_45 = %scan3A_23 to %scan3A_25 step %scan3A_26  : i32 {
        %mul3A_46 = arith.constant 2 : i32
        %mul3A_47 = arith.muli %mul3A_46, %scan3A_45 : i32
        %add3A_48 = arith.constant 1 : i32
        %add3A_49 = arith.addi %mul3A_47, %add3A_48 : i32
        %dma_start3A_50 = arith.constant 0 : i32
        %dma_start3A_51 = tpu.memref_slice %arg8[%add3A_49, %dma_start3A_50] : memref<20x128xi32, #tpu.memory_space<vmem>> -> memref<1x128xi32, #tpu.memory_space<vmem>>
        %dma_start3A_52 = tpu.memref_squeeze %dma_start3A_51 : memref<1x128xi32, #tpu.memory_space<vmem>> -> memref<128xi32, #tpu.memory_space<vmem>>
        %dma_start3A_53 = arith.constant 0 : i32
        %dma_start3A_54 = arith.constant 0 : i32
        %dma_start3A_55 = tpu.memref_slice %arg2[%dma_start3A_53, %dma_start3A_54] : memref<10008x128xf32, #tpu.memory_space<hbm>> -> memref<10008x128xf32, #tpu.memory_space<hbm>>
        tpu.enqueue_indirect_dma source(%dma_start3A_55 : memref<10008x128xf32, #tpu.memory_space<hbm>>) target(%arg11 : memref<128x128xf32, #tpu.memory_space<vmem>>) offsets(%dma_start3A_52 : memref<128xi32, #tpu.memory_space<vmem>>) semaphore(%arg13 : memref<!tpu.dma_semaphore, #tpu.memory_space<semaphore_mem>>)
        %dma_wait3A = arith.constant 0 : i32
        %dma_wait3A_56 = tpu.memref_slice %arg8[%mul3A_47, %dma_wait3A] : memref<20x128xi32, #tpu.memory_space<vmem>> -> memref<1x128xi32, #tpu.memory_space<vmem>>
        %dma_wait3A_57 = tpu.memref_squeeze %dma_wait3A_56 : memref<1x128xi32, #tpu.memory_space<vmem>> -> memref<128xi32, #tpu.memory_space<vmem>>
        %dma_wait3A_58 = arith.constant 0 : i32
        %dma_wait3A_59 = arith.constant 0 : i32
        %dma_wait3A_60 = tpu.memref_slice %arg2[%dma_wait3A_58, %dma_wait3A_59] : memref<10008x128xf32, #tpu.memory_space<hbm>> -> memref<10008x128xf32, #tpu.memory_space<hbm>>
        tpu.wait_indirect_dma semaphore(%arg12 : memref<!tpu.dma_semaphore, #tpu.memory_space<semaphore_mem>>) src(%dma_wait3A_60 : memref<10008x128xf32, #tpu.memory_space<hbm>>) dst(%arg10 : memref<128x128xf32, #tpu.memory_space<vmem>>)
        "tpu.region"() ({
          %run_scoped3A = tpu.sem_alloc : memref<!tpu.dma_semaphore, #tpu.memory_space<semaphore_mem>>
          %dma_start3A_75 = arith.constant 0 : i32
          %dma_start3A_76 = tpu.memref_slice %arg9[%mul3A_47, %dma_start3A_75] : memref<20x128xi32, #tpu.memory_space<vmem>> -> memref<1x128xi32, #tpu.memory_space<vmem>>
          %dma_start3A_77 = tpu.memref_squeeze %dma_start3A_76 : memref<1x128xi32, #tpu.memory_space<vmem>> -> memref<128xi32, #tpu.memory_space<vmem>>
          %dma_start3A_78 = arith.constant 0 : i32
          %dma_start3A_79 = arith.constant 0 : i32
          %dma_start3A_80 = tpu.memref_slice %arg7[%dma_start3A_78, %dma_start3A_79] : memref<10112x128xf32, #tpu.memory_space<vmem_shared>> -> memref<10112x128xf32, #tpu.memory_space<vmem_shared>>
          tpu.enqueue_indirect_dma source(%arg10 : memref<128x128xf32, #tpu.memory_space<vmem>>) target(%dma_start3A_80 : memref<10112x128xf32, #tpu.memory_space<vmem_shared>>) offsets(%dma_start3A_77 : memref<128xi32, #tpu.memory_space<vmem>>) semaphore(%run_scoped3A : memref<!tpu.dma_semaphore, #tpu.memory_space<semaphore_mem>>) {add = true}
          %dma_wait3A_81 = arith.constant 0 : i32
          %dma_wait3A_82 = tpu.memref_slice %arg9[%mul3A_47, %dma_wait3A_81] : memref<20x128xi32, #tpu.memory_space<vmem>> -> memref<1x128xi32, #tpu.memory_space<vmem>>
          %dma_wait3A_83 = tpu.memref_squeeze %dma_wait3A_82 : memref<1x128xi32, #tpu.memory_space<vmem>> -> memref<128xi32, #tpu.memory_space<vmem>>
          %dma_wait3A_84 = arith.constant 0 : i32
          %dma_wait3A_85 = arith.constant 0 : i32
          %dma_wait3A_86 = tpu.memref_slice %arg7[%dma_wait3A_84, %dma_wait3A_85] : memref<10112x128xf32, #tpu.memory_space<vmem_shared>> -> memref<10112x128xf32, #tpu.memory_space<vmem_shared>>
          tpu.wait_indirect_dma semaphore(%run_scoped3A : memref<!tpu.dma_semaphore, #tpu.memory_space<semaphore_mem>>) src(%arg10 : memref<128x128xf32, #tpu.memory_space<vmem>>) dst(%dma_wait3A_86 : memref<10112x128xf32, #tpu.memory_space<vmem_shared>>)
          tpu.yield
        }) : () -> ()
        %lt3A = arith.constant 9 : i32
        %lt3A_61 = arith.cmpi slt, %scan3A_45, %lt3A : i32
        %convert_element_type3A_62 = arith.extui %lt3A_61 : i1 to i32
        %cond3A_63 = arith.constant 0 : i32
        %cond3A_64 = arith.cmpi ne, %convert_element_type3A_62, %cond3A_63 : i32
        scf.if %cond3A_64 {
          %add3A_75 = arith.constant 2 : i32
          %add3A_76 = arith.addi %mul3A_47, %add3A_75 : i32
          %dma_start3A_77 = arith.constant 0 : i32
          %dma_start3A_78 = tpu.memref_slice %arg8[%add3A_76, %dma_start3A_77] : memref<20x128xi32, #tpu.memory_space<vmem>> -> memref<1x128xi32, #tpu.memory_space<vmem>>
          %dma_start3A_79 = tpu.memref_squeeze %dma_start3A_78 : memref<1x128xi32, #tpu.memory_space<vmem>> -> memref<128xi32, #tpu.memory_space<vmem>>
          %dma_start3A_80 = arith.constant 0 : i32
          %dma_start3A_81 = arith.constant 0 : i32
          %dma_start3A_82 = tpu.memref_slice %arg2[%dma_start3A_80, %dma_start3A_81] : memref<10008x128xf32, #tpu.memory_space<hbm>> -> memref<10008x128xf32, #tpu.memory_space<hbm>>
          tpu.enqueue_indirect_dma source(%dma_start3A_82 : memref<10008x128xf32, #tpu.memory_space<hbm>>) target(%arg10 : memref<128x128xf32, #tpu.memory_space<vmem>>) offsets(%dma_start3A_79 : memref<128xi32, #tpu.memory_space<vmem>>) semaphore(%arg12 : memref<!tpu.dma_semaphore, #tpu.memory_space<semaphore_mem>>)
        } else {
        }
        %add3A_65 = arith.constant 1 : i32
        %add3A_66 = arith.addi %mul3A_47, %add3A_65 : i32
        %dma_wait3A_67 = arith.constant 0 : i32
        %dma_wait3A_68 = tpu.memref_slice %arg8[%add3A_66, %dma_wait3A_67] : memref<20x128xi32, #tpu.memory_space<vmem>> -> memref<1x128xi32, #tpu.memory_space<vmem>>
        %dma_wait3A_69 = tpu.memref_squeeze %dma_wait3A_68 : memref<1x128xi32, #tpu.memory_space<vmem>> -> memref<128xi32, #tpu.memory_space<vmem>>
        %dma_wait3A_70 = arith.constant 0 : i32
        %dma_wait3A_71 = arith.constant 0 : i32
        %dma_wait3A_72 = tpu.memref_slice %arg2[%dma_wait3A_70, %dma_wait3A_71] : memref<10008x128xf32, #tpu.memory_space<hbm>> -> memref<10008x128xf32, #tpu.memory_space<hbm>>
        tpu.wait_indirect_dma semaphore(%arg13 : memref<!tpu.dma_semaphore, #tpu.memory_space<semaphore_mem>>) src(%dma_wait3A_72 : memref<10008x128xf32, #tpu.memory_space<hbm>>) dst(%arg11 : memref<128x128xf32, #tpu.memory_space<vmem>>)
        %add3A_73 = arith.constant 1 : i32
        %add3A_74 = arith.addi %mul3A_47, %add3A_73 : i32
        "tpu.region"() ({
          %run_scoped3A = tpu.sem_alloc : memref<!tpu.dma_semaphore, #tpu.memory_space<semaphore_mem>>
          %dma_start3A_75 = arith.constant 0 : i32
          %dma_start3A_76 = tpu.memref_slice %arg9[%add3A_74, %dma_start3A_75] : memref<20x128xi32, #tpu.memory_space<vmem>> -> memref<1x128xi32, #tpu.memory_space<vmem>>
          %dma_start3A_77 = tpu.memref_squeeze %dma_start3A_76 : memref<1x128xi32, #tpu.memory_space<vmem>> -> memref<128xi32, #tpu.memory_space<vmem>>
          %dma_start3A_78 = arith.constant 0 : i32
          %dma_start3A_79 = arith.constant 0 : i32
          %dma_start3A_80 = tpu.memref_slice %arg7[%dma_start3A_78, %dma_start3A_79] : memref<10112x128xf32, #tpu.memory_space<vmem_shared>> -> memref<10112x128xf32, #tpu.memory_space<vmem_shared>>
          tpu.enqueue_indirect_dma source(%arg11 : memref<128x128xf32, #tpu.memory_space<vmem>>) target(%dma_start3A_80 : memref<10112x128xf32, #tpu.memory_space<vmem_shared>>) offsets(%dma_start3A_77 : memref<128xi32, #tpu.memory_space<vmem>>) semaphore(%run_scoped3A : memref<!tpu.dma_semaphore, #tpu.memory_space<semaphore_mem>>) {add = true}
          %dma_wait3A_81 = arith.constant 0 : i32
          %dma_wait3A_82 = tpu.memref_slice %arg9[%add3A_74, %dma_wait3A_81] : memref<20x128xi32, #tpu.memory_space<vmem>> -> memref<1x128xi32, #tpu.memory_space<vmem>>
          %dma_wait3A_83 = tpu.memref_squeeze %dma_wait3A_82 : memref<1x128xi32, #tpu.memory_space<vmem>> -> memref<128xi32, #tpu.memory_space<vmem>>
          %dma_wait3A_84 = arith.constant 0 : i32
          %dma_wait3A_85 = arith.constant 0 : i32
          %dma_wait3A_86 = tpu.memref_slice %arg7[%dma_wait3A_84, %dma_wait3A_85] : memref<10112x128xf32, #tpu.memory_space<vmem_shared>> -> memref<10112x128xf32, #tpu.memory_space<vmem_shared>>
          tpu.wait_indirect_dma semaphore(%run_scoped3A : memref<!tpu.dma_semaphore, #tpu.memory_space<semaphore_mem>>) src(%arg11 : memref<128x128xf32, #tpu.memory_space<vmem>>) dst(%dma_wait3A_86 : memref<10112x128xf32, #tpu.memory_space<vmem_shared>>)
          tpu.yield
        }) : () -> ()
      }
      %scan3A_27 = arith.constant 10 : i32
      %mul3A_28 = arith.constant 2 : i32
      %mul3A_29 = arith.muli %arg1, %mul3A_28 : i32
      %add3A_30 = arith.constant 1 : i32
      %add3A_31 = arith.addi %mul3A_29, %add3A_30 : i32
      "tpu.region"() ({
        %run_scoped3A = tpu.sem_alloc : memref<!tpu.dma_semaphore, #tpu.memory_space<semaphore_mem>>
        %dma_start3A_45 = arith.constant 0 : i32
        %dma_start3A_46 = arith.constant 0 : i32
        %dma_start3A_47 = tpu.memref_slice %arg3[%add3A_31, %dma_start3A_45, %dma_start3A_46] : memref<128x20x128xi32, #tpu.memory_space<hbm>> -> memref<1x20x128xi32, #tpu.memory_space<hbm>>
        %dma_start3A_48 = tpu.memref_squeeze %dma_start3A_47 : memref<1x20x128xi32, #tpu.memory_space<hbm>> -> memref<20x128xi32, #tpu.memory_space<hbm>>
        %dma_start3A_49 = arith.constant 0 : i32
        %dma_start3A_50 = arith.constant 0 : i32
        %dma_start3A_51 = tpu.memref_slice %arg3[%add3A_31, %dma_start3A_49, %dma_start3A_50] : memref<128x20x128xi32, #tpu.memory_space<hbm>> -> memref<1x20x128xi32, #tpu.memory_space<hbm>>
        %dma_start3A_52 = tpu.memref_squeeze %dma_start3A_51 : memref<1x20x128xi32, #tpu.memory_space<hbm>> -> memref<20x128xi32, #tpu.memory_space<hbm>>
        tpu.enqueue_dma source(%dma_start3A_52 : memref<20x128xi32, #tpu.memory_space<hbm>>) target(%arg8 : memref<20x128xi32, #tpu.memory_space<vmem>>) target_semaphore(%run_scoped3A : memref<!tpu.dma_semaphore, #tpu.memory_space<semaphore_mem>>)
        %dma_wait3A = arith.constant 0 : i32
        %dma_wait3A_53 = arith.constant 0 : i32
        %dma_wait3A_54 = tpu.memref_slice %arg3[%add3A_31, %dma_wait3A, %dma_wait3A_53] : memref<128x20x128xi32, #tpu.memory_space<hbm>> -> memref<1x20x128xi32, #tpu.memory_space<hbm>>
        %dma_wait3A_55 = tpu.memref_squeeze %dma_wait3A_54 : memref<1x20x128xi32, #tpu.memory_space<hbm>> -> memref<20x128xi32, #tpu.memory_space<hbm>>
        %dma_wait3A_56 = arith.constant 0 : i32
        %dma_wait3A_57 = arith.constant 0 : i32
        %dma_wait3A_58 = tpu.memref_slice %arg3[%add3A_31, %dma_wait3A_56, %dma_wait3A_57] : memref<128x20x128xi32, #tpu.memory_space<hbm>> -> memref<1x20x128xi32, #tpu.memory_space<hbm>>
        %dma_wait3A_59 = tpu.memref_squeeze %dma_wait3A_58 : memref<1x20x128xi32, #tpu.memory_space<hbm>> -> memref<20x128xi32, #tpu.memory_space<hbm>>
        tpu.wait_dma2 semaphore(%run_scoped3A : memref<!tpu.dma_semaphore, #tpu.memory_space<semaphore_mem>>) src(%dma_wait3A_59 : memref<20x128xi32, #tpu.memory_space<hbm>>) dst(%arg8 : memref<20x128xi32, #tpu.memory_space<vmem>>)
        tpu.yield
      }) : () -> ()
      "tpu.region"() ({
        %run_scoped3A = tpu.sem_alloc : memref<!tpu.dma_semaphore, #tpu.memory_space<semaphore_mem>>
        %dma_start3A_45 = arith.constant 0 : i32
        %dma_start3A_46 = arith.constant 0 : i32
        %dma_start3A_47 = tpu.memref_slice %arg4[%add3A_31, %dma_start3A_45, %dma_start3A_46] : memref<128x20x128xi32, #tpu.memory_space<hbm>> -> memref<1x20x128xi32, #tpu.memory_space<hbm>>
        %dma_start3A_48 = tpu.memref_squeeze %dma_start3A_47 : memref<1x20x128xi32, #tpu.memory_space<hbm>> -> memref<20x128xi32, #tpu.memory_space<hbm>>
        %dma_start3A_49 = arith.constant 0 : i32
        %dma_start3A_50 = arith.constant 0 : i32
        %dma_start3A_51 = tpu.memref_slice %arg4[%add3A_31, %dma_start3A_49, %dma_start3A_50] : memref<128x20x128xi32, #tpu.memory_space<hbm>> -> memref<1x20x128xi32, #tpu.memory_space<hbm>>
        %dma_start3A_52 = tpu.memref_squeeze %dma_start3A_51 : memref<1x20x128xi32, #tpu.memory_space<hbm>> -> memref<20x128xi32, #tpu.memory_space<hbm>>
        tpu.enqueue_dma source(%dma_start3A_52 : memref<20x128xi32, #tpu.memory_space<hbm>>) target(%arg9 : memref<20x128xi32, #tpu.memory_space<vmem>>) target_semaphore(%run_scoped3A : memref<!tpu.dma_semaphore, #tpu.memory_space<semaphore_mem>>)
        %dma_wait3A = arith.constant 0 : i32
        %dma_wait3A_53 = arith.constant 0 : i32
        %dma_wait3A_54 = tpu.memref_slice %arg4[%add3A_31, %dma_wait3A, %dma_wait3A_53] : memref<128x20x128xi32, #tpu.memory_space<hbm>> -> memref<1x20x128xi32, #tpu.memory_space<hbm>>
        %dma_wait3A_55 = tpu.memref_squeeze %dma_wait3A_54 : memref<1x20x128xi32, #tpu.memory_space<hbm>> -> memref<20x128xi32, #tpu.memory_space<hbm>>
        %dma_wait3A_56 = arith.constant 0 : i32
        %dma_wait3A_57 = arith.constant 0 : i32
        %dma_wait3A_58 = tpu.memref_slice %arg4[%add3A_31, %dma_wait3A_56, %dma_wait3A_57] : memref<128x20x128xi32, #tpu.memory_space<hbm>> -> memref<1x20x128xi32, #tpu.memory_space<hbm>>
        %dma_wait3A_59 = tpu.memref_squeeze %dma_wait3A_58 : memref<1x20x128xi32, #tpu.memory_space<hbm>> -> memref<20x128xi32, #tpu.memory_space<hbm>>
        tpu.wait_dma2 semaphore(%run_scoped3A : memref<!tpu.dma_semaphore, #tpu.memory_space<semaphore_mem>>) src(%dma_wait3A_59 : memref<20x128xi32, #tpu.memory_space<hbm>>) dst(%arg9 : memref<20x128xi32, #tpu.memory_space<vmem>>)
        tpu.yield
      }) : () -> ()
      %dma_start3A_32 = arith.constant 0 : i32
      %dma_start3A_33 = arith.constant 0 : i32
      %dma_start3A_34 = tpu.memref_slice %arg8[%dma_start3A_32, %dma_start3A_33] : memref<20x128xi32, #tpu.memory_space<vmem>> -> memref<1x128xi32, #tpu.memory_space<vmem>>
      %dma_start3A_35 = tpu.memref_squeeze %dma_start3A_34 : memref<1x128xi32, #tpu.memory_space<vmem>> -> memref<128xi32, #tpu.memory_space<vmem>>
      %dma_start3A_36 = arith.constant 0 : i32
      %dma_start3A_37 = arith.constant 0 : i32
      %dma_start3A_38 = tpu.memref_slice %arg2[%dma_start3A_36, %dma_start3A_37] : memref<10008x128xf32, #tpu.memory_space<hbm>> -> memref<10008x128xf32, #tpu.memory_space<hbm>>
      tpu.enqueue_indirect_dma source(%dma_start3A_38 : memref<10008x128xf32, #tpu.memory_space<hbm>>) target(%arg10 : memref<128x128xf32, #tpu.memory_space<vmem>>) offsets(%dma_start3A_35 : memref<128xi32, #tpu.memory_space<vmem>>) semaphore(%arg12 : memref<!tpu.dma_semaphore, #tpu.memory_space<semaphore_mem>>)
      %scan3A_39 = arith.constant 0 : i32
      %scan3A_40 = arith.constant 0 : i32
      %scan3A_41 = arith.constant 10 : i32
      %scan3A_42 = arith.addi %scan3A_40, %scan3A_41 : i32
      %scan3A_43 = arith.constant 1 : i32
      scf.for %scan3A_45 = %scan3A_40 to %scan3A_42 step %scan3A_43  : i32 {
        %mul3A_46 = arith.constant 2 : i32
        %mul3A_47 = arith.muli %mul3A_46, %scan3A_45 : i32
        %add3A_48 = arith.constant 1 : i32
        %add3A_49 = arith.addi %mul3A_47, %add3A_48 : i32
        %dma_start3A_50 = arith.constant 0 : i32
        %dma_start3A_51 = tpu.memref_slice %arg8[%add3A_49, %dma_start3A_50] : memref<20x128xi32, #tpu.memory_space<vmem>> -> memref<1x128xi32, #tpu.memory_space<vmem>>
        %dma_start3A_52 = tpu.memref_squeeze %dma_start3A_51 : memref<1x128xi32, #tpu.memory_space<vmem>> -> memref<128xi32, #tpu.memory_space<vmem>>
        %dma_start3A_53 = arith.constant 0 : i32
        %dma_start3A_54 = arith.constant 0 : i32
        %dma_start3A_55 = tpu.memref_slice %arg2[%dma_start3A_53, %dma_start3A_54] : memref<10008x128xf32, #tpu.memory_space<hbm>> -> memref<10008x128xf32, #tpu.memory_space<hbm>>
        tpu.enqueue_indirect_dma source(%dma_start3A_55 : memref<10008x128xf32, #tpu.memory_space<hbm>>) target(%arg11 : memref<128x128xf32, #tpu.memory_space<vmem>>) offsets(%dma_start3A_52 : memref<128xi32, #tpu.memory_space<vmem>>) semaphore(%arg13 : memref<!tpu.dma_semaphore, #tpu.memory_space<semaphore_mem>>)
        %dma_wait3A = arith.constant 0 : i32
        %dma_wait3A_56 = tpu.memref_slice %arg8[%mul3A_47, %dma_wait3A] : memref<20x128xi32, #tpu.memory_space<vmem>> -> memref<1x128xi32, #tpu.memory_space<vmem>>
        %dma_wait3A_57 = tpu.memref_squeeze %dma_wait3A_56 : memref<1x128xi32, #tpu.memory_space<vmem>> -> memref<128xi32, #tpu.memory_space<vmem>>
        %dma_wait3A_58 = arith.constant 0 : i32
        %dma_wait3A_59 = arith.constant 0 : i32
        %dma_wait3A_60 = tpu.memref_slice %arg2[%dma_wait3A_58, %dma_wait3A_59] : memref<10008x128xf32, #tpu.memory_space<hbm>> -> memref<10008x128xf32, #tpu.memory_space<hbm>>
        tpu.wait_indirect_dma semaphore(%arg12 : memref<!tpu.dma_semaphore, #tpu.memory_space<semaphore_mem>>) src(%dma_wait3A_60 : memref<10008x128xf32, #tpu.memory_space<hbm>>) dst(%arg10 : memref<128x128xf32, #tpu.memory_space<vmem>>)
        "tpu.region"() ({
          %run_scoped3A = tpu.sem_alloc : memref<!tpu.dma_semaphore, #tpu.memory_space<semaphore_mem>>
          %dma_start3A_75 = arith.constant 0 : i32
          %dma_start3A_76 = tpu.memref_slice %arg9[%mul3A_47, %dma_start3A_75] : memref<20x128xi32, #tpu.memory_space<vmem>> -> memref<1x128xi32, #tpu.memory_space<vmem>>
          %dma_start3A_77 = tpu.memref_squeeze %dma_start3A_76 : memref<1x128xi32, #tpu.memory_space<vmem>> -> memref<128xi32, #tpu.memory_space<vmem>>
          %dma_start3A_78 = arith.constant 0 : i32
          %dma_start3A_79 = arith.constant 0 : i32
          %dma_start3A_80 = tpu.memref_slice %arg7[%dma_start3A_78, %dma_start3A_79] : memref<10112x128xf32, #tpu.memory_space<vmem_shared>> -> memref<10112x128xf32, #tpu.memory_space<vmem_shared>>
          tpu.enqueue_indirect_dma source(%arg10 : memref<128x128xf32, #tpu.memory_space<vmem>>) target(%dma_start3A_80 : memref<10112x128xf32, #tpu.memory_space<vmem_shared>>) offsets(%dma_start3A_77 : memref<128xi32, #tpu.memory_space<vmem>>) semaphore(%run_scoped3A : memref<!tpu.dma_semaphore, #tpu.memory_space<semaphore_mem>>) {add = true}
          %dma_wait3A_81 = arith.constant 0 : i32
          %dma_wait3A_82 = tpu.memref_slice %arg9[%mul3A_47, %dma_wait3A_81] : memref<20x128xi32, #tpu.memory_space<vmem>> -> memref<1x128xi32, #tpu.memory_space<vmem>>
          %dma_wait3A_83 = tpu.memref_squeeze %dma_wait3A_82 : memref<1x128xi32, #tpu.memory_space<vmem>> -> memref<128xi32, #tpu.memory_space<vmem>>
          %dma_wait3A_84 = arith.constant 0 : i32
          %dma_wait3A_85 = arith.constant 0 : i32
          %dma_wait3A_86 = tpu.memref_slice %arg7[%dma_wait3A_84, %dma_wait3A_85] : memref<10112x128xf32, #tpu.memory_space<vmem_shared>> -> memref<10112x128xf32, #tpu.memory_space<vmem_shared>>
          tpu.wait_indirect_dma semaphore(%run_scoped3A : memref<!tpu.dma_semaphore, #tpu.memory_space<semaphore_mem>>) src(%arg10 : memref<128x128xf32, #tpu.memory_space<vmem>>) dst(%dma_wait3A_86 : memref<10112x128xf32, #tpu.memory_space<vmem_shared>>)
          tpu.yield
        }) : () -> ()
        %lt3A = arith.constant 9 : i32
        %lt3A_61 = arith.cmpi slt, %scan3A_45, %lt3A : i32
        %convert_element_type3A_62 = arith.extui %lt3A_61 : i1 to i32
        %cond3A_63 = arith.constant 0 : i32
        %cond3A_64 = arith.cmpi ne, %convert_element_type3A_62, %cond3A_63 : i32
        scf.if %cond3A_64 {
          %add3A_75 = arith.constant 2 : i32
          %add3A_76 = arith.addi %mul3A_47, %add3A_75 : i32
          %dma_start3A_77 = arith.constant 0 : i32
          %dma_start3A_78 = tpu.memref_slice %arg8[%add3A_76, %dma_start3A_77] : memref<20x128xi32, #tpu.memory_space<vmem>> -> memref<1x128xi32, #tpu.memory_space<vmem>>
          %dma_start3A_79 = tpu.memref_squeeze %dma_start3A_78 : memref<1x128xi32, #tpu.memory_space<vmem>> -> memref<128xi32, #tpu.memory_space<vmem>>
          %dma_start3A_80 = arith.constant 0 : i32
          %dma_start3A_81 = arith.constant 0 : i32
          %dma_start3A_82 = tpu.memref_slice %arg2[%dma_start3A_80, %dma_start3A_81] : memref<10008x128xf32, #tpu.memory_space<hbm>> -> memref<10008x128xf32, #tpu.memory_space<hbm>>
          tpu.enqueue_indirect_dma source(%dma_start3A_82 : memref<10008x128xf32, #tpu.memory_space<hbm>>) target(%arg10 : memref<128x128xf32, #tpu.memory_space<vmem>>) offsets(%dma_start3A_79 : memref<128xi32, #tpu.memory_space<vmem>>) semaphore(%arg12 : memref<!tpu.dma_semaphore, #tpu.memory_space<semaphore_mem>>)
        } else {
        }
        %add3A_65 = arith.constant 1 : i32
        %add3A_66 = arith.addi %mul3A_47, %add3A_65 : i32
        %dma_wait3A_67 = arith.constant 0 : i32
        %dma_wait3A_68 = tpu.memref_slice %arg8[%add3A_66, %dma_wait3A_67] : memref<20x128xi32, #tpu.memory_space<vmem>> -> memref<1x128xi32, #tpu.memory_space<vmem>>
        %dma_wait3A_69 = tpu.memref_squeeze %dma_wait3A_68 : memref<1x128xi32, #tpu.memory_space<vmem>> -> memref<128xi32, #tpu.memory_space<vmem>>
        %dma_wait3A_70 = arith.constant 0 : i32
        %dma_wait3A_71 = arith.constant 0 : i32
        %dma_wait3A_72 = tpu.memref_slice %arg2[%dma_wait3A_70, %dma_wait3A_71] : memref<10008x128xf32, #tpu.memory_space<hbm>> -> memref<10008x128xf32, #tpu.memory_space<hbm>>
        tpu.wait_indirect_dma semaphore(%arg13 : memref<!tpu.dma_semaphore, #tpu.memory_space<semaphore_mem>>) src(%dma_wait3A_72 : memref<10008x128xf32, #tpu.memory_space<hbm>>) dst(%arg11 : memref<128x128xf32, #tpu.memory_space<vmem>>)
        %add3A_73 = arith.constant 1 : i32
        %add3A_74 = arith.addi %mul3A_47, %add3A_73 : i32
        "tpu.region"() ({
          %run_scoped3A = tpu.sem_alloc : memref<!tpu.dma_semaphore, #tpu.memory_space<semaphore_mem>>
          %dma_start3A_75 = arith.constant 0 : i32
          %dma_start3A_76 = tpu.memref_slice %arg9[%add3A_74, %dma_start3A_75] : memref<20x128xi32, #tpu.memory_space<vmem>> -> memref<1x128xi32, #tpu.memory_space<vmem>>
          %dma_start3A_77 = tpu.memref_squeeze %dma_start3A_76 : memref<1x128xi32, #tpu.memory_space<vmem>> -> memref<128xi32, #tpu.memory_space<vmem>>
          %dma_start3A_78 = arith.constant 0 : i32
          %dma_start3A_79 = arith.constant 0 : i32
          %dma_start3A_80 = tpu.memref_slice %arg7[%dma_start3A_78, %dma_start3A_79] : memref<10112x128xf32, #tpu.memory_space<vmem_shared>> -> memref<10112x128xf32, #tpu.memory_space<vmem_shared>>
          tpu.enqueue_indirect_dma source(%arg11 : memref<128x128xf32, #tpu.memory_space<vmem>>) target(%dma_start3A_80 : memref<10112x128xf32, #tpu.memory_space<vmem_shared>>) offsets(%dma_start3A_77 : memref<128xi32, #tpu.memory_space<vmem>>) semaphore(%run_scoped3A : memref<!tpu.dma_semaphore, #tpu.memory_space<semaphore_mem>>) {add = true}
          %dma_wait3A_81 = arith.constant 0 : i32
          %dma_wait3A_82 = tpu.memref_slice %arg9[%add3A_74, %dma_wait3A_81] : memref<20x128xi32, #tpu.memory_space<vmem>> -> memref<1x128xi32, #tpu.memory_space<vmem>>
          %dma_wait3A_83 = tpu.memref_squeeze %dma_wait3A_82 : memref<1x128xi32, #tpu.memory_space<vmem>> -> memref<128xi32, #tpu.memory_space<vmem>>
          %dma_wait3A_84 = arith.constant 0 : i32
          %dma_wait3A_85 = arith.constant 0 : i32
          %dma_wait3A_86 = tpu.memref_slice %arg7[%dma_wait3A_84, %dma_wait3A_85] : memref<10112x128xf32, #tpu.memory_space<vmem_shared>> -> memref<10112x128xf32, #tpu.memory_space<vmem_shared>>
          tpu.wait_indirect_dma semaphore(%run_scoped3A : memref<!tpu.dma_semaphore, #tpu.memory_space<semaphore_mem>>) src(%arg11 : memref<128x128xf32, #tpu.memory_space<vmem>>) dst(%dma_wait3A_86 : memref<10112x128xf32, #tpu.memory_space<vmem_shared>>)
          tpu.yield
        }) : () -> ()
      }
      %scan3A_44 = arith.constant 10 : i32
    } else {
    }
    %ne3A = arith.constant 1 : i32
    %ne3A_5 = arith.cmpi ne, %arg0, %ne3A : i32
    %convert_element_type3A_6 = arith.extui %ne3A_5 : i1 to i32
    %cond3A_7 = arith.constant 0 : i32
    %cond3A_8 = arith.cmpi ne, %convert_element_type3A_6, %cond3A_7 : i32
    scf.if %cond3A_8 {
      %mul3A_14 = arith.constant 6 : i32
      %mul3A_15 = arith.muli %arg1, %mul3A_14 : i32
      %add3A = arith.constant 32 : i32
      %add3A_16 = arith.addi %add3A, %mul3A_15 : i32
      %add3A_17 = arith.constant 0 : i32
      %add3A_18 = arith.addi %add3A_16, %add3A_17 : i32
      "tpu.region"() ({
        %run_scoped3A = tpu.sem_alloc : memref<!tpu.dma_semaphore, #tpu.memory_space<semaphore_mem>>
        %dma_start3A_125 = arith.constant 0 : i32
        %dma_start3A_126 = arith.constant 0 : i32
        %dma_start3A_127 = tpu.memref_slice %arg3[%add3A_18, %dma_start3A_125, %dma_start3A_126] : memref<128x20x128xi32, #tpu.memory_space<hbm>> -> memref<1x20x128xi32, #tpu.memory_space<hbm>>
        %dma_start3A_128 = tpu.memref_squeeze %dma_start3A_127 : memref<1x20x128xi32, #tpu.memory_space<hbm>> -> memref<20x128xi32, #tpu.memory_space<hbm>>
        %dma_start3A_129 = arith.constant 0 : i32
        %dma_start3A_130 = arith.constant 0 : i32
        %dma_start3A_131 = tpu.memref_slice %arg3[%add3A_18, %dma_start3A_129, %dma_start3A_130] : memref<128x20x128xi32, #tpu.memory_space<hbm>> -> memref<1x20x128xi32, #tpu.memory_space<hbm>>
        %dma_start3A_132 = tpu.memref_squeeze %dma_start3A_131 : memref<1x20x128xi32, #tpu.memory_space<hbm>> -> memref<20x128xi32, #tpu.memory_space<hbm>>
        tpu.enqueue_dma source(%dma_start3A_132 : memref<20x128xi32, #tpu.memory_space<hbm>>) target(%arg8 : memref<20x128xi32, #tpu.memory_space<vmem>>) target_semaphore(%run_scoped3A : memref<!tpu.dma_semaphore, #tpu.memory_space<semaphore_mem>>)
        %dma_wait3A = arith.constant 0 : i32
        %dma_wait3A_133 = arith.constant 0 : i32
        %dma_wait3A_134 = tpu.memref_slice %arg3[%add3A_18, %dma_wait3A, %dma_wait3A_133] : memref<128x20x128xi32, #tpu.memory_space<hbm>> -> memref<1x20x128xi32, #tpu.memory_space<hbm>>
        %dma_wait3A_135 = tpu.memref_squeeze %dma_wait3A_134 : memref<1x20x128xi32, #tpu.memory_space<hbm>> -> memref<20x128xi32, #tpu.memory_space<hbm>>
        %dma_wait3A_136 = arith.constant 0 : i32
        %dma_wait3A_137 = arith.constant 0 : i32
        %dma_wait3A_138 = tpu.memref_slice %arg3[%add3A_18, %dma_wait3A_136, %dma_wait3A_137] : memref<128x20x128xi32, #tpu.memory_space<hbm>> -> memref<1x20x128xi32, #tpu.memory_space<hbm>>
        %dma_wait3A_139 = tpu.memref_squeeze %dma_wait3A_138 : memref<1x20x128xi32, #tpu.memory_space<hbm>> -> memref<20x128xi32, #tpu.memory_space<hbm>>
        tpu.wait_dma2 semaphore(%run_scoped3A : memref<!tpu.dma_semaphore, #tpu.memory_space<semaphore_mem>>) src(%dma_wait3A_139 : memref<20x128xi32, #tpu.memory_space<hbm>>) dst(%arg8 : memref<20x128xi32, #tpu.memory_space<vmem>>)
        tpu.yield
      }) : () -> ()
      "tpu.region"() ({
        %run_scoped3A = tpu.sem_alloc : memref<!tpu.dma_semaphore, #tpu.memory_space<semaphore_mem>>
        %dma_start3A_125 = arith.constant 0 : i32
        %dma_start3A_126 = arith.constant 0 : i32
        %dma_start3A_127 = tpu.memref_slice %arg4[%add3A_18, %dma_start3A_125, %dma_start3A_126] : memref<128x20x128xi32, #tpu.memory_space<hbm>> -> memref<1x20x128xi32, #tpu.memory_space<hbm>>
        %dma_start3A_128 = tpu.memref_squeeze %dma_start3A_127 : memref<1x20x128xi32, #tpu.memory_space<hbm>> -> memref<20x128xi32, #tpu.memory_space<hbm>>
        %dma_start3A_129 = arith.constant 0 : i32
        %dma_start3A_130 = arith.constant 0 : i32
        %dma_start3A_131 = tpu.memref_slice %arg4[%add3A_18, %dma_start3A_129, %dma_start3A_130] : memref<128x20x128xi32, #tpu.memory_space<hbm>> -> memref<1x20x128xi32, #tpu.memory_space<hbm>>
        %dma_start3A_132 = tpu.memref_squeeze %dma_start3A_131 : memref<1x20x128xi32, #tpu.memory_space<hbm>> -> memref<20x128xi32, #tpu.memory_space<hbm>>
        tpu.enqueue_dma source(%dma_start3A_132 : memref<20x128xi32, #tpu.memory_space<hbm>>) target(%arg9 : memref<20x128xi32, #tpu.memory_space<vmem>>) target_semaphore(%run_scoped3A : memref<!tpu.dma_semaphore, #tpu.memory_space<semaphore_mem>>)
        %dma_wait3A = arith.constant 0 : i32
        %dma_wait3A_133 = arith.constant 0 : i32
        %dma_wait3A_134 = tpu.memref_slice %arg4[%add3A_18, %dma_wait3A, %dma_wait3A_133] : memref<128x20x128xi32, #tpu.memory_space<hbm>> -> memref<1x20x128xi32, #tpu.memory_space<hbm>>
        %dma_wait3A_135 = tpu.memref_squeeze %dma_wait3A_134 : memref<1x20x128xi32, #tpu.memory_space<hbm>> -> memref<20x128xi32, #tpu.memory_space<hbm>>
        %dma_wait3A_136 = arith.constant 0 : i32
        %dma_wait3A_137 = arith.constant 0 : i32
        %dma_wait3A_138 = tpu.memref_slice %arg4[%add3A_18, %dma_wait3A_136, %dma_wait3A_137] : memref<128x20x128xi32, #tpu.memory_space<hbm>> -> memref<1x20x128xi32, #tpu.memory_space<hbm>>
        %dma_wait3A_139 = tpu.memref_squeeze %dma_wait3A_138 : memref<1x20x128xi32, #tpu.memory_space<hbm>> -> memref<20x128xi32, #tpu.memory_space<hbm>>
        tpu.wait_dma2 semaphore(%run_scoped3A : memref<!tpu.dma_semaphore, #tpu.memory_space<semaphore_mem>>) src(%dma_wait3A_139 : memref<20x128xi32, #tpu.memory_space<hbm>>) dst(%arg9 : memref<20x128xi32, #tpu.memory_space<vmem>>)
        tpu.yield
      }) : () -> ()
      %dma_start3A = arith.constant 0 : i32
      %dma_start3A_19 = arith.constant 0 : i32
      %dma_start3A_20 = tpu.memref_slice %arg8[%dma_start3A, %dma_start3A_19] : memref<20x128xi32, #tpu.memory_space<vmem>> -> memref<1x128xi32, #tpu.memory_space<vmem>>
      %dma_start3A_21 = tpu.memref_squeeze %dma_start3A_20 : memref<1x128xi32, #tpu.memory_space<vmem>> -> memref<128xi32, #tpu.memory_space<vmem>>
      %dma_start3A_22 = arith.constant 0 : i32
      %dma_start3A_23 = arith.constant 0 : i32
      %dma_start3A_24 = tpu.memref_slice %arg2[%dma_start3A_22, %dma_start3A_23] : memref<10008x128xf32, #tpu.memory_space<hbm>> -> memref<10008x128xf32, #tpu.memory_space<hbm>>
      tpu.enqueue_indirect_dma source(%dma_start3A_24 : memref<10008x128xf32, #tpu.memory_space<hbm>>) target(%arg10 : memref<128x128xf32, #tpu.memory_space<vmem>>) offsets(%dma_start3A_21 : memref<128xi32, #tpu.memory_space<vmem>>) semaphore(%arg12 : memref<!tpu.dma_semaphore, #tpu.memory_space<semaphore_mem>>)
      %scan3A = arith.constant 0 : i32
      %scan3A_25 = arith.constant 0 : i32
      %scan3A_26 = arith.constant 10 : i32
      %scan3A_27 = arith.addi %scan3A_25, %scan3A_26 : i32
      %scan3A_28 = arith.constant 1 : i32
      scf.for %scan3A_125 = %scan3A_25 to %scan3A_27 step %scan3A_28  : i32 {
        %mul3A_126 = arith.constant 2 : i32
        %mul3A_127 = arith.muli %mul3A_126, %scan3A_125 : i32
        %add3A_128 = arith.constant 1 : i32
        %add3A_129 = arith.addi %mul3A_127, %add3A_128 : i32
        %dma_start3A_130 = arith.constant 0 : i32
        %dma_start3A_131 = tpu.memref_slice %arg8[%add3A_129, %dma_start3A_130] : memref<20x128xi32, #tpu.memory_space<vmem>> -> memref<1x128xi32, #tpu.memory_space<vmem>>
        %dma_start3A_132 = tpu.memref_squeeze %dma_start3A_131 : memref<1x128xi32, #tpu.memory_space<vmem>> -> memref<128xi32, #tpu.memory_space<vmem>>
        %dma_start3A_133 = arith.constant 0 : i32
        %dma_start3A_134 = arith.constant 0 : i32
        %dma_start3A_135 = tpu.memref_slice %arg2[%dma_start3A_133, %dma_start3A_134] : memref<10008x128xf32, #tpu.memory_space<hbm>> -> memref<10008x128xf32, #tpu.memory_space<hbm>>
        tpu.enqueue_indirect_dma source(%dma_start3A_135 : memref<10008x128xf32, #tpu.memory_space<hbm>>) target(%arg11 : memref<128x128xf32, #tpu.memory_space<vmem>>) offsets(%dma_start3A_132 : memref<128xi32, #tpu.memory_space<vmem>>) semaphore(%arg13 : memref<!tpu.dma_semaphore, #tpu.memory_space<semaphore_mem>>)
        %dma_wait3A = arith.constant 0 : i32
        %dma_wait3A_136 = tpu.memref_slice %arg8[%mul3A_127, %dma_wait3A] : memref<20x128xi32, #tpu.memory_space<vmem>> -> memref<1x128xi32, #tpu.memory_space<vmem>>
        %dma_wait3A_137 = tpu.memref_squeeze %dma_wait3A_136 : memref<1x128xi32, #tpu.memory_space<vmem>> -> memref<128xi32, #tpu.memory_space<vmem>>
        %dma_wait3A_138 = arith.constant 0 : i32
        %dma_wait3A_139 = arith.constant 0 : i32
        %dma_wait3A_140 = tpu.memref_slice %arg2[%dma_wait3A_138, %dma_wait3A_139] : memref<10008x128xf32, #tpu.memory_space<hbm>> -> memref<10008x128xf32, #tpu.memory_space<hbm>>
        tpu.wait_indirect_dma semaphore(%arg12 : memref<!tpu.dma_semaphore, #tpu.memory_space<semaphore_mem>>) src(%dma_wait3A_140 : memref<10008x128xf32, #tpu.memory_space<hbm>>) dst(%arg10 : memref<128x128xf32, #tpu.memory_space<vmem>>)
        "tpu.region"() ({
          %run_scoped3A = tpu.sem_alloc : memref<!tpu.dma_semaphore, #tpu.memory_space<semaphore_mem>>
          %dma_start3A_155 = arith.constant 0 : i32
          %dma_start3A_156 = tpu.memref_slice %arg9[%mul3A_127, %dma_start3A_155] : memref<20x128xi32, #tpu.memory_space<vmem>> -> memref<1x128xi32, #tpu.memory_space<vmem>>
          %dma_start3A_157 = tpu.memref_squeeze %dma_start3A_156 : memref<1x128xi32, #tpu.memory_space<vmem>> -> memref<128xi32, #tpu.memory_space<vmem>>
          %dma_start3A_158 = arith.constant 0 : i32
          %dma_start3A_159 = arith.constant 0 : i32
          %dma_start3A_160 = tpu.memref_slice %arg7[%dma_start3A_158, %dma_start3A_159] : memref<10112x128xf32, #tpu.memory_space<vmem_shared>> -> memref<10112x128xf32, #tpu.memory_space<vmem_shared>>
          tpu.enqueue_indirect_dma source(%arg10 : memref<128x128xf32, #tpu.memory_space<vmem>>) target(%dma_start3A_160 : memref<10112x128xf32, #tpu.memory_space<vmem_shared>>) offsets(%dma_start3A_157 : memref<128xi32, #tpu.memory_space<vmem>>) semaphore(%run_scoped3A : memref<!tpu.dma_semaphore, #tpu.memory_space<semaphore_mem>>) {add = true}
          %dma_wait3A_161 = arith.constant 0 : i32
          %dma_wait3A_162 = tpu.memref_slice %arg9[%mul3A_127, %dma_wait3A_161] : memref<20x128xi32, #tpu.memory_space<vmem>> -> memref<1x128xi32, #tpu.memory_space<vmem>>
          %dma_wait3A_163 = tpu.memref_squeeze %dma_wait3A_162 : memref<1x128xi32, #tpu.memory_space<vmem>> -> memref<128xi32, #tpu.memory_space<vmem>>
          %dma_wait3A_164 = arith.constant 0 : i32
          %dma_wait3A_165 = arith.constant 0 : i32
          %dma_wait3A_166 = tpu.memref_slice %arg7[%dma_wait3A_164, %dma_wait3A_165] : memref<10112x128xf32, #tpu.memory_space<vmem_shared>> -> memref<10112x128xf32, #tpu.memory_space<vmem_shared>>
          tpu.wait_indirect_dma semaphore(%run_scoped3A : memref<!tpu.dma_semaphore, #tpu.memory_space<semaphore_mem>>) src(%arg10 : memref<128x128xf32, #tpu.memory_space<vmem>>) dst(%dma_wait3A_166 : memref<10112x128xf32, #tpu.memory_space<vmem_shared>>)
          tpu.yield
        }) : () -> ()
        %lt3A = arith.constant 9 : i32
        %lt3A_141 = arith.cmpi slt, %scan3A_125, %lt3A : i32
        %convert_element_type3A_142 = arith.extui %lt3A_141 : i1 to i32
        %cond3A_143 = arith.constant 0 : i32
        %cond3A_144 = arith.cmpi ne, %convert_element_type3A_142, %cond3A_143 : i32
        scf.if %cond3A_144 {
          %add3A_155 = arith.constant 2 : i32
          %add3A_156 = arith.addi %mul3A_127, %add3A_155 : i32
          %dma_start3A_157 = arith.constant 0 : i32
          %dma_start3A_158 = tpu.memref_slice %arg8[%add3A_156, %dma_start3A_157] : memref<20x128xi32, #tpu.memory_space<vmem>> -> memref<1x128xi32, #tpu.memory_space<vmem>>
          %dma_start3A_159 = tpu.memref_squeeze %dma_start3A_158 : memref<1x128xi32, #tpu.memory_space<vmem>> -> memref<128xi32, #tpu.memory_space<vmem>>
          %dma_start3A_160 = arith.constant 0 : i32
          %dma_start3A_161 = arith.constant 0 : i32
          %dma_start3A_162 = tpu.memref_slice %arg2[%dma_start3A_160, %dma_start3A_161] : memref<10008x128xf32, #tpu.memory_space<hbm>> -> memref<10008x128xf32, #tpu.memory_space<hbm>>
          tpu.enqueue_indirect_dma source(%dma_start3A_162 : memref<10008x128xf32, #tpu.memory_space<hbm>>) target(%arg10 : memref<128x128xf32, #tpu.memory_space<vmem>>) offsets(%dma_start3A_159 : memref<128xi32, #tpu.memory_space<vmem>>) semaphore(%arg12 : memref<!tpu.dma_semaphore, #tpu.memory_space<semaphore_mem>>)
        } else {
        }
        %add3A_145 = arith.constant 1 : i32
        %add3A_146 = arith.addi %mul3A_127, %add3A_145 : i32
        %dma_wait3A_147 = arith.constant 0 : i32
        %dma_wait3A_148 = tpu.memref_slice %arg8[%add3A_146, %dma_wait3A_147] : memref<20x128xi32, #tpu.memory_space<vmem>> -> memref<1x128xi32, #tpu.memory_space<vmem>>
        %dma_wait3A_149 = tpu.memref_squeeze %dma_wait3A_148 : memref<1x128xi32, #tpu.memory_space<vmem>> -> memref<128xi32, #tpu.memory_space<vmem>>
        %dma_wait3A_150 = arith.constant 0 : i32
        %dma_wait3A_151 = arith.constant 0 : i32
        %dma_wait3A_152 = tpu.memref_slice %arg2[%dma_wait3A_150, %dma_wait3A_151] : memref<10008x128xf32, #tpu.memory_space<hbm>> -> memref<10008x128xf32, #tpu.memory_space<hbm>>
        tpu.wait_indirect_dma semaphore(%arg13 : memref<!tpu.dma_semaphore, #tpu.memory_space<semaphore_mem>>) src(%dma_wait3A_152 : memref<10008x128xf32, #tpu.memory_space<hbm>>) dst(%arg11 : memref<128x128xf32, #tpu.memory_space<vmem>>)
        %add3A_153 = arith.constant 1 : i32
        %add3A_154 = arith.addi %mul3A_127, %add3A_153 : i32
        "tpu.region"() ({
          %run_scoped3A = tpu.sem_alloc : memref<!tpu.dma_semaphore, #tpu.memory_space<semaphore_mem>>
          %dma_start3A_155 = arith.constant 0 : i32
          %dma_start3A_156 = tpu.memref_slice %arg9[%add3A_154, %dma_start3A_155] : memref<20x128xi32, #tpu.memory_space<vmem>> -> memref<1x128xi32, #tpu.memory_space<vmem>>
          %dma_start3A_157 = tpu.memref_squeeze %dma_start3A_156 : memref<1x128xi32, #tpu.memory_space<vmem>> -> memref<128xi32, #tpu.memory_space<vmem>>
          %dma_start3A_158 = arith.constant 0 : i32
          %dma_start3A_159 = arith.constant 0 : i32
          %dma_start3A_160 = tpu.memref_slice %arg7[%dma_start3A_158, %dma_start3A_159] : memref<10112x128xf32, #tpu.memory_space<vmem_shared>> -> memref<10112x128xf32, #tpu.memory_space<vmem_shared>>
          tpu.enqueue_indirect_dma source(%arg11 : memref<128x128xf32, #tpu.memory_space<vmem>>) target(%dma_start3A_160 : memref<10112x128xf32, #tpu.memory_space<vmem_shared>>) offsets(%dma_start3A_157 : memref<128xi32, #tpu.memory_space<vmem>>) semaphore(%run_scoped3A : memref<!tpu.dma_semaphore, #tpu.memory_space<semaphore_mem>>) {add = true}
          %dma_wait3A_161 = arith.constant 0 : i32
          %dma_wait3A_162 = tpu.memref_slice %arg9[%add3A_154, %dma_wait3A_161] : memref<20x128xi32, #tpu.memory_space<vmem>> -> memref<1x128xi32, #tpu.memory_space<vmem>>
          %dma_wait3A_163 = tpu.memref_squeeze %dma_wait3A_162 : memref<1x128xi32, #tpu.memory_space<vmem>> -> memref<128xi32, #tpu.memory_space<vmem>>
          %dma_wait3A_164 = arith.constant 0 : i32
          %dma_wait3A_165 = arith.constant 0 : i32
          %dma_wait3A_166 = tpu.memref_slice %arg7[%dma_wait3A_164, %dma_wait3A_165] : memref<10112x128xf32, #tpu.memory_space<vmem_shared>> -> memref<10112x128xf32, #tpu.memory_space<vmem_shared>>
          tpu.wait_indirect_dma semaphore(%run_scoped3A : memref<!tpu.dma_semaphore, #tpu.memory_space<semaphore_mem>>) src(%arg11 : memref<128x128xf32, #tpu.memory_space<vmem>>) dst(%dma_wait3A_166 : memref<10112x128xf32, #tpu.memory_space<vmem_shared>>)
          tpu.yield
        }) : () -> ()
      }
      %scan3A_29 = arith.constant 10 : i32
      %mul3A_30 = arith.constant 6 : i32
      %mul3A_31 = arith.muli %arg1, %mul3A_30 : i32
      %add3A_32 = arith.constant 32 : i32
      %add3A_33 = arith.addi %add3A_32, %mul3A_31 : i32
      %add3A_34 = arith.constant 1 : i32
      %add3A_35 = arith.addi %add3A_33, %add3A_34 : i32
      "tpu.region"() ({
        %run_scoped3A = tpu.sem_alloc : memref<!tpu.dma_semaphore, #tpu.memory_space<semaphore_mem>>
        %dma_start3A_125 = arith.constant 0 : i32
        %dma_start3A_126 = arith.constant 0 : i32
        %dma_start3A_127 = tpu.memref_slice %arg3[%add3A_35, %dma_start3A_125, %dma_start3A_126] : memref<128x20x128xi32, #tpu.memory_space<hbm>> -> memref<1x20x128xi32, #tpu.memory_space<hbm>>
        %dma_start3A_128 = tpu.memref_squeeze %dma_start3A_127 : memref<1x20x128xi32, #tpu.memory_space<hbm>> -> memref<20x128xi32, #tpu.memory_space<hbm>>
        %dma_start3A_129 = arith.constant 0 : i32
        %dma_start3A_130 = arith.constant 0 : i32
        %dma_start3A_131 = tpu.memref_slice %arg3[%add3A_35, %dma_start3A_129, %dma_start3A_130] : memref<128x20x128xi32, #tpu.memory_space<hbm>> -> memref<1x20x128xi32, #tpu.memory_space<hbm>>
        %dma_start3A_132 = tpu.memref_squeeze %dma_start3A_131 : memref<1x20x128xi32, #tpu.memory_space<hbm>> -> memref<20x128xi32, #tpu.memory_space<hbm>>
        tpu.enqueue_dma source(%dma_start3A_132 : memref<20x128xi32, #tpu.memory_space<hbm>>) target(%arg8 : memref<20x128xi32, #tpu.memory_space<vmem>>) target_semaphore(%run_scoped3A : memref<!tpu.dma_semaphore, #tpu.memory_space<semaphore_mem>>)
        %dma_wait3A = arith.constant 0 : i32
        %dma_wait3A_133 = arith.constant 0 : i32
        %dma_wait3A_134 = tpu.memref_slice %arg3[%add3A_35, %dma_wait3A, %dma_wait3A_133] : memref<128x20x128xi32, #tpu.memory_space<hbm>> -> memref<1x20x128xi32, #tpu.memory_space<hbm>>
        %dma_wait3A_135 = tpu.memref_squeeze %dma_wait3A_134 : memref<1x20x128xi32, #tpu.memory_space<hbm>> -> memref<20x128xi32, #tpu.memory_space<hbm>>
        %dma_wait3A_136 = arith.constant 0 : i32
        %dma_wait3A_137 = arith.constant 0 : i32
        %dma_wait3A_138 = tpu.memref_slice %arg3[%add3A_35, %dma_wait3A_136, %dma_wait3A_137] : memref<128x20x128xi32, #tpu.memory_space<hbm>> -> memref<1x20x128xi32, #tpu.memory_space<hbm>>
        %dma_wait3A_139 = tpu.memref_squeeze %dma_wait3A_138 : memref<1x20x128xi32, #tpu.memory_space<hbm>> -> memref<20x128xi32, #tpu.memory_space<hbm>>
        tpu.wait_dma2 semaphore(%run_scoped3A : memref<!tpu.dma_semaphore, #tpu.memory_space<semaphore_mem>>) src(%dma_wait3A_139 : memref<20x128xi32, #tpu.memory_space<hbm>>) dst(%arg8 : memref<20x128xi32, #tpu.memory_space<vmem>>)
        tpu.yield
      }) : () -> ()
      "tpu.region"() ({
        %run_scoped3A = tpu.sem_alloc : memref<!tpu.dma_semaphore, #tpu.memory_space<semaphore_mem>>
        %dma_start3A_125 = arith.constant 0 : i32
        %dma_start3A_126 = arith.constant 0 : i32
        %dma_start3A_127 = tpu.memref_slice %arg4[%add3A_35, %dma_start3A_125, %dma_start3A_126] : memref<128x20x128xi32, #tpu.memory_space<hbm>> -> memref<1x20x128xi32, #tpu.memory_space<hbm>>
        %dma_start3A_128 = tpu.memref_squeeze %dma_start3A_127 : memref<1x20x128xi32, #tpu.memory_space<hbm>> -> memref<20x128xi32, #tpu.memory_space<hbm>>
        %dma_start3A_129 = arith.constant 0 : i32
        %dma_start3A_130 = arith.constant 0 : i32
        %dma_start3A_131 = tpu.memref_slice %arg4[%add3A_35, %dma_start3A_129, %dma_start3A_130] : memref<128x20x128xi32, #tpu.memory_space<hbm>> -> memref<1x20x128xi32, #tpu.memory_space<hbm>>
        %dma_start3A_132 = tpu.memref_squeeze %dma_start3A_131 : memref<1x20x128xi32, #tpu.memory_space<hbm>> -> memref<20x128xi32, #tpu.memory_space<hbm>>
        tpu.enqueue_dma source(%dma_start3A_132 : memref<20x128xi32, #tpu.memory_space<hbm>>) target(%arg9 : memref<20x128xi32, #tpu.memory_space<vmem>>) target_semaphore(%run_scoped3A : memref<!tpu.dma_semaphore, #tpu.memory_space<semaphore_mem>>)
        %dma_wait3A = arith.constant 0 : i32
        %dma_wait3A_133 = arith.constant 0 : i32
        %dma_wait3A_134 = tpu.memref_slice %arg4[%add3A_35, %dma_wait3A, %dma_wait3A_133] : memref<128x20x128xi32, #tpu.memory_space<hbm>> -> memref<1x20x128xi32, #tpu.memory_space<hbm>>
        %dma_wait3A_135 = tpu.memref_squeeze %dma_wait3A_134 : memref<1x20x128xi32, #tpu.memory_space<hbm>> -> memref<20x128xi32, #tpu.memory_space<hbm>>
        %dma_wait3A_136 = arith.constant 0 : i32
        %dma_wait3A_137 = arith.constant 0 : i32
        %dma_wait3A_138 = tpu.memref_slice %arg4[%add3A_35, %dma_wait3A_136, %dma_wait3A_137] : memref<128x20x128xi32, #tpu.memory_space<hbm>> -> memref<1x20x128xi32, #tpu.memory_space<hbm>>
        %dma_wait3A_139 = tpu.memref_squeeze %dma_wait3A_138 : memref<1x20x128xi32, #tpu.memory_space<hbm>> -> memref<20x128xi32, #tpu.memory_space<hbm>>
        tpu.wait_dma2 semaphore(%run_scoped3A : memref<!tpu.dma_semaphore, #tpu.memory_space<semaphore_mem>>) src(%dma_wait3A_139 : memref<20x128xi32, #tpu.memory_space<hbm>>) dst(%arg9 : memref<20x128xi32, #tpu.memory_space<vmem>>)
        tpu.yield
      }) : () -> ()
      %dma_start3A_36 = arith.constant 0 : i32
      %dma_start3A_37 = arith.constant 0 : i32
      %dma_start3A_38 = tpu.memref_slice %arg8[%dma_start3A_36, %dma_start3A_37] : memref<20x128xi32, #tpu.memory_space<vmem>> -> memref<1x128xi32, #tpu.memory_space<vmem>>
      %dma_start3A_39 = tpu.memref_squeeze %dma_start3A_38 : memref<1x128xi32, #tpu.memory_space<vmem>> -> memref<128xi32, #tpu.memory_space<vmem>>
      %dma_start3A_40 = arith.constant 0 : i32
      %dma_start3A_41 = arith.constant 0 : i32
      %dma_start3A_42 = tpu.memref_slice %arg2[%dma_start3A_40, %dma_start3A_41] : memref<10008x128xf32, #tpu.memory_space<hbm>> -> memref<10008x128xf32, #tpu.memory_space<hbm>>
      tpu.enqueue_indirect_dma source(%dma_start3A_42 : memref<10008x128xf32, #tpu.memory_space<hbm>>) target(%arg10 : memref<128x128xf32, #tpu.memory_space<vmem>>) offsets(%dma_start3A_39 : memref<128xi32, #tpu.memory_space<vmem>>) semaphore(%arg12 : memref<!tpu.dma_semaphore, #tpu.memory_space<semaphore_mem>>)
      %scan3A_43 = arith.constant 0 : i32
      %scan3A_44 = arith.constant 0 : i32
      %scan3A_45 = arith.constant 10 : i32
      %scan3A_46 = arith.addi %scan3A_44, %scan3A_45 : i32
      %scan3A_47 = arith.constant 1 : i32
      scf.for %scan3A_125 = %scan3A_44 to %scan3A_46 step %scan3A_47  : i32 {
        %mul3A_126 = arith.constant 2 : i32
        %mul3A_127 = arith.muli %mul3A_126, %scan3A_125 : i32
        %add3A_128 = arith.constant 1 : i32
        %add3A_129 = arith.addi %mul3A_127, %add3A_128 : i32
        %dma_start3A_130 = arith.constant 0 : i32
        %dma_start3A_131 = tpu.memref_slice %arg8[%add3A_129, %dma_start3A_130] : memref<20x128xi32, #tpu.memory_space<vmem>> -> memref<1x128xi32, #tpu.memory_space<vmem>>
        %dma_start3A_132 = tpu.memref_squeeze %dma_start3A_131 : memref<1x128xi32, #tpu.memory_space<vmem>> -> memref<128xi32, #tpu.memory_space<vmem>>
        %dma_start3A_133 = arith.constant 0 : i32
        %dma_start3A_134 = arith.constant 0 : i32
        %dma_start3A_135 = tpu.memref_slice %arg2[%dma_start3A_133, %dma_start3A_134] : memref<10008x128xf32, #tpu.memory_space<hbm>> -> memref<10008x128xf32, #tpu.memory_space<hbm>>
        tpu.enqueue_indirect_dma source(%dma_start3A_135 : memref<10008x128xf32, #tpu.memory_space<hbm>>) target(%arg11 : memref<128x128xf32, #tpu.memory_space<vmem>>) offsets(%dma_start3A_132 : memref<128xi32, #tpu.memory_space<vmem>>) semaphore(%arg13 : memref<!tpu.dma_semaphore, #tpu.memory_space<semaphore_mem>>)
        %dma_wait3A = arith.constant 0 : i32
        %dma_wait3A_136 = tpu.memref_slice %arg8[%mul3A_127, %dma_wait3A] : memref<20x128xi32, #tpu.memory_space<vmem>> -> memref<1x128xi32, #tpu.memory_space<vmem>>
        %dma_wait3A_137 = tpu.memref_squeeze %dma_wait3A_136 : memref<1x128xi32, #tpu.memory_space<vmem>> -> memref<128xi32, #tpu.memory_space<vmem>>
        %dma_wait3A_138 = arith.constant 0 : i32
        %dma_wait3A_139 = arith.constant 0 : i32
        %dma_wait3A_140 = tpu.memref_slice %arg2[%dma_wait3A_138, %dma_wait3A_139] : memref<10008x128xf32, #tpu.memory_space<hbm>> -> memref<10008x128xf32, #tpu.memory_space<hbm>>
        tpu.wait_indirect_dma semaphore(%arg12 : memref<!tpu.dma_semaphore, #tpu.memory_space<semaphore_mem>>) src(%dma_wait3A_140 : memref<10008x128xf32, #tpu.memory_space<hbm>>) dst(%arg10 : memref<128x128xf32, #tpu.memory_space<vmem>>)
        "tpu.region"() ({
          %run_scoped3A = tpu.sem_alloc : memref<!tpu.dma_semaphore, #tpu.memory_space<semaphore_mem>>
          %dma_start3A_155 = arith.constant 0 : i32
          %dma_start3A_156 = tpu.memref_slice %arg9[%mul3A_127, %dma_start3A_155] : memref<20x128xi32, #tpu.memory_space<vmem>> -> memref<1x128xi32, #tpu.memory_space<vmem>>
          %dma_start3A_157 = tpu.memref_squeeze %dma_start3A_156 : memref<1x128xi32, #tpu.memory_space<vmem>> -> memref<128xi32, #tpu.memory_space<vmem>>
          %dma_start3A_158 = arith.constant 0 : i32
          %dma_start3A_159 = arith.constant 0 : i32
          %dma_start3A_160 = tpu.memref_slice %arg7[%dma_start3A_158, %dma_start3A_159] : memref<10112x128xf32, #tpu.memory_space<vmem_shared>> -> memref<10112x128xf32, #tpu.memory_space<vmem_shared>>
          tpu.enqueue_indirect_dma source(%arg10 : memref<128x128xf32, #tpu.memory_space<vmem>>) target(%dma_start3A_160 : memref<10112x128xf32, #tpu.memory_space<vmem_shared>>) offsets(%dma_start3A_157 : memref<128xi32, #tpu.memory_space<vmem>>) semaphore(%run_scoped3A : memref<!tpu.dma_semaphore, #tpu.memory_space<semaphore_mem>>) {add = true}
          %dma_wait3A_161 = arith.constant 0 : i32
          %dma_wait3A_162 = tpu.memref_slice %arg9[%mul3A_127, %dma_wait3A_161] : memref<20x128xi32, #tpu.memory_space<vmem>> -> memref<1x128xi32, #tpu.memory_space<vmem>>
          %dma_wait3A_163 = tpu.memref_squeeze %dma_wait3A_162 : memref<1x128xi32, #tpu.memory_space<vmem>> -> memref<128xi32, #tpu.memory_space<vmem>>
          %dma_wait3A_164 = arith.constant 0 : i32
          %dma_wait3A_165 = arith.constant 0 : i32
          %dma_wait3A_166 = tpu.memref_slice %arg7[%dma_wait3A_164, %dma_wait3A_165] : memref<10112x128xf32, #tpu.memory_space<vmem_shared>> -> memref<10112x128xf32, #tpu.memory_space<vmem_shared>>
          tpu.wait_indirect_dma semaphore(%run_scoped3A : memref<!tpu.dma_semaphore, #tpu.memory_space<semaphore_mem>>) src(%arg10 : memref<128x128xf32, #tpu.memory_space<vmem>>) dst(%dma_wait3A_166 : memref<10112x128xf32, #tpu.memory_space<vmem_shared>>)
          tpu.yield
        }) : () -> ()
        %lt3A = arith.constant 9 : i32
        %lt3A_141 = arith.cmpi slt, %scan3A_125, %lt3A : i32
        %convert_element_type3A_142 = arith.extui %lt3A_141 : i1 to i32
        %cond3A_143 = arith.constant 0 : i32
        %cond3A_144 = arith.cmpi ne, %convert_element_type3A_142, %cond3A_143 : i32
        scf.if %cond3A_144 {
          %add3A_155 = arith.constant 2 : i32
          %add3A_156 = arith.addi %mul3A_127, %add3A_155 : i32
          %dma_start3A_157 = arith.constant 0 : i32
          %dma_start3A_158 = tpu.memref_slice %arg8[%add3A_156, %dma_start3A_157] : memref<20x128xi32, #tpu.memory_space<vmem>> -> memref<1x128xi32, #tpu.memory_space<vmem>>
          %dma_start3A_159 = tpu.memref_squeeze %dma_start3A_158 : memref<1x128xi32, #tpu.memory_space<vmem>> -> memref<128xi32, #tpu.memory_space<vmem>>
          %dma_start3A_160 = arith.constant 0 : i32
          %dma_start3A_161 = arith.constant 0 : i32
          %dma_start3A_162 = tpu.memref_slice %arg2[%dma_start3A_160, %dma_start3A_161] : memref<10008x128xf32, #tpu.memory_space<hbm>> -> memref<10008x128xf32, #tpu.memory_space<hbm>>
          tpu.enqueue_indirect_dma source(%dma_start3A_162 : memref<10008x128xf32, #tpu.memory_space<hbm>>) target(%arg10 : memref<128x128xf32, #tpu.memory_space<vmem>>) offsets(%dma_start3A_159 : memref<128xi32, #tpu.memory_space<vmem>>) semaphore(%arg12 : memref<!tpu.dma_semaphore, #tpu.memory_space<semaphore_mem>>)
        } else {
        }
        %add3A_145 = arith.constant 1 : i32
        %add3A_146 = arith.addi %mul3A_127, %add3A_145 : i32
        %dma_wait3A_147 = arith.constant 0 : i32
        %dma_wait3A_148 = tpu.memref_slice %arg8[%add3A_146, %dma_wait3A_147] : memref<20x128xi32, #tpu.memory_space<vmem>> -> memref<1x128xi32, #tpu.memory_space<vmem>>
        %dma_wait3A_149 = tpu.memref_squeeze %dma_wait3A_148 : memref<1x128xi32, #tpu.memory_space<vmem>> -> memref<128xi32, #tpu.memory_space<vmem>>
        %dma_wait3A_150 = arith.constant 0 : i32
        %dma_wait3A_151 = arith.constant 0 : i32
        %dma_wait3A_152 = tpu.memref_slice %arg2[%dma_wait3A_150, %dma_wait3A_151] : memref<10008x128xf32, #tpu.memory_space<hbm>> -> memref<10008x128xf32, #tpu.memory_space<hbm>>
        tpu.wait_indirect_dma semaphore(%arg13 : memref<!tpu.dma_semaphore, #tpu.memory_space<semaphore_mem>>) src(%dma_wait3A_152 : memref<10008x128xf32, #tpu.memory_space<hbm>>) dst(%arg11 : memref<128x128xf32, #tpu.memory_space<vmem>>)
        %add3A_153 = arith.constant 1 : i32
        %add3A_154 = arith.addi %mul3A_127, %add3A_153 : i32
        "tpu.region"() ({
          %run_scoped3A = tpu.sem_alloc : memref<!tpu.dma_semaphore, #tpu.memory_space<semaphore_mem>>
          %dma_start3A_155 = arith.constant 0 : i32
          %dma_start3A_156 = tpu.memref_slice %arg9[%add3A_154, %dma_start3A_155] : memref<20x128xi32, #tpu.memory_space<vmem>> -> memref<1x128xi32, #tpu.memory_space<vmem>>
          %dma_start3A_157 = tpu.memref_squeeze %dma_start3A_156 : memref<1x128xi32, #tpu.memory_space<vmem>> -> memref<128xi32, #tpu.memory_space<vmem>>
          %dma_start3A_158 = arith.constant 0 : i32
          %dma_start3A_159 = arith.constant 0 : i32
          %dma_start3A_160 = tpu.memref_slice %arg7[%dma_start3A_158, %dma_start3A_159] : memref<10112x128xf32, #tpu.memory_space<vmem_shared>> -> memref<10112x128xf32, #tpu.memory_space<vmem_shared>>
          tpu.enqueue_indirect_dma source(%arg11 : memref<128x128xf32, #tpu.memory_space<vmem>>) target(%dma_start3A_160 : memref<10112x128xf32, #tpu.memory_space<vmem_shared>>) offsets(%dma_start3A_157 : memref<128xi32, #tpu.memory_space<vmem>>) semaphore(%run_scoped3A : memref<!tpu.dma_semaphore, #tpu.memory_space<semaphore_mem>>) {add = true}
          %dma_wait3A_161 = arith.constant 0 : i32
          %dma_wait3A_162 = tpu.memref_slice %arg9[%add3A_154, %dma_wait3A_161] : memref<20x128xi32, #tpu.memory_space<vmem>> -> memref<1x128xi32, #tpu.memory_space<vmem>>
          %dma_wait3A_163 = tpu.memref_squeeze %dma_wait3A_162 : memref<1x128xi32, #tpu.memory_space<vmem>> -> memref<128xi32, #tpu.memory_space<vmem>>
          %dma_wait3A_164 = arith.constant 0 : i32
          %dma_wait3A_165 = arith.constant 0 : i32
          %dma_wait3A_166 = tpu.memref_slice %arg7[%dma_wait3A_164, %dma_wait3A_165] : memref<10112x128xf32, #tpu.memory_space<vmem_shared>> -> memref<10112x128xf32, #tpu.memory_space<vmem_shared>>
          tpu.wait_indirect_dma semaphore(%run_scoped3A : memref<!tpu.dma_semaphore, #tpu.memory_space<semaphore_mem>>) src(%arg11 : memref<128x128xf32, #tpu.memory_space<vmem>>) dst(%dma_wait3A_166 : memref<10112x128xf32, #tpu.memory_space<vmem_shared>>)
          tpu.yield
        }) : () -> ()
      }
      %scan3A_48 = arith.constant 10 : i32
      %mul3A_49 = arith.constant 6 : i32
      %mul3A_50 = arith.muli %arg1, %mul3A_49 : i32
      %add3A_51 = arith.constant 32 : i32
      %add3A_52 = arith.addi %add3A_51, %mul3A_50 : i32
      %add3A_53 = arith.constant 2 : i32
      %add3A_54 = arith.addi %add3A_52, %add3A_53 : i32
      "tpu.region"() ({
        %run_scoped3A = tpu.sem_alloc : memref<!tpu.dma_semaphore, #tpu.memory_space<semaphore_mem>>
        %dma_start3A_125 = arith.constant 0 : i32
        %dma_start3A_126 = arith.constant 0 : i32
        %dma_start3A_127 = tpu.memref_slice %arg3[%add3A_54, %dma_start3A_125, %dma_start3A_126] : memref<128x20x128xi32, #tpu.memory_space<hbm>> -> memref<1x20x128xi32, #tpu.memory_space<hbm>>
        %dma_start3A_128 = tpu.memref_squeeze %dma_start3A_127 : memref<1x20x128xi32, #tpu.memory_space<hbm>> -> memref<20x128xi32, #tpu.memory_space<hbm>>
        %dma_start3A_129 = arith.constant 0 : i32
        %dma_start3A_130 = arith.constant 0 : i32
        %dma_start3A_131 = tpu.memref_slice %arg3[%add3A_54, %dma_start3A_129, %dma_start3A_130] : memref<128x20x128xi32, #tpu.memory_space<hbm>> -> memref<1x20x128xi32, #tpu.memory_space<hbm>>
        %dma_start3A_132 = tpu.memref_squeeze %dma_start3A_131 : memref<1x20x128xi32, #tpu.memory_space<hbm>> -> memref<20x128xi32, #tpu.memory_space<hbm>>
        tpu.enqueue_dma source(%dma_start3A_132 : memref<20x128xi32, #tpu.memory_space<hbm>>) target(%arg8 : memref<20x128xi32, #tpu.memory_space<vmem>>) target_semaphore(%run_scoped3A : memref<!tpu.dma_semaphore, #tpu.memory_space<semaphore_mem>>)
        %dma_wait3A = arith.constant 0 : i32
        %dma_wait3A_133 = arith.constant 0 : i32
        %dma_wait3A_134 = tpu.memref_slice %arg3[%add3A_54, %dma_wait3A, %dma_wait3A_133] : memref<128x20x128xi32, #tpu.memory_space<hbm>> -> memref<1x20x128xi32, #tpu.memory_space<hbm>>
        %dma_wait3A_135 = tpu.memref_squeeze %dma_wait3A_134 : memref<1x20x128xi32, #tpu.memory_space<hbm>> -> memref<20x128xi32, #tpu.memory_space<hbm>>
        %dma_wait3A_136 = arith.constant 0 : i32
        %dma_wait3A_137 = arith.constant 0 : i32
        %dma_wait3A_138 = tpu.memref_slice %arg3[%add3A_54, %dma_wait3A_136, %dma_wait3A_137] : memref<128x20x128xi32, #tpu.memory_space<hbm>> -> memref<1x20x128xi32, #tpu.memory_space<hbm>>
        %dma_wait3A_139 = tpu.memref_squeeze %dma_wait3A_138 : memref<1x20x128xi32, #tpu.memory_space<hbm>> -> memref<20x128xi32, #tpu.memory_space<hbm>>
        tpu.wait_dma2 semaphore(%run_scoped3A : memref<!tpu.dma_semaphore, #tpu.memory_space<semaphore_mem>>) src(%dma_wait3A_139 : memref<20x128xi32, #tpu.memory_space<hbm>>) dst(%arg8 : memref<20x128xi32, #tpu.memory_space<vmem>>)
        tpu.yield
      }) : () -> ()
      "tpu.region"() ({
        %run_scoped3A = tpu.sem_alloc : memref<!tpu.dma_semaphore, #tpu.memory_space<semaphore_mem>>
        %dma_start3A_125 = arith.constant 0 : i32
        %dma_start3A_126 = arith.constant 0 : i32
        %dma_start3A_127 = tpu.memref_slice %arg4[%add3A_54, %dma_start3A_125, %dma_start3A_126] : memref<128x20x128xi32, #tpu.memory_space<hbm>> -> memref<1x20x128xi32, #tpu.memory_space<hbm>>
        %dma_start3A_128 = tpu.memref_squeeze %dma_start3A_127 : memref<1x20x128xi32, #tpu.memory_space<hbm>> -> memref<20x128xi32, #tpu.memory_space<hbm>>
        %dma_start3A_129 = arith.constant 0 : i32
        %dma_start3A_130 = arith.constant 0 : i32
        %dma_start3A_131 = tpu.memref_slice %arg4[%add3A_54, %dma_start3A_129, %dma_start3A_130] : memref<128x20x128xi32, #tpu.memory_space<hbm>> -> memref<1x20x128xi32, #tpu.memory_space<hbm>>
        %dma_start3A_132 = tpu.memref_squeeze %dma_start3A_131 : memref<1x20x128xi32, #tpu.memory_space<hbm>> -> memref<20x128xi32, #tpu.memory_space<hbm>>
        tpu.enqueue_dma source(%dma_start3A_132 : memref<20x128xi32, #tpu.memory_space<hbm>>) target(%arg9 : memref<20x128xi32, #tpu.memory_space<vmem>>) target_semaphore(%run_scoped3A : memref<!tpu.dma_semaphore, #tpu.memory_space<semaphore_mem>>)
        %dma_wait3A = arith.constant 0 : i32
        %dma_wait3A_133 = arith.constant 0 : i32
        %dma_wait3A_134 = tpu.memref_slice %arg4[%add3A_54, %dma_wait3A, %dma_wait3A_133] : memref<128x20x128xi32, #tpu.memory_space<hbm>> -> memref<1x20x128xi32, #tpu.memory_space<hbm>>
        %dma_wait3A_135 = tpu.memref_squeeze %dma_wait3A_134 : memref<1x20x128xi32, #tpu.memory_space<hbm>> -> memref<20x128xi32, #tpu.memory_space<hbm>>
        %dma_wait3A_136 = arith.constant 0 : i32
        %dma_wait3A_137 = arith.constant 0 : i32
        %dma_wait3A_138 = tpu.memref_slice %arg4[%add3A_54, %dma_wait3A_136, %dma_wait3A_137] : memref<128x20x128xi32, #tpu.memory_space<hbm>> -> memref<1x20x128xi32, #tpu.memory_space<hbm>>
        %dma_wait3A_139 = tpu.memref_squeeze %dma_wait3A_138 : memref<1x20x128xi32, #tpu.memory_space<hbm>> -> memref<20x128xi32, #tpu.memory_space<hbm>>
        tpu.wait_dma2 semaphore(%run_scoped3A : memref<!tpu.dma_semaphore, #tpu.memory_space<semaphore_mem>>) src(%dma_wait3A_139 : memref<20x128xi32, #tpu.memory_space<hbm>>) dst(%arg9 : memref<20x128xi32, #tpu.memory_space<vmem>>)
        tpu.yield
      }) : () -> ()
      %dma_start3A_55 = arith.constant 0 : i32
      %dma_start3A_56 = arith.constant 0 : i32
      %dma_start3A_57 = tpu.memref_slice %arg8[%dma_start3A_55, %dma_start3A_56] : memref<20x128xi32, #tpu.memory_space<vmem>> -> memref<1x128xi32, #tpu.memory_space<vmem>>
      %dma_start3A_58 = tpu.memref_squeeze %dma_start3A_57 : memref<1x128xi32, #tpu.memory_space<vmem>> -> memref<128xi32, #tpu.memory_space<vmem>>
      %dma_start3A_59 = arith.constant 0 : i32
      %dma_start3A_60 = arith.constant 0 : i32
      %dma_start3A_61 = tpu.memref_slice %arg2[%dma_start3A_59, %dma_start3A_60] : memref<10008x128xf32, #tpu.memory_space<hbm>> -> memref<10008x128xf32, #tpu.memory_space<hbm>>
      tpu.enqueue_indirect_dma source(%dma_start3A_61 : memref<10008x128xf32, #tpu.memory_space<hbm>>) target(%arg10 : memref<128x128xf32, #tpu.memory_space<vmem>>) offsets(%dma_start3A_58 : memref<128xi32, #tpu.memory_space<vmem>>) semaphore(%arg12 : memref<!tpu.dma_semaphore, #tpu.memory_space<semaphore_mem>>)
      %scan3A_62 = arith.constant 0 : i32
      %scan3A_63 = arith.constant 0 : i32
      %scan3A_64 = arith.constant 10 : i32
      %scan3A_65 = arith.addi %scan3A_63, %scan3A_64 : i32
      %scan3A_66 = arith.constant 1 : i32
      scf.for %scan3A_125 = %scan3A_63 to %scan3A_65 step %scan3A_66  : i32 {
        %mul3A_126 = arith.constant 2 : i32
        %mul3A_127 = arith.muli %mul3A_126, %scan3A_125 : i32
        %add3A_128 = arith.constant 1 : i32
        %add3A_129 = arith.addi %mul3A_127, %add3A_128 : i32
        %dma_start3A_130 = arith.constant 0 : i32
        %dma_start3A_131 = tpu.memref_slice %arg8[%add3A_129, %dma_start3A_130] : memref<20x128xi32, #tpu.memory_space<vmem>> -> memref<1x128xi32, #tpu.memory_space<vmem>>
        %dma_start3A_132 = tpu.memref_squeeze %dma_start3A_131 : memref<1x128xi32, #tpu.memory_space<vmem>> -> memref<128xi32, #tpu.memory_space<vmem>>
        %dma_start3A_133 = arith.constant 0 : i32
        %dma_start3A_134 = arith.constant 0 : i32
        %dma_start3A_135 = tpu.memref_slice %arg2[%dma_start3A_133, %dma_start3A_134] : memref<10008x128xf32, #tpu.memory_space<hbm>> -> memref<10008x128xf32, #tpu.memory_space<hbm>>
        tpu.enqueue_indirect_dma source(%dma_start3A_135 : memref<10008x128xf32, #tpu.memory_space<hbm>>) target(%arg11 : memref<128x128xf32, #tpu.memory_space<vmem>>) offsets(%dma_start3A_132 : memref<128xi32, #tpu.memory_space<vmem>>) semaphore(%arg13 : memref<!tpu.dma_semaphore, #tpu.memory_space<semaphore_mem>>)
        %dma_wait3A = arith.constant 0 : i32
        %dma_wait3A_136 = tpu.memref_slice %arg8[%mul3A_127, %dma_wait3A] : memref<20x128xi32, #tpu.memory_space<vmem>> -> memref<1x128xi32, #tpu.memory_space<vmem>>
        %dma_wait3A_137 = tpu.memref_squeeze %dma_wait3A_136 : memref<1x128xi32, #tpu.memory_space<vmem>> -> memref<128xi32, #tpu.memory_space<vmem>>
        %dma_wait3A_138 = arith.constant 0 : i32
        %dma_wait3A_139 = arith.constant 0 : i32
        %dma_wait3A_140 = tpu.memref_slice %arg2[%dma_wait3A_138, %dma_wait3A_139] : memref<10008x128xf32, #tpu.memory_space<hbm>> -> memref<10008x128xf32, #tpu.memory_space<hbm>>
        tpu.wait_indirect_dma semaphore(%arg12 : memref<!tpu.dma_semaphore, #tpu.memory_space<semaphore_mem>>) src(%dma_wait3A_140 : memref<10008x128xf32, #tpu.memory_space<hbm>>) dst(%arg10 : memref<128x128xf32, #tpu.memory_space<vmem>>)
        "tpu.region"() ({
          %run_scoped3A = tpu.sem_alloc : memref<!tpu.dma_semaphore, #tpu.memory_space<semaphore_mem>>
          %dma_start3A_155 = arith.constant 0 : i32
          %dma_start3A_156 = tpu.memref_slice %arg9[%mul3A_127, %dma_start3A_155] : memref<20x128xi32, #tpu.memory_space<vmem>> -> memref<1x128xi32, #tpu.memory_space<vmem>>
          %dma_start3A_157 = tpu.memref_squeeze %dma_start3A_156 : memref<1x128xi32, #tpu.memory_space<vmem>> -> memref<128xi32, #tpu.memory_space<vmem>>
          %dma_start3A_158 = arith.constant 0 : i32
          %dma_start3A_159 = arith.constant 0 : i32
          %dma_start3A_160 = tpu.memref_slice %arg7[%dma_start3A_158, %dma_start3A_159] : memref<10112x128xf32, #tpu.memory_space<vmem_shared>> -> memref<10112x128xf32, #tpu.memory_space<vmem_shared>>
          tpu.enqueue_indirect_dma source(%arg10 : memref<128x128xf32, #tpu.memory_space<vmem>>) target(%dma_start3A_160 : memref<10112x128xf32, #tpu.memory_space<vmem_shared>>) offsets(%dma_start3A_157 : memref<128xi32, #tpu.memory_space<vmem>>) semaphore(%run_scoped3A : memref<!tpu.dma_semaphore, #tpu.memory_space<semaphore_mem>>) {add = true}
          %dma_wait3A_161 = arith.constant 0 : i32
          %dma_wait3A_162 = tpu.memref_slice %arg9[%mul3A_127, %dma_wait3A_161] : memref<20x128xi32, #tpu.memory_space<vmem>> -> memref<1x128xi32, #tpu.memory_space<vmem>>
          %dma_wait3A_163 = tpu.memref_squeeze %dma_wait3A_162 : memref<1x128xi32, #tpu.memory_space<vmem>> -> memref<128xi32, #tpu.memory_space<vmem>>
          %dma_wait3A_164 = arith.constant 0 : i32
          %dma_wait3A_165 = arith.constant 0 : i32
          %dma_wait3A_166 = tpu.memref_slice %arg7[%dma_wait3A_164, %dma_wait3A_165] : memref<10112x128xf32, #tpu.memory_space<vmem_shared>> -> memref<10112x128xf32, #tpu.memory_space<vmem_shared>>
          tpu.wait_indirect_dma semaphore(%run_scoped3A : memref<!tpu.dma_semaphore, #tpu.memory_space<semaphore_mem>>) src(%arg10 : memref<128x128xf32, #tpu.memory_space<vmem>>) dst(%dma_wait3A_166 : memref<10112x128xf32, #tpu.memory_space<vmem_shared>>)
          tpu.yield
        }) : () -> ()
        %lt3A = arith.constant 9 : i32
        %lt3A_141 = arith.cmpi slt, %scan3A_125, %lt3A : i32
        %convert_element_type3A_142 = arith.extui %lt3A_141 : i1 to i32
        %cond3A_143 = arith.constant 0 : i32
        %cond3A_144 = arith.cmpi ne, %convert_element_type3A_142, %cond3A_143 : i32
        scf.if %cond3A_144 {
          %add3A_155 = arith.constant 2 : i32
          %add3A_156 = arith.addi %mul3A_127, %add3A_155 : i32
          %dma_start3A_157 = arith.constant 0 : i32
          %dma_start3A_158 = tpu.memref_slice %arg8[%add3A_156, %dma_start3A_157] : memref<20x128xi32, #tpu.memory_space<vmem>> -> memref<1x128xi32, #tpu.memory_space<vmem>>
          %dma_start3A_159 = tpu.memref_squeeze %dma_start3A_158 : memref<1x128xi32, #tpu.memory_space<vmem>> -> memref<128xi32, #tpu.memory_space<vmem>>
          %dma_start3A_160 = arith.constant 0 : i32
          %dma_start3A_161 = arith.constant 0 : i32
          %dma_start3A_162 = tpu.memref_slice %arg2[%dma_start3A_160, %dma_start3A_161] : memref<10008x128xf32, #tpu.memory_space<hbm>> -> memref<10008x128xf32, #tpu.memory_space<hbm>>
          tpu.enqueue_indirect_dma source(%dma_start3A_162 : memref<10008x128xf32, #tpu.memory_space<hbm>>) target(%arg10 : memref<128x128xf32, #tpu.memory_space<vmem>>) offsets(%dma_start3A_159 : memref<128xi32, #tpu.memory_space<vmem>>) semaphore(%arg12 : memref<!tpu.dma_semaphore, #tpu.memory_space<semaphore_mem>>)
        } else {
        }
        %add3A_145 = arith.constant 1 : i32
        %add3A_146 = arith.addi %mul3A_127, %add3A_145 : i32
        %dma_wait3A_147 = arith.constant 0 : i32
        %dma_wait3A_148 = tpu.memref_slice %arg8[%add3A_146, %dma_wait3A_147] : memref<20x128xi32, #tpu.memory_space<vmem>> -> memref<1x128xi32, #tpu.memory_space<vmem>>
        %dma_wait3A_149 = tpu.memref_squeeze %dma_wait3A_148 : memref<1x128xi32, #tpu.memory_space<vmem>> -> memref<128xi32, #tpu.memory_space<vmem>>
        %dma_wait3A_150 = arith.constant 0 : i32
        %dma_wait3A_151 = arith.constant 0 : i32
        %dma_wait3A_152 = tpu.memref_slice %arg2[%dma_wait3A_150, %dma_wait3A_151] : memref<10008x128xf32, #tpu.memory_space<hbm>> -> memref<10008x128xf32, #tpu.memory_space<hbm>>
        tpu.wait_indirect_dma semaphore(%arg13 : memref<!tpu.dma_semaphore, #tpu.memory_space<semaphore_mem>>) src(%dma_wait3A_152 : memref<10008x128xf32, #tpu.memory_space<hbm>>) dst(%arg11 : memref<128x128xf32, #tpu.memory_space<vmem>>)
        %add3A_153 = arith.constant 1 : i32
        %add3A_154 = arith.addi %mul3A_127, %add3A_153 : i32
        "tpu.region"() ({
          %run_scoped3A = tpu.sem_alloc : memref<!tpu.dma_semaphore, #tpu.memory_space<semaphore_mem>>
          %dma_start3A_155 = arith.constant 0 : i32
          %dma_start3A_156 = tpu.memref_slice %arg9[%add3A_154, %dma_start3A_155] : memref<20x128xi32, #tpu.memory_space<vmem>> -> memref<1x128xi32, #tpu.memory_space<vmem>>
          %dma_start3A_157 = tpu.memref_squeeze %dma_start3A_156 : memref<1x128xi32, #tpu.memory_space<vmem>> -> memref<128xi32, #tpu.memory_space<vmem>>
          %dma_start3A_158 = arith.constant 0 : i32
          %dma_start3A_159 = arith.constant 0 : i32
          %dma_start3A_160 = tpu.memref_slice %arg7[%dma_start3A_158, %dma_start3A_159] : memref<10112x128xf32, #tpu.memory_space<vmem_shared>> -> memref<10112x128xf32, #tpu.memory_space<vmem_shared>>
          tpu.enqueue_indirect_dma source(%arg11 : memref<128x128xf32, #tpu.memory_space<vmem>>) target(%dma_start3A_160 : memref<10112x128xf32, #tpu.memory_space<vmem_shared>>) offsets(%dma_start3A_157 : memref<128xi32, #tpu.memory_space<vmem>>) semaphore(%run_scoped3A : memref<!tpu.dma_semaphore, #tpu.memory_space<semaphore_mem>>) {add = true}
          %dma_wait3A_161 = arith.constant 0 : i32
          %dma_wait3A_162 = tpu.memref_slice %arg9[%add3A_154, %dma_wait3A_161] : memref<20x128xi32, #tpu.memory_space<vmem>> -> memref<1x128xi32, #tpu.memory_space<vmem>>
          %dma_wait3A_163 = tpu.memref_squeeze %dma_wait3A_162 : memref<1x128xi32, #tpu.memory_space<vmem>> -> memref<128xi32, #tpu.memory_space<vmem>>
          %dma_wait3A_164 = arith.constant 0 : i32
          %dma_wait3A_165 = arith.constant 0 : i32
          %dma_wait3A_166 = tpu.memref_slice %arg7[%dma_wait3A_164, %dma_wait3A_165] : memref<10112x128xf32, #tpu.memory_space<vmem_shared>> -> memref<10112x128xf32, #tpu.memory_space<vmem_shared>>
          tpu.wait_indirect_dma semaphore(%run_scoped3A : memref<!tpu.dma_semaphore, #tpu.memory_space<semaphore_mem>>) src(%arg11 : memref<128x128xf32, #tpu.memory_space<vmem>>) dst(%dma_wait3A_166 : memref<10112x128xf32, #tpu.memory_space<vmem_shared>>)
          tpu.yield
        }) : () -> ()
      }
      %scan3A_67 = arith.constant 10 : i32
      %mul3A_68 = arith.constant 6 : i32
      %mul3A_69 = arith.muli %arg1, %mul3A_68 : i32
      %add3A_70 = arith.constant 32 : i32
      %add3A_71 = arith.addi %add3A_70, %mul3A_69 : i32
      %add3A_72 = arith.constant 3 : i32
      %add3A_73 = arith.addi %add3A_71, %add3A_72 : i32
      "tpu.region"() ({
        %run_scoped3A = tpu.sem_alloc : memref<!tpu.dma_semaphore, #tpu.memory_space<semaphore_mem>>
        %dma_start3A_125 = arith.constant 0 : i32
        %dma_start3A_126 = arith.constant 0 : i32
        %dma_start3A_127 = tpu.memref_slice %arg3[%add3A_73, %dma_start3A_125, %dma_start3A_126] : memref<128x20x128xi32, #tpu.memory_space<hbm>> -> memref<1x20x128xi32, #tpu.memory_space<hbm>>
        %dma_start3A_128 = tpu.memref_squeeze %dma_start3A_127 : memref<1x20x128xi32, #tpu.memory_space<hbm>> -> memref<20x128xi32, #tpu.memory_space<hbm>>
        %dma_start3A_129 = arith.constant 0 : i32
        %dma_start3A_130 = arith.constant 0 : i32
        %dma_start3A_131 = tpu.memref_slice %arg3[%add3A_73, %dma_start3A_129, %dma_start3A_130] : memref<128x20x128xi32, #tpu.memory_space<hbm>> -> memref<1x20x128xi32, #tpu.memory_space<hbm>>
        %dma_start3A_132 = tpu.memref_squeeze %dma_start3A_131 : memref<1x20x128xi32, #tpu.memory_space<hbm>> -> memref<20x128xi32, #tpu.memory_space<hbm>>
        tpu.enqueue_dma source(%dma_start3A_132 : memref<20x128xi32, #tpu.memory_space<hbm>>) target(%arg8 : memref<20x128xi32, #tpu.memory_space<vmem>>) target_semaphore(%run_scoped3A : memref<!tpu.dma_semaphore, #tpu.memory_space<semaphore_mem>>)
        %dma_wait3A = arith.constant 0 : i32
        %dma_wait3A_133 = arith.constant 0 : i32
        %dma_wait3A_134 = tpu.memref_slice %arg3[%add3A_73, %dma_wait3A, %dma_wait3A_133] : memref<128x20x128xi32, #tpu.memory_space<hbm>> -> memref<1x20x128xi32, #tpu.memory_space<hbm>>
        %dma_wait3A_135 = tpu.memref_squeeze %dma_wait3A_134 : memref<1x20x128xi32, #tpu.memory_space<hbm>> -> memref<20x128xi32, #tpu.memory_space<hbm>>
        %dma_wait3A_136 = arith.constant 0 : i32
        %dma_wait3A_137 = arith.constant 0 : i32
        %dma_wait3A_138 = tpu.memref_slice %arg3[%add3A_73, %dma_wait3A_136, %dma_wait3A_137] : memref<128x20x128xi32, #tpu.memory_space<hbm>> -> memref<1x20x128xi32, #tpu.memory_space<hbm>>
        %dma_wait3A_139 = tpu.memref_squeeze %dma_wait3A_138 : memref<1x20x128xi32, #tpu.memory_space<hbm>> -> memref<20x128xi32, #tpu.memory_space<hbm>>
        tpu.wait_dma2 semaphore(%run_scoped3A : memref<!tpu.dma_semaphore, #tpu.memory_space<semaphore_mem>>) src(%dma_wait3A_139 : memref<20x128xi32, #tpu.memory_space<hbm>>) dst(%arg8 : memref<20x128xi32, #tpu.memory_space<vmem>>)
        tpu.yield
      }) : () -> ()
      "tpu.region"() ({
        %run_scoped3A = tpu.sem_alloc : memref<!tpu.dma_semaphore, #tpu.memory_space<semaphore_mem>>
        %dma_start3A_125 = arith.constant 0 : i32
        %dma_start3A_126 = arith.constant 0 : i32
        %dma_start3A_127 = tpu.memref_slice %arg4[%add3A_73, %dma_start3A_125, %dma_start3A_126] : memref<128x20x128xi32, #tpu.memory_space<hbm>> -> memref<1x20x128xi32, #tpu.memory_space<hbm>>
        %dma_start3A_128 = tpu.memref_squeeze %dma_start3A_127 : memref<1x20x128xi32, #tpu.memory_space<hbm>> -> memref<20x128xi32, #tpu.memory_space<hbm>>
        %dma_start3A_129 = arith.constant 0 : i32
        %dma_start3A_130 = arith.constant 0 : i32
        %dma_start3A_131 = tpu.memref_slice %arg4[%add3A_73, %dma_start3A_129, %dma_start3A_130] : memref<128x20x128xi32, #tpu.memory_space<hbm>> -> memref<1x20x128xi32, #tpu.memory_space<hbm>>
        %dma_start3A_132 = tpu.memref_squeeze %dma_start3A_131 : memref<1x20x128xi32, #tpu.memory_space<hbm>> -> memref<20x128xi32, #tpu.memory_space<hbm>>
        tpu.enqueue_dma source(%dma_start3A_132 : memref<20x128xi32, #tpu.memory_space<hbm>>) target(%arg9 : memref<20x128xi32, #tpu.memory_space<vmem>>) target_semaphore(%run_scoped3A : memref<!tpu.dma_semaphore, #tpu.memory_space<semaphore_mem>>)
        %dma_wait3A = arith.constant 0 : i32
        %dma_wait3A_133 = arith.constant 0 : i32
        %dma_wait3A_134 = tpu.memref_slice %arg4[%add3A_73, %dma_wait3A, %dma_wait3A_133] : memref<128x20x128xi32, #tpu.memory_space<hbm>> -> memref<1x20x128xi32, #tpu.memory_space<hbm>>
        %dma_wait3A_135 = tpu.memref_squeeze %dma_wait3A_134 : memref<1x20x128xi32, #tpu.memory_space<hbm>> -> memref<20x128xi32, #tpu.memory_space<hbm>>
        %dma_wait3A_136 = arith.constant 0 : i32
        %dma_wait3A_137 = arith.constant 0 : i32
        %dma_wait3A_138 = tpu.memref_slice %arg4[%add3A_73, %dma_wait3A_136, %dma_wait3A_137] : memref<128x20x128xi32, #tpu.memory_space<hbm>> -> memref<1x20x128xi32, #tpu.memory_space<hbm>>
        %dma_wait3A_139 = tpu.memref_squeeze %dma_wait3A_138 : memref<1x20x128xi32, #tpu.memory_space<hbm>> -> memref<20x128xi32, #tpu.memory_space<hbm>>
        tpu.wait_dma2 semaphore(%run_scoped3A : memref<!tpu.dma_semaphore, #tpu.memory_space<semaphore_mem>>) src(%dma_wait3A_139 : memref<20x128xi32, #tpu.memory_space<hbm>>) dst(%arg9 : memref<20x128xi32, #tpu.memory_space<vmem>>)
        tpu.yield
      }) : () -> ()
      %dma_start3A_74 = arith.constant 0 : i32
      %dma_start3A_75 = arith.constant 0 : i32
      %dma_start3A_76 = tpu.memref_slice %arg8[%dma_start3A_74, %dma_start3A_75] : memref<20x128xi32, #tpu.memory_space<vmem>> -> memref<1x128xi32, #tpu.memory_space<vmem>>
      %dma_start3A_77 = tpu.memref_squeeze %dma_start3A_76 : memref<1x128xi32, #tpu.memory_space<vmem>> -> memref<128xi32, #tpu.memory_space<vmem>>
      %dma_start3A_78 = arith.constant 0 : i32
      %dma_start3A_79 = arith.constant 0 : i32
      %dma_start3A_80 = tpu.memref_slice %arg2[%dma_start3A_78, %dma_start3A_79] : memref<10008x128xf32, #tpu.memory_space<hbm>> -> memref<10008x128xf32, #tpu.memory_space<hbm>>
      tpu.enqueue_indirect_dma source(%dma_start3A_80 : memref<10008x128xf32, #tpu.memory_space<hbm>>) target(%arg10 : memref<128x128xf32, #tpu.memory_space<vmem>>) offsets(%dma_start3A_77 : memref<128xi32, #tpu.memory_space<vmem>>) semaphore(%arg12 : memref<!tpu.dma_semaphore, #tpu.memory_space<semaphore_mem>>)
      %scan3A_81 = arith.constant 0 : i32
      %scan3A_82 = arith.constant 0 : i32
      %scan3A_83 = arith.constant 10 : i32
      %scan3A_84 = arith.addi %scan3A_82, %scan3A_83 : i32
      %scan3A_85 = arith.constant 1 : i32
      scf.for %scan3A_125 = %scan3A_82 to %scan3A_84 step %scan3A_85  : i32 {
        %mul3A_126 = arith.constant 2 : i32
        %mul3A_127 = arith.muli %mul3A_126, %scan3A_125 : i32
        %add3A_128 = arith.constant 1 : i32
        %add3A_129 = arith.addi %mul3A_127, %add3A_128 : i32
        %dma_start3A_130 = arith.constant 0 : i32
        %dma_start3A_131 = tpu.memref_slice %arg8[%add3A_129, %dma_start3A_130] : memref<20x128xi32, #tpu.memory_space<vmem>> -> memref<1x128xi32, #tpu.memory_space<vmem>>
        %dma_start3A_132 = tpu.memref_squeeze %dma_start3A_131 : memref<1x128xi32, #tpu.memory_space<vmem>> -> memref<128xi32, #tpu.memory_space<vmem>>
        %dma_start3A_133 = arith.constant 0 : i32
        %dma_start3A_134 = arith.constant 0 : i32
        %dma_start3A_135 = tpu.memref_slice %arg2[%dma_start3A_133, %dma_start3A_134] : memref<10008x128xf32, #tpu.memory_space<hbm>> -> memref<10008x128xf32, #tpu.memory_space<hbm>>
        tpu.enqueue_indirect_dma source(%dma_start3A_135 : memref<10008x128xf32, #tpu.memory_space<hbm>>) target(%arg11 : memref<128x128xf32, #tpu.memory_space<vmem>>) offsets(%dma_start3A_132 : memref<128xi32, #tpu.memory_space<vmem>>) semaphore(%arg13 : memref<!tpu.dma_semaphore, #tpu.memory_space<semaphore_mem>>)
        %dma_wait3A = arith.constant 0 : i32
        %dma_wait3A_136 = tpu.memref_slice %arg8[%mul3A_127, %dma_wait3A] : memref<20x128xi32, #tpu.memory_space<vmem>> -> memref<1x128xi32, #tpu.memory_space<vmem>>
        %dma_wait3A_137 = tpu.memref_squeeze %dma_wait3A_136 : memref<1x128xi32, #tpu.memory_space<vmem>> -> memref<128xi32, #tpu.memory_space<vmem>>
        %dma_wait3A_138 = arith.constant 0 : i32
        %dma_wait3A_139 = arith.constant 0 : i32
        %dma_wait3A_140 = tpu.memref_slice %arg2[%dma_wait3A_138, %dma_wait3A_139] : memref<10008x128xf32, #tpu.memory_space<hbm>> -> memref<10008x128xf32, #tpu.memory_space<hbm>>
        tpu.wait_indirect_dma semaphore(%arg12 : memref<!tpu.dma_semaphore, #tpu.memory_space<semaphore_mem>>) src(%dma_wait3A_140 : memref<10008x128xf32, #tpu.memory_space<hbm>>) dst(%arg10 : memref<128x128xf32, #tpu.memory_space<vmem>>)
        "tpu.region"() ({
          %run_scoped3A = tpu.sem_alloc : memref<!tpu.dma_semaphore, #tpu.memory_space<semaphore_mem>>
          %dma_start3A_155 = arith.constant 0 : i32
          %dma_start3A_156 = tpu.memref_slice %arg9[%mul3A_127, %dma_start3A_155] : memref<20x128xi32, #tpu.memory_space<vmem>> -> memref<1x128xi32, #tpu.memory_space<vmem>>
          %dma_start3A_157 = tpu.memref_squeeze %dma_start3A_156 : memref<1x128xi32, #tpu.memory_space<vmem>> -> memref<128xi32, #tpu.memory_space<vmem>>
          %dma_start3A_158 = arith.constant 0 : i32
          %dma_start3A_159 = arith.constant 0 : i32
          %dma_start3A_160 = tpu.memref_slice %arg7[%dma_start3A_158, %dma_start3A_159] : memref<10112x128xf32, #tpu.memory_space<vmem_shared>> -> memref<10112x128xf32, #tpu.memory_space<vmem_shared>>
          tpu.enqueue_indirect_dma source(%arg10 : memref<128x128xf32, #tpu.memory_space<vmem>>) target(%dma_start3A_160 : memref<10112x128xf32, #tpu.memory_space<vmem_shared>>) offsets(%dma_start3A_157 : memref<128xi32, #tpu.memory_space<vmem>>) semaphore(%run_scoped3A : memref<!tpu.dma_semaphore, #tpu.memory_space<semaphore_mem>>) {add = true}
          %dma_wait3A_161 = arith.constant 0 : i32
          %dma_wait3A_162 = tpu.memref_slice %arg9[%mul3A_127, %dma_wait3A_161] : memref<20x128xi32, #tpu.memory_space<vmem>> -> memref<1x128xi32, #tpu.memory_space<vmem>>
          %dma_wait3A_163 = tpu.memref_squeeze %dma_wait3A_162 : memref<1x128xi32, #tpu.memory_space<vmem>> -> memref<128xi32, #tpu.memory_space<vmem>>
          %dma_wait3A_164 = arith.constant 0 : i32
          %dma_wait3A_165 = arith.constant 0 : i32
          %dma_wait3A_166 = tpu.memref_slice %arg7[%dma_wait3A_164, %dma_wait3A_165] : memref<10112x128xf32, #tpu.memory_space<vmem_shared>> -> memref<10112x128xf32, #tpu.memory_space<vmem_shared>>
          tpu.wait_indirect_dma semaphore(%run_scoped3A : memref<!tpu.dma_semaphore, #tpu.memory_space<semaphore_mem>>) src(%arg10 : memref<128x128xf32, #tpu.memory_space<vmem>>) dst(%dma_wait3A_166 : memref<10112x128xf32, #tpu.memory_space<vmem_shared>>)
          tpu.yield
        }) : () -> ()
        %lt3A = arith.constant 9 : i32
        %lt3A_141 = arith.cmpi slt, %scan3A_125, %lt3A : i32
        %convert_element_type3A_142 = arith.extui %lt3A_141 : i1 to i32
        %cond3A_143 = arith.constant 0 : i32
        %cond3A_144 = arith.cmpi ne, %convert_element_type3A_142, %cond3A_143 : i32
        scf.if %cond3A_144 {
          %add3A_155 = arith.constant 2 : i32
          %add3A_156 = arith.addi %mul3A_127, %add3A_155 : i32
          %dma_start3A_157 = arith.constant 0 : i32
          %dma_start3A_158 = tpu.memref_slice %arg8[%add3A_156, %dma_start3A_157] : memref<20x128xi32, #tpu.memory_space<vmem>> -> memref<1x128xi32, #tpu.memory_space<vmem>>
          %dma_start3A_159 = tpu.memref_squeeze %dma_start3A_158 : memref<1x128xi32, #tpu.memory_space<vmem>> -> memref<128xi32, #tpu.memory_space<vmem>>
          %dma_start3A_160 = arith.constant 0 : i32
          %dma_start3A_161 = arith.constant 0 : i32
          %dma_start3A_162 = tpu.memref_slice %arg2[%dma_start3A_160, %dma_start3A_161] : memref<10008x128xf32, #tpu.memory_space<hbm>> -> memref<10008x128xf32, #tpu.memory_space<hbm>>
          tpu.enqueue_indirect_dma source(%dma_start3A_162 : memref<10008x128xf32, #tpu.memory_space<hbm>>) target(%arg10 : memref<128x128xf32, #tpu.memory_space<vmem>>) offsets(%dma_start3A_159 : memref<128xi32, #tpu.memory_space<vmem>>) semaphore(%arg12 : memref<!tpu.dma_semaphore, #tpu.memory_space<semaphore_mem>>)
        } else {
        }
        %add3A_145 = arith.constant 1 : i32
        %add3A_146 = arith.addi %mul3A_127, %add3A_145 : i32
        %dma_wait3A_147 = arith.constant 0 : i32
        %dma_wait3A_148 = tpu.memref_slice %arg8[%add3A_146, %dma_wait3A_147] : memref<20x128xi32, #tpu.memory_space<vmem>> -> memref<1x128xi32, #tpu.memory_space<vmem>>
        %dma_wait3A_149 = tpu.memref_squeeze %dma_wait3A_148 : memref<1x128xi32, #tpu.memory_space<vmem>> -> memref<128xi32, #tpu.memory_space<vmem>>
        %dma_wait3A_150 = arith.constant 0 : i32
        %dma_wait3A_151 = arith.constant 0 : i32
        %dma_wait3A_152 = tpu.memref_slice %arg2[%dma_wait3A_150, %dma_wait3A_151] : memref<10008x128xf32, #tpu.memory_space<hbm>> -> memref<10008x128xf32, #tpu.memory_space<hbm>>
        tpu.wait_indirect_dma semaphore(%arg13 : memref<!tpu.dma_semaphore, #tpu.memory_space<semaphore_mem>>) src(%dma_wait3A_152 : memref<10008x128xf32, #tpu.memory_space<hbm>>) dst(%arg11 : memref<128x128xf32, #tpu.memory_space<vmem>>)
        %add3A_153 = arith.constant 1 : i32
        %add3A_154 = arith.addi %mul3A_127, %add3A_153 : i32
        "tpu.region"() ({
          %run_scoped3A = tpu.sem_alloc : memref<!tpu.dma_semaphore, #tpu.memory_space<semaphore_mem>>
          %dma_start3A_155 = arith.constant 0 : i32
          %dma_start3A_156 = tpu.memref_slice %arg9[%add3A_154, %dma_start3A_155] : memref<20x128xi32, #tpu.memory_space<vmem>> -> memref<1x128xi32, #tpu.memory_space<vmem>>
          %dma_start3A_157 = tpu.memref_squeeze %dma_start3A_156 : memref<1x128xi32, #tpu.memory_space<vmem>> -> memref<128xi32, #tpu.memory_space<vmem>>
          %dma_start3A_158 = arith.constant 0 : i32
          %dma_start3A_159 = arith.constant 0 : i32
          %dma_start3A_160 = tpu.memref_slice %arg7[%dma_start3A_158, %dma_start3A_159] : memref<10112x128xf32, #tpu.memory_space<vmem_shared>> -> memref<10112x128xf32, #tpu.memory_space<vmem_shared>>
          tpu.enqueue_indirect_dma source(%arg11 : memref<128x128xf32, #tpu.memory_space<vmem>>) target(%dma_start3A_160 : memref<10112x128xf32, #tpu.memory_space<vmem_shared>>) offsets(%dma_start3A_157 : memref<128xi32, #tpu.memory_space<vmem>>) semaphore(%run_scoped3A : memref<!tpu.dma_semaphore, #tpu.memory_space<semaphore_mem>>) {add = true}
          %dma_wait3A_161 = arith.constant 0 : i32
          %dma_wait3A_162 = tpu.memref_slice %arg9[%add3A_154, %dma_wait3A_161] : memref<20x128xi32, #tpu.memory_space<vmem>> -> memref<1x128xi32, #tpu.memory_space<vmem>>
          %dma_wait3A_163 = tpu.memref_squeeze %dma_wait3A_162 : memref<1x128xi32, #tpu.memory_space<vmem>> -> memref<128xi32, #tpu.memory_space<vmem>>
          %dma_wait3A_164 = arith.constant 0 : i32
          %dma_wait3A_165 = arith.constant 0 : i32
          %dma_wait3A_166 = tpu.memref_slice %arg7[%dma_wait3A_164, %dma_wait3A_165] : memref<10112x128xf32, #tpu.memory_space<vmem_shared>> -> memref<10112x128xf32, #tpu.memory_space<vmem_shared>>
          tpu.wait_indirect_dma semaphore(%run_scoped3A : memref<!tpu.dma_semaphore, #tpu.memory_space<semaphore_mem>>) src(%arg11 : memref<128x128xf32, #tpu.memory_space<vmem>>) dst(%dma_wait3A_166 : memref<10112x128xf32, #tpu.memory_space<vmem_shared>>)
          tpu.yield
        }) : () -> ()
      }
      %scan3A_86 = arith.constant 10 : i32
      %mul3A_87 = arith.constant 6 : i32
      %mul3A_88 = arith.muli %arg1, %mul3A_87 : i32
      %add3A_89 = arith.constant 32 : i32
      %add3A_90 = arith.addi %add3A_89, %mul3A_88 : i32
      %add3A_91 = arith.constant 4 : i32
      %add3A_92 = arith.addi %add3A_90, %add3A_91 : i32
      "tpu.region"() ({
        %run_scoped3A = tpu.sem_alloc : memref<!tpu.dma_semaphore, #tpu.memory_space<semaphore_mem>>
        %dma_start3A_125 = arith.constant 0 : i32
        %dma_start3A_126 = arith.constant 0 : i32
        %dma_start3A_127 = tpu.memref_slice %arg3[%add3A_92, %dma_start3A_125, %dma_start3A_126] : memref<128x20x128xi32, #tpu.memory_space<hbm>> -> memref<1x20x128xi32, #tpu.memory_space<hbm>>
        %dma_start3A_128 = tpu.memref_squeeze %dma_start3A_127 : memref<1x20x128xi32, #tpu.memory_space<hbm>> -> memref<20x128xi32, #tpu.memory_space<hbm>>
        %dma_start3A_129 = arith.constant 0 : i32
        %dma_start3A_130 = arith.constant 0 : i32
        %dma_start3A_131 = tpu.memref_slice %arg3[%add3A_92, %dma_start3A_129, %dma_start3A_130] : memref<128x20x128xi32, #tpu.memory_space<hbm>> -> memref<1x20x128xi32, #tpu.memory_space<hbm>>
        %dma_start3A_132 = tpu.memref_squeeze %dma_start3A_131 : memref<1x20x128xi32, #tpu.memory_space<hbm>> -> memref<20x128xi32, #tpu.memory_space<hbm>>
        tpu.enqueue_dma source(%dma_start3A_132 : memref<20x128xi32, #tpu.memory_space<hbm>>) target(%arg8 : memref<20x128xi32, #tpu.memory_space<vmem>>) target_semaphore(%run_scoped3A : memref<!tpu.dma_semaphore, #tpu.memory_space<semaphore_mem>>)
        %dma_wait3A = arith.constant 0 : i32
        %dma_wait3A_133 = arith.constant 0 : i32
        %dma_wait3A_134 = tpu.memref_slice %arg3[%add3A_92, %dma_wait3A, %dma_wait3A_133] : memref<128x20x128xi32, #tpu.memory_space<hbm>> -> memref<1x20x128xi32, #tpu.memory_space<hbm>>
        %dma_wait3A_135 = tpu.memref_squeeze %dma_wait3A_134 : memref<1x20x128xi32, #tpu.memory_space<hbm>> -> memref<20x128xi32, #tpu.memory_space<hbm>>
        %dma_wait3A_136 = arith.constant 0 : i32
        %dma_wait3A_137 = arith.constant 0 : i32
        %dma_wait3A_138 = tpu.memref_slice %arg3[%add3A_92, %dma_wait3A_136, %dma_wait3A_137] : memref<128x20x128xi32, #tpu.memory_space<hbm>> -> memref<1x20x128xi32, #tpu.memory_space<hbm>>
        %dma_wait3A_139 = tpu.memref_squeeze %dma_wait3A_138 : memref<1x20x128xi32, #tpu.memory_space<hbm>> -> memref<20x128xi32, #tpu.memory_space<hbm>>
        tpu.wait_dma2 semaphore(%run_scoped3A : memref<!tpu.dma_semaphore, #tpu.memory_space<semaphore_mem>>) src(%dma_wait3A_139 : memref<20x128xi32, #tpu.memory_space<hbm>>) dst(%arg8 : memref<20x128xi32, #tpu.memory_space<vmem>>)
        tpu.yield
      }) : () -> ()
      "tpu.region"() ({
        %run_scoped3A = tpu.sem_alloc : memref<!tpu.dma_semaphore, #tpu.memory_space<semaphore_mem>>
        %dma_start3A_125 = arith.constant 0 : i32
        %dma_start3A_126 = arith.constant 0 : i32
        %dma_start3A_127 = tpu.memref_slice %arg4[%add3A_92, %dma_start3A_125, %dma_start3A_126] : memref<128x20x128xi32, #tpu.memory_space<hbm>> -> memref<1x20x128xi32, #tpu.memory_space<hbm>>
        %dma_start3A_128 = tpu.memref_squeeze %dma_start3A_127 : memref<1x20x128xi32, #tpu.memory_space<hbm>> -> memref<20x128xi32, #tpu.memory_space<hbm>>
        %dma_start3A_129 = arith.constant 0 : i32
        %dma_start3A_130 = arith.constant 0 : i32
        %dma_start3A_131 = tpu.memref_slice %arg4[%add3A_92, %dma_start3A_129, %dma_start3A_130] : memref<128x20x128xi32, #tpu.memory_space<hbm>> -> memref<1x20x128xi32, #tpu.memory_space<hbm>>
        %dma_start3A_132 = tpu.memref_squeeze %dma_start3A_131 : memref<1x20x128xi32, #tpu.memory_space<hbm>> -> memref<20x128xi32, #tpu.memory_space<hbm>>
        tpu.enqueue_dma source(%dma_start3A_132 : memref<20x128xi32, #tpu.memory_space<hbm>>) target(%arg9 : memref<20x128xi32, #tpu.memory_space<vmem>>) target_semaphore(%run_scoped3A : memref<!tpu.dma_semaphore, #tpu.memory_space<semaphore_mem>>)
        %dma_wait3A = arith.constant 0 : i32
        %dma_wait3A_133 = arith.constant 0 : i32
        %dma_wait3A_134 = tpu.memref_slice %arg4[%add3A_92, %dma_wait3A, %dma_wait3A_133] : memref<128x20x128xi32, #tpu.memory_space<hbm>> -> memref<1x20x128xi32, #tpu.memory_space<hbm>>
        %dma_wait3A_135 = tpu.memref_squeeze %dma_wait3A_134 : memref<1x20x128xi32, #tpu.memory_space<hbm>> -> memref<20x128xi32, #tpu.memory_space<hbm>>
        %dma_wait3A_136 = arith.constant 0 : i32
        %dma_wait3A_137 = arith.constant 0 : i32
        %dma_wait3A_138 = tpu.memref_slice %arg4[%add3A_92, %dma_wait3A_136, %dma_wait3A_137] : memref<128x20x128xi32, #tpu.memory_space<hbm>> -> memref<1x20x128xi32, #tpu.memory_space<hbm>>
        %dma_wait3A_139 = tpu.memref_squeeze %dma_wait3A_138 : memref<1x20x128xi32, #tpu.memory_space<hbm>> -> memref<20x128xi32, #tpu.memory_space<hbm>>
        tpu.wait_dma2 semaphore(%run_scoped3A : memref<!tpu.dma_semaphore, #tpu.memory_space<semaphore_mem>>) src(%dma_wait3A_139 : memref<20x128xi32, #tpu.memory_space<hbm>>) dst(%arg9 : memref<20x128xi32, #tpu.memory_space<vmem>>)
        tpu.yield
      }) : () -> ()
      %dma_start3A_93 = arith.constant 0 : i32
      %dma_start3A_94 = arith.constant 0 : i32
      %dma_start3A_95 = tpu.memref_slice %arg8[%dma_start3A_93, %dma_start3A_94] : memref<20x128xi32, #tpu.memory_space<vmem>> -> memref<1x128xi32, #tpu.memory_space<vmem>>
      %dma_start3A_96 = tpu.memref_squeeze %dma_start3A_95 : memref<1x128xi32, #tpu.memory_space<vmem>> -> memref<128xi32, #tpu.memory_space<vmem>>
      %dma_start3A_97 = arith.constant 0 : i32
      %dma_start3A_98 = arith.constant 0 : i32
      %dma_start3A_99 = tpu.memref_slice %arg2[%dma_start3A_97, %dma_start3A_98] : memref<10008x128xf32, #tpu.memory_space<hbm>> -> memref<10008x128xf32, #tpu.memory_space<hbm>>
      tpu.enqueue_indirect_dma source(%dma_start3A_99 : memref<10008x128xf32, #tpu.memory_space<hbm>>) target(%arg10 : memref<128x128xf32, #tpu.memory_space<vmem>>) offsets(%dma_start3A_96 : memref<128xi32, #tpu.memory_space<vmem>>) semaphore(%arg12 : memref<!tpu.dma_semaphore, #tpu.memory_space<semaphore_mem>>)
      %scan3A_100 = arith.constant 0 : i32
      %scan3A_101 = arith.constant 0 : i32
      %scan3A_102 = arith.constant 10 : i32
      %scan3A_103 = arith.addi %scan3A_101, %scan3A_102 : i32
      %scan3A_104 = arith.constant 1 : i32
      scf.for %scan3A_125 = %scan3A_101 to %scan3A_103 step %scan3A_104  : i32 {
        %mul3A_126 = arith.constant 2 : i32
        %mul3A_127 = arith.muli %mul3A_126, %scan3A_125 : i32
        %add3A_128 = arith.constant 1 : i32
        %add3A_129 = arith.addi %mul3A_127, %add3A_128 : i32
        %dma_start3A_130 = arith.constant 0 : i32
        %dma_start3A_131 = tpu.memref_slice %arg8[%add3A_129, %dma_start3A_130] : memref<20x128xi32, #tpu.memory_space<vmem>> -> memref<1x128xi32, #tpu.memory_space<vmem>>
        %dma_start3A_132 = tpu.memref_squeeze %dma_start3A_131 : memref<1x128xi32, #tpu.memory_space<vmem>> -> memref<128xi32, #tpu.memory_space<vmem>>
        %dma_start3A_133 = arith.constant 0 : i32
        %dma_start3A_134 = arith.constant 0 : i32
        %dma_start3A_135 = tpu.memref_slice %arg2[%dma_start3A_133, %dma_start3A_134] : memref<10008x128xf32, #tpu.memory_space<hbm>> -> memref<10008x128xf32, #tpu.memory_space<hbm>>
        tpu.enqueue_indirect_dma source(%dma_start3A_135 : memref<10008x128xf32, #tpu.memory_space<hbm>>) target(%arg11 : memref<128x128xf32, #tpu.memory_space<vmem>>) offsets(%dma_start3A_132 : memref<128xi32, #tpu.memory_space<vmem>>) semaphore(%arg13 : memref<!tpu.dma_semaphore, #tpu.memory_space<semaphore_mem>>)
        %dma_wait3A = arith.constant 0 : i32
        %dma_wait3A_136 = tpu.memref_slice %arg8[%mul3A_127, %dma_wait3A] : memref<20x128xi32, #tpu.memory_space<vmem>> -> memref<1x128xi32, #tpu.memory_space<vmem>>
        %dma_wait3A_137 = tpu.memref_squeeze %dma_wait3A_136 : memref<1x128xi32, #tpu.memory_space<vmem>> -> memref<128xi32, #tpu.memory_space<vmem>>
        %dma_wait3A_138 = arith.constant 0 : i32
        %dma_wait3A_139 = arith.constant 0 : i32
        %dma_wait3A_140 = tpu.memref_slice %arg2[%dma_wait3A_138, %dma_wait3A_139] : memref<10008x128xf32, #tpu.memory_space<hbm>> -> memref<10008x128xf32, #tpu.memory_space<hbm>>
        tpu.wait_indirect_dma semaphore(%arg12 : memref<!tpu.dma_semaphore, #tpu.memory_space<semaphore_mem>>) src(%dma_wait3A_140 : memref<10008x128xf32, #tpu.memory_space<hbm>>) dst(%arg10 : memref<128x128xf32, #tpu.memory_space<vmem>>)
        "tpu.region"() ({
          %run_scoped3A = tpu.sem_alloc : memref<!tpu.dma_semaphore, #tpu.memory_space<semaphore_mem>>
          %dma_start3A_155 = arith.constant 0 : i32
          %dma_start3A_156 = tpu.memref_slice %arg9[%mul3A_127, %dma_start3A_155] : memref<20x128xi32, #tpu.memory_space<vmem>> -> memref<1x128xi32, #tpu.memory_space<vmem>>
          %dma_start3A_157 = tpu.memref_squeeze %dma_start3A_156 : memref<1x128xi32, #tpu.memory_space<vmem>> -> memref<128xi32, #tpu.memory_space<vmem>>
          %dma_start3A_158 = arith.constant 0 : i32
          %dma_start3A_159 = arith.constant 0 : i32
          %dma_start3A_160 = tpu.memref_slice %arg7[%dma_start3A_158, %dma_start3A_159] : memref<10112x128xf32, #tpu.memory_space<vmem_shared>> -> memref<10112x128xf32, #tpu.memory_space<vmem_shared>>
          tpu.enqueue_indirect_dma source(%arg10 : memref<128x128xf32, #tpu.memory_space<vmem>>) target(%dma_start3A_160 : memref<10112x128xf32, #tpu.memory_space<vmem_shared>>) offsets(%dma_start3A_157 : memref<128xi32, #tpu.memory_space<vmem>>) semaphore(%run_scoped3A : memref<!tpu.dma_semaphore, #tpu.memory_space<semaphore_mem>>) {add = true}
          %dma_wait3A_161 = arith.constant 0 : i32
          %dma_wait3A_162 = tpu.memref_slice %arg9[%mul3A_127, %dma_wait3A_161] : memref<20x128xi32, #tpu.memory_space<vmem>> -> memref<1x128xi32, #tpu.memory_space<vmem>>
          %dma_wait3A_163 = tpu.memref_squeeze %dma_wait3A_162 : memref<1x128xi32, #tpu.memory_space<vmem>> -> memref<128xi32, #tpu.memory_space<vmem>>
          %dma_wait3A_164 = arith.constant 0 : i32
          %dma_wait3A_165 = arith.constant 0 : i32
          %dma_wait3A_166 = tpu.memref_slice %arg7[%dma_wait3A_164, %dma_wait3A_165] : memref<10112x128xf32, #tpu.memory_space<vmem_shared>> -> memref<10112x128xf32, #tpu.memory_space<vmem_shared>>
          tpu.wait_indirect_dma semaphore(%run_scoped3A : memref<!tpu.dma_semaphore, #tpu.memory_space<semaphore_mem>>) src(%arg10 : memref<128x128xf32, #tpu.memory_space<vmem>>) dst(%dma_wait3A_166 : memref<10112x128xf32, #tpu.memory_space<vmem_shared>>)
          tpu.yield
        }) : () -> ()
        %lt3A = arith.constant 9 : i32
        %lt3A_141 = arith.cmpi slt, %scan3A_125, %lt3A : i32
        %convert_element_type3A_142 = arith.extui %lt3A_141 : i1 to i32
        %cond3A_143 = arith.constant 0 : i32
        %cond3A_144 = arith.cmpi ne, %convert_element_type3A_142, %cond3A_143 : i32
        scf.if %cond3A_144 {
          %add3A_155 = arith.constant 2 : i32
          %add3A_156 = arith.addi %mul3A_127, %add3A_155 : i32
          %dma_start3A_157 = arith.constant 0 : i32
          %dma_start3A_158 = tpu.memref_slice %arg8[%add3A_156, %dma_start3A_157] : memref<20x128xi32, #tpu.memory_space<vmem>> -> memref<1x128xi32, #tpu.memory_space<vmem>>
          %dma_start3A_159 = tpu.memref_squeeze %dma_start3A_158 : memref<1x128xi32, #tpu.memory_space<vmem>> -> memref<128xi32, #tpu.memory_space<vmem>>
          %dma_start3A_160 = arith.constant 0 : i32
          %dma_start3A_161 = arith.constant 0 : i32
          %dma_start3A_162 = tpu.memref_slice %arg2[%dma_start3A_160, %dma_start3A_161] : memref<10008x128xf32, #tpu.memory_space<hbm>> -> memref<10008x128xf32, #tpu.memory_space<hbm>>
          tpu.enqueue_indirect_dma source(%dma_start3A_162 : memref<10008x128xf32, #tpu.memory_space<hbm>>) target(%arg10 : memref<128x128xf32, #tpu.memory_space<vmem>>) offsets(%dma_start3A_159 : memref<128xi32, #tpu.memory_space<vmem>>) semaphore(%arg12 : memref<!tpu.dma_semaphore, #tpu.memory_space<semaphore_mem>>)
        } else {
        }
        %add3A_145 = arith.constant 1 : i32
        %add3A_146 = arith.addi %mul3A_127, %add3A_145 : i32
        %dma_wait3A_147 = arith.constant 0 : i32
        %dma_wait3A_148 = tpu.memref_slice %arg8[%add3A_146, %dma_wait3A_147] : memref<20x128xi32, #tpu.memory_space<vmem>> -> memref<1x128xi32, #tpu.memory_space<vmem>>
        %dma_wait3A_149 = tpu.memref_squeeze %dma_wait3A_148 : memref<1x128xi32, #tpu.memory_space<vmem>> -> memref<128xi32, #tpu.memory_space<vmem>>
        %dma_wait3A_150 = arith.constant 0 : i32
        %dma_wait3A_151 = arith.constant 0 : i32
        %dma_wait3A_152 = tpu.memref_slice %arg2[%dma_wait3A_150, %dma_wait3A_151] : memref<10008x128xf32, #tpu.memory_space<hbm>> -> memref<10008x128xf32, #tpu.memory_space<hbm>>
        tpu.wait_indirect_dma semaphore(%arg13 : memref<!tpu.dma_semaphore, #tpu.memory_space<semaphore_mem>>) src(%dma_wait3A_152 : memref<10008x128xf32, #tpu.memory_space<hbm>>) dst(%arg11 : memref<128x128xf32, #tpu.memory_space<vmem>>)
        %add3A_153 = arith.constant 1 : i32
        %add3A_154 = arith.addi %mul3A_127, %add3A_153 : i32
        "tpu.region"() ({
          %run_scoped3A = tpu.sem_alloc : memref<!tpu.dma_semaphore, #tpu.memory_space<semaphore_mem>>
          %dma_start3A_155 = arith.constant 0 : i32
          %dma_start3A_156 = tpu.memref_slice %arg9[%add3A_154, %dma_start3A_155] : memref<20x128xi32, #tpu.memory_space<vmem>> -> memref<1x128xi32, #tpu.memory_space<vmem>>
          %dma_start3A_157 = tpu.memref_squeeze %dma_start3A_156 : memref<1x128xi32, #tpu.memory_space<vmem>> -> memref<128xi32, #tpu.memory_space<vmem>>
          %dma_start3A_158 = arith.constant 0 : i32
          %dma_start3A_159 = arith.constant 0 : i32
          %dma_start3A_160 = tpu.memref_slice %arg7[%dma_start3A_158, %dma_start3A_159] : memref<10112x128xf32, #tpu.memory_space<vmem_shared>> -> memref<10112x128xf32, #tpu.memory_space<vmem_shared>>
          tpu.enqueue_indirect_dma source(%arg11 : memref<128x128xf32, #tpu.memory_space<vmem>>) target(%dma_start3A_160 : memref<10112x128xf32, #tpu.memory_space<vmem_shared>>) offsets(%dma_start3A_157 : memref<128xi32, #tpu.memory_space<vmem>>) semaphore(%run_scoped3A : memref<!tpu.dma_semaphore, #tpu.memory_space<semaphore_mem>>) {add = true}
          %dma_wait3A_161 = arith.constant 0 : i32
          %dma_wait3A_162 = tpu.memref_slice %arg9[%add3A_154, %dma_wait3A_161] : memref<20x128xi32, #tpu.memory_space<vmem>> -> memref<1x128xi32, #tpu.memory_space<vmem>>
          %dma_wait3A_163 = tpu.memref_squeeze %dma_wait3A_162 : memref<1x128xi32, #tpu.memory_space<vmem>> -> memref<128xi32, #tpu.memory_space<vmem>>
          %dma_wait3A_164 = arith.constant 0 : i32
          %dma_wait3A_165 = arith.constant 0 : i32
          %dma_wait3A_166 = tpu.memref_slice %arg7[%dma_wait3A_164, %dma_wait3A_165] : memref<10112x128xf32, #tpu.memory_space<vmem_shared>> -> memref<10112x128xf32, #tpu.memory_space<vmem_shared>>
          tpu.wait_indirect_dma semaphore(%run_scoped3A : memref<!tpu.dma_semaphore, #tpu.memory_space<semaphore_mem>>) src(%arg11 : memref<128x128xf32, #tpu.memory_space<vmem>>) dst(%dma_wait3A_166 : memref<10112x128xf32, #tpu.memory_space<vmem_shared>>)
          tpu.yield
        }) : () -> ()
      }
      %scan3A_105 = arith.constant 10 : i32
      %mul3A_106 = arith.constant 6 : i32
      %mul3A_107 = arith.muli %arg1, %mul3A_106 : i32
      %add3A_108 = arith.constant 32 : i32
      %add3A_109 = arith.addi %add3A_108, %mul3A_107 : i32
      %add3A_110 = arith.constant 5 : i32
      %add3A_111 = arith.addi %add3A_109, %add3A_110 : i32
      "tpu.region"() ({
        %run_scoped3A = tpu.sem_alloc : memref<!tpu.dma_semaphore, #tpu.memory_space<semaphore_mem>>
        %dma_start3A_125 = arith.constant 0 : i32
        %dma_start3A_126 = arith.constant 0 : i32
        %dma_start3A_127 = tpu.memref_slice %arg3[%add3A_111, %dma_start3A_125, %dma_start3A_126] : memref<128x20x128xi32, #tpu.memory_space<hbm>> -> memref<1x20x128xi32, #tpu.memory_space<hbm>>
        %dma_start3A_128 = tpu.memref_squeeze %dma_start3A_127 : memref<1x20x128xi32, #tpu.memory_space<hbm>> -> memref<20x128xi32, #tpu.memory_space<hbm>>
        %dma_start3A_129 = arith.constant 0 : i32
        %dma_start3A_130 = arith.constant 0 : i32
        %dma_start3A_131 = tpu.memref_slice %arg3[%add3A_111, %dma_start3A_129, %dma_start3A_130] : memref<128x20x128xi32, #tpu.memory_space<hbm>> -> memref<1x20x128xi32, #tpu.memory_space<hbm>>
        %dma_start3A_132 = tpu.memref_squeeze %dma_start3A_131 : memref<1x20x128xi32, #tpu.memory_space<hbm>> -> memref<20x128xi32, #tpu.memory_space<hbm>>
        tpu.enqueue_dma source(%dma_start3A_132 : memref<20x128xi32, #tpu.memory_space<hbm>>) target(%arg8 : memref<20x128xi32, #tpu.memory_space<vmem>>) target_semaphore(%run_scoped3A : memref<!tpu.dma_semaphore, #tpu.memory_space<semaphore_mem>>)
        %dma_wait3A = arith.constant 0 : i32
        %dma_wait3A_133 = arith.constant 0 : i32
        %dma_wait3A_134 = tpu.memref_slice %arg3[%add3A_111, %dma_wait3A, %dma_wait3A_133] : memref<128x20x128xi32, #tpu.memory_space<hbm>> -> memref<1x20x128xi32, #tpu.memory_space<hbm>>
        %dma_wait3A_135 = tpu.memref_squeeze %dma_wait3A_134 : memref<1x20x128xi32, #tpu.memory_space<hbm>> -> memref<20x128xi32, #tpu.memory_space<hbm>>
        %dma_wait3A_136 = arith.constant 0 : i32
        %dma_wait3A_137 = arith.constant 0 : i32
        %dma_wait3A_138 = tpu.memref_slice %arg3[%add3A_111, %dma_wait3A_136, %dma_wait3A_137] : memref<128x20x128xi32, #tpu.memory_space<hbm>> -> memref<1x20x128xi32, #tpu.memory_space<hbm>>
        %dma_wait3A_139 = tpu.memref_squeeze %dma_wait3A_138 : memref<1x20x128xi32, #tpu.memory_space<hbm>> -> memref<20x128xi32, #tpu.memory_space<hbm>>
        tpu.wait_dma2 semaphore(%run_scoped3A : memref<!tpu.dma_semaphore, #tpu.memory_space<semaphore_mem>>) src(%dma_wait3A_139 : memref<20x128xi32, #tpu.memory_space<hbm>>) dst(%arg8 : memref<20x128xi32, #tpu.memory_space<vmem>>)
        tpu.yield
      }) : () -> ()
      "tpu.region"() ({
        %run_scoped3A = tpu.sem_alloc : memref<!tpu.dma_semaphore, #tpu.memory_space<semaphore_mem>>
        %dma_start3A_125 = arith.constant 0 : i32
        %dma_start3A_126 = arith.constant 0 : i32
        %dma_start3A_127 = tpu.memref_slice %arg4[%add3A_111, %dma_start3A_125, %dma_start3A_126] : memref<128x20x128xi32, #tpu.memory_space<hbm>> -> memref<1x20x128xi32, #tpu.memory_space<hbm>>
        %dma_start3A_128 = tpu.memref_squeeze %dma_start3A_127 : memref<1x20x128xi32, #tpu.memory_space<hbm>> -> memref<20x128xi32, #tpu.memory_space<hbm>>
        %dma_start3A_129 = arith.constant 0 : i32
        %dma_start3A_130 = arith.constant 0 : i32
        %dma_start3A_131 = tpu.memref_slice %arg4[%add3A_111, %dma_start3A_129, %dma_start3A_130] : memref<128x20x128xi32, #tpu.memory_space<hbm>> -> memref<1x20x128xi32, #tpu.memory_space<hbm>>
        %dma_start3A_132 = tpu.memref_squeeze %dma_start3A_131 : memref<1x20x128xi32, #tpu.memory_space<hbm>> -> memref<20x128xi32, #tpu.memory_space<hbm>>
        tpu.enqueue_dma source(%dma_start3A_132 : memref<20x128xi32, #tpu.memory_space<hbm>>) target(%arg9 : memref<20x128xi32, #tpu.memory_space<vmem>>) target_semaphore(%run_scoped3A : memref<!tpu.dma_semaphore, #tpu.memory_space<semaphore_mem>>)
        %dma_wait3A = arith.constant 0 : i32
        %dma_wait3A_133 = arith.constant 0 : i32
        %dma_wait3A_134 = tpu.memref_slice %arg4[%add3A_111, %dma_wait3A, %dma_wait3A_133] : memref<128x20x128xi32, #tpu.memory_space<hbm>> -> memref<1x20x128xi32, #tpu.memory_space<hbm>>
        %dma_wait3A_135 = tpu.memref_squeeze %dma_wait3A_134 : memref<1x20x128xi32, #tpu.memory_space<hbm>> -> memref<20x128xi32, #tpu.memory_space<hbm>>
        %dma_wait3A_136 = arith.constant 0 : i32
        %dma_wait3A_137 = arith.constant 0 : i32
        %dma_wait3A_138 = tpu.memref_slice %arg4[%add3A_111, %dma_wait3A_136, %dma_wait3A_137] : memref<128x20x128xi32, #tpu.memory_space<hbm>> -> memref<1x20x128xi32, #tpu.memory_space<hbm>>
        %dma_wait3A_139 = tpu.memref_squeeze %dma_wait3A_138 : memref<1x20x128xi32, #tpu.memory_space<hbm>> -> memref<20x128xi32, #tpu.memory_space<hbm>>
        tpu.wait_dma2 semaphore(%run_scoped3A : memref<!tpu.dma_semaphore, #tpu.memory_space<semaphore_mem>>) src(%dma_wait3A_139 : memref<20x128xi32, #tpu.memory_space<hbm>>) dst(%arg9 : memref<20x128xi32, #tpu.memory_space<vmem>>)
        tpu.yield
      }) : () -> ()
      %dma_start3A_112 = arith.constant 0 : i32
      %dma_start3A_113 = arith.constant 0 : i32
      %dma_start3A_114 = tpu.memref_slice %arg8[%dma_start3A_112, %dma_start3A_113] : memref<20x128xi32, #tpu.memory_space<vmem>> -> memref<1x128xi32, #tpu.memory_space<vmem>>
      %dma_start3A_115 = tpu.memref_squeeze %dma_start3A_114 : memref<1x128xi32, #tpu.memory_space<vmem>> -> memref<128xi32, #tpu.memory_space<vmem>>
      %dma_start3A_116 = arith.constant 0 : i32
      %dma_start3A_117 = arith.constant 0 : i32
      %dma_start3A_118 = tpu.memref_slice %arg2[%dma_start3A_116, %dma_start3A_117] : memref<10008x128xf32, #tpu.memory_space<hbm>> -> memref<10008x128xf32, #tpu.memory_space<hbm>>
      tpu.enqueue_indirect_dma source(%dma_start3A_118 : memref<10008x128xf32, #tpu.memory_space<hbm>>) target(%arg10 : memref<128x128xf32, #tpu.memory_space<vmem>>) offsets(%dma_start3A_115 : memref<128xi32, #tpu.memory_space<vmem>>) semaphore(%arg12 : memref<!tpu.dma_semaphore, #tpu.memory_space<semaphore_mem>>)
      %scan3A_119 = arith.constant 0 : i32
      %scan3A_120 = arith.constant 0 : i32
      %scan3A_121 = arith.constant 10 : i32
      %scan3A_122 = arith.addi %scan3A_120, %scan3A_121 : i32
      %scan3A_123 = arith.constant 1 : i32
      scf.for %scan3A_125 = %scan3A_120 to %scan3A_122 step %scan3A_123  : i32 {
        %mul3A_126 = arith.constant 2 : i32
        %mul3A_127 = arith.muli %mul3A_126, %scan3A_125 : i32
        %add3A_128 = arith.constant 1 : i32
        %add3A_129 = arith.addi %mul3A_127, %add3A_128 : i32
        %dma_start3A_130 = arith.constant 0 : i32
        %dma_start3A_131 = tpu.memref_slice %arg8[%add3A_129, %dma_start3A_130] : memref<20x128xi32, #tpu.memory_space<vmem>> -> memref<1x128xi32, #tpu.memory_space<vmem>>
        %dma_start3A_132 = tpu.memref_squeeze %dma_start3A_131 : memref<1x128xi32, #tpu.memory_space<vmem>> -> memref<128xi32, #tpu.memory_space<vmem>>
        %dma_start3A_133 = arith.constant 0 : i32
        %dma_start3A_134 = arith.constant 0 : i32
        %dma_start3A_135 = tpu.memref_slice %arg2[%dma_start3A_133, %dma_start3A_134] : memref<10008x128xf32, #tpu.memory_space<hbm>> -> memref<10008x128xf32, #tpu.memory_space<hbm>>
        tpu.enqueue_indirect_dma source(%dma_start3A_135 : memref<10008x128xf32, #tpu.memory_space<hbm>>) target(%arg11 : memref<128x128xf32, #tpu.memory_space<vmem>>) offsets(%dma_start3A_132 : memref<128xi32, #tpu.memory_space<vmem>>) semaphore(%arg13 : memref<!tpu.dma_semaphore, #tpu.memory_space<semaphore_mem>>)
        %dma_wait3A = arith.constant 0 : i32
        %dma_wait3A_136 = tpu.memref_slice %arg8[%mul3A_127, %dma_wait3A] : memref<20x128xi32, #tpu.memory_space<vmem>> -> memref<1x128xi32, #tpu.memory_space<vmem>>
        %dma_wait3A_137 = tpu.memref_squeeze %dma_wait3A_136 : memref<1x128xi32, #tpu.memory_space<vmem>> -> memref<128xi32, #tpu.memory_space<vmem>>
        %dma_wait3A_138 = arith.constant 0 : i32
        %dma_wait3A_139 = arith.constant 0 : i32
        %dma_wait3A_140 = tpu.memref_slice %arg2[%dma_wait3A_138, %dma_wait3A_139] : memref<10008x128xf32, #tpu.memory_space<hbm>> -> memref<10008x128xf32, #tpu.memory_space<hbm>>
        tpu.wait_indirect_dma semaphore(%arg12 : memref<!tpu.dma_semaphore, #tpu.memory_space<semaphore_mem>>) src(%dma_wait3A_140 : memref<10008x128xf32, #tpu.memory_space<hbm>>) dst(%arg10 : memref<128x128xf32, #tpu.memory_space<vmem>>)
        "tpu.region"() ({
          %run_scoped3A = tpu.sem_alloc : memref<!tpu.dma_semaphore, #tpu.memory_space<semaphore_mem>>
          %dma_start3A_155 = arith.constant 0 : i32
          %dma_start3A_156 = tpu.memref_slice %arg9[%mul3A_127, %dma_start3A_155] : memref<20x128xi32, #tpu.memory_space<vmem>> -> memref<1x128xi32, #tpu.memory_space<vmem>>
          %dma_start3A_157 = tpu.memref_squeeze %dma_start3A_156 : memref<1x128xi32, #tpu.memory_space<vmem>> -> memref<128xi32, #tpu.memory_space<vmem>>
          %dma_start3A_158 = arith.constant 0 : i32
          %dma_start3A_159 = arith.constant 0 : i32
          %dma_start3A_160 = tpu.memref_slice %arg7[%dma_start3A_158, %dma_start3A_159] : memref<10112x128xf32, #tpu.memory_space<vmem_shared>> -> memref<10112x128xf32, #tpu.memory_space<vmem_shared>>
          tpu.enqueue_indirect_dma source(%arg10 : memref<128x128xf32, #tpu.memory_space<vmem>>) target(%dma_start3A_160 : memref<10112x128xf32, #tpu.memory_space<vmem_shared>>) offsets(%dma_start3A_157 : memref<128xi32, #tpu.memory_space<vmem>>) semaphore(%run_scoped3A : memref<!tpu.dma_semaphore, #tpu.memory_space<semaphore_mem>>) {add = true}
          %dma_wait3A_161 = arith.constant 0 : i32
          %dma_wait3A_162 = tpu.memref_slice %arg9[%mul3A_127, %dma_wait3A_161] : memref<20x128xi32, #tpu.memory_space<vmem>> -> memref<1x128xi32, #tpu.memory_space<vmem>>
          %dma_wait3A_163 = tpu.memref_squeeze %dma_wait3A_162 : memref<1x128xi32, #tpu.memory_space<vmem>> -> memref<128xi32, #tpu.memory_space<vmem>>
          %dma_wait3A_164 = arith.constant 0 : i32
          %dma_wait3A_165 = arith.constant 0 : i32
          %dma_wait3A_166 = tpu.memref_slice %arg7[%dma_wait3A_164, %dma_wait3A_165] : memref<10112x128xf32, #tpu.memory_space<vmem_shared>> -> memref<10112x128xf32, #tpu.memory_space<vmem_shared>>
          tpu.wait_indirect_dma semaphore(%run_scoped3A : memref<!tpu.dma_semaphore, #tpu.memory_space<semaphore_mem>>) src(%arg10 : memref<128x128xf32, #tpu.memory_space<vmem>>) dst(%dma_wait3A_166 : memref<10112x128xf32, #tpu.memory_space<vmem_shared>>)
          tpu.yield
        }) : () -> ()
        %lt3A = arith.constant 9 : i32
        %lt3A_141 = arith.cmpi slt, %scan3A_125, %lt3A : i32
        %convert_element_type3A_142 = arith.extui %lt3A_141 : i1 to i32
        %cond3A_143 = arith.constant 0 : i32
        %cond3A_144 = arith.cmpi ne, %convert_element_type3A_142, %cond3A_143 : i32
        scf.if %cond3A_144 {
          %add3A_155 = arith.constant 2 : i32
          %add3A_156 = arith.addi %mul3A_127, %add3A_155 : i32
          %dma_start3A_157 = arith.constant 0 : i32
          %dma_start3A_158 = tpu.memref_slice %arg8[%add3A_156, %dma_start3A_157] : memref<20x128xi32, #tpu.memory_space<vmem>> -> memref<1x128xi32, #tpu.memory_space<vmem>>
          %dma_start3A_159 = tpu.memref_squeeze %dma_start3A_158 : memref<1x128xi32, #tpu.memory_space<vmem>> -> memref<128xi32, #tpu.memory_space<vmem>>
          %dma_start3A_160 = arith.constant 0 : i32
          %dma_start3A_161 = arith.constant 0 : i32
          %dma_start3A_162 = tpu.memref_slice %arg2[%dma_start3A_160, %dma_start3A_161] : memref<10008x128xf32, #tpu.memory_space<hbm>> -> memref<10008x128xf32, #tpu.memory_space<hbm>>
          tpu.enqueue_indirect_dma source(%dma_start3A_162 : memref<10008x128xf32, #tpu.memory_space<hbm>>) target(%arg10 : memref<128x128xf32, #tpu.memory_space<vmem>>) offsets(%dma_start3A_159 : memref<128xi32, #tpu.memory_space<vmem>>) semaphore(%arg12 : memref<!tpu.dma_semaphore, #tpu.memory_space<semaphore_mem>>)
        } else {
        }
        %add3A_145 = arith.constant 1 : i32
        %add3A_146 = arith.addi %mul3A_127, %add3A_145 : i32
        %dma_wait3A_147 = arith.constant 0 : i32
        %dma_wait3A_148 = tpu.memref_slice %arg8[%add3A_146, %dma_wait3A_147] : memref<20x128xi32, #tpu.memory_space<vmem>> -> memref<1x128xi32, #tpu.memory_space<vmem>>
        %dma_wait3A_149 = tpu.memref_squeeze %dma_wait3A_148 : memref<1x128xi32, #tpu.memory_space<vmem>> -> memref<128xi32, #tpu.memory_space<vmem>>
        %dma_wait3A_150 = arith.constant 0 : i32
        %dma_wait3A_151 = arith.constant 0 : i32
        %dma_wait3A_152 = tpu.memref_slice %arg2[%dma_wait3A_150, %dma_wait3A_151] : memref<10008x128xf32, #tpu.memory_space<hbm>> -> memref<10008x128xf32, #tpu.memory_space<hbm>>
        tpu.wait_indirect_dma semaphore(%arg13 : memref<!tpu.dma_semaphore, #tpu.memory_space<semaphore_mem>>) src(%dma_wait3A_152 : memref<10008x128xf32, #tpu.memory_space<hbm>>) dst(%arg11 : memref<128x128xf32, #tpu.memory_space<vmem>>)
        %add3A_153 = arith.constant 1 : i32
        %add3A_154 = arith.addi %mul3A_127, %add3A_153 : i32
        "tpu.region"() ({
          %run_scoped3A = tpu.sem_alloc : memref<!tpu.dma_semaphore, #tpu.memory_space<semaphore_mem>>
          %dma_start3A_155 = arith.constant 0 : i32
          %dma_start3A_156 = tpu.memref_slice %arg9[%add3A_154, %dma_start3A_155] : memref<20x128xi32, #tpu.memory_space<vmem>> -> memref<1x128xi32, #tpu.memory_space<vmem>>
          %dma_start3A_157 = tpu.memref_squeeze %dma_start3A_156 : memref<1x128xi32, #tpu.memory_space<vmem>> -> memref<128xi32, #tpu.memory_space<vmem>>
          %dma_start3A_158 = arith.constant 0 : i32
          %dma_start3A_159 = arith.constant 0 : i32
          %dma_start3A_160 = tpu.memref_slice %arg7[%dma_start3A_158, %dma_start3A_159] : memref<10112x128xf32, #tpu.memory_space<vmem_shared>> -> memref<10112x128xf32, #tpu.memory_space<vmem_shared>>
          tpu.enqueue_indirect_dma source(%arg11 : memref<128x128xf32, #tpu.memory_space<vmem>>) target(%dma_start3A_160 : memref<10112x128xf32, #tpu.memory_space<vmem_shared>>) offsets(%dma_start3A_157 : memref<128xi32, #tpu.memory_space<vmem>>) semaphore(%run_scoped3A : memref<!tpu.dma_semaphore, #tpu.memory_space<semaphore_mem>>) {add = true}
          %dma_wait3A_161 = arith.constant 0 : i32
          %dma_wait3A_162 = tpu.memref_slice %arg9[%add3A_154, %dma_wait3A_161] : memref<20x128xi32, #tpu.memory_space<vmem>> -> memref<1x128xi32, #tpu.memory_space<vmem>>
          %dma_wait3A_163 = tpu.memref_squeeze %dma_wait3A_162 : memref<1x128xi32, #tpu.memory_space<vmem>> -> memref<128xi32, #tpu.memory_space<vmem>>
          %dma_wait3A_164 = arith.constant 0 : i32
          %dma_wait3A_165 = arith.constant 0 : i32
          %dma_wait3A_166 = tpu.memref_slice %arg7[%dma_wait3A_164, %dma_wait3A_165] : memref<10112x128xf32, #tpu.memory_space<vmem_shared>> -> memref<10112x128xf32, #tpu.memory_space<vmem_shared>>
          tpu.wait_indirect_dma semaphore(%run_scoped3A : memref<!tpu.dma_semaphore, #tpu.memory_space<semaphore_mem>>) src(%arg11 : memref<128x128xf32, #tpu.memory_space<vmem>>) dst(%dma_wait3A_166 : memref<10112x128xf32, #tpu.memory_space<vmem_shared>>)
          tpu.yield
        }) : () -> ()
      }
      %scan3A_124 = arith.constant 10 : i32
    } else {
    }
    %barrier3A_9 = arith.constant 0 : index
    tpu.barrier barrier_id(%barrier3A_9)
    %mul3A_10 = arith.constant 632 : i32
    %mul3A_11 = arith.muli %arg1, %mul3A_10 : i32
    %mul3A_12 = arith.constant 632 : i32
    %mul3A_13 = arith.muli %arg1, %mul3A_12 : i32
    "tpu.region"() ({
      %run_scoped3A = tpu.sem_alloc : memref<!tpu.dma_semaphore, #tpu.memory_space<semaphore_mem>>
      %dma_start3A = arith.constant 0 : i32
      %dma_start3A_14 = tpu.memref_slice %arg6[%arg0, %mul3A_13, %dma_start3A] : memref<2x10112x128xf32, #tpu.memory_space<hbm>> -> memref<1x632x128xf32, #tpu.memory_space<hbm>>
      %dma_start3A_15 = tpu.memref_squeeze %dma_start3A_14 : memref<1x632x128xf32, #tpu.memory_space<hbm>> -> memref<632x128xf32, #tpu.memory_space<hbm>>
      %dma_start3A_16 = arith.constant 0 : i32
      %dma_start3A_17 = tpu.memref_slice %arg7[%mul3A_11, %dma_start3A_16] : memref<10112x128xf32, #tpu.memory_space<vmem_shared>> -> memref<632x128xf32, #tpu.memory_space<vmem_shared>>
      tpu.enqueue_dma source(%dma_start3A_17 : memref<632x128xf32, #tpu.memory_space<vmem_shared>>) target(%dma_start3A_15 : memref<632x128xf32, #tpu.memory_space<hbm>>) target_semaphore(%run_scoped3A : memref<!tpu.dma_semaphore, #tpu.memory_space<semaphore_mem>>)
      %dma_wait3A = arith.constant 0 : i32
      %dma_wait3A_18 = tpu.memref_slice %arg6[%arg0, %mul3A_13, %dma_wait3A] : memref<2x10112x128xf32, #tpu.memory_space<hbm>> -> memref<1x632x128xf32, #tpu.memory_space<hbm>>
      %dma_wait3A_19 = tpu.memref_squeeze %dma_wait3A_18 : memref<1x632x128xf32, #tpu.memory_space<hbm>> -> memref<632x128xf32, #tpu.memory_space<hbm>>
      %dma_wait3A_20 = arith.constant 0 : i32
      %dma_wait3A_21 = tpu.memref_slice %arg7[%mul3A_11, %dma_wait3A_20] : memref<10112x128xf32, #tpu.memory_space<vmem_shared>> -> memref<632x128xf32, #tpu.memory_space<vmem_shared>>
      tpu.wait_dma2 semaphore(%run_scoped3A : memref<!tpu.dma_semaphore, #tpu.memory_space<semaphore_mem>>) src(%dma_wait3A_21 : memref<632x128xf32, #tpu.memory_space<vmem_shared>>) dst(%dma_wait3A_19 : memref<632x128xf32, #tpu.memory_space<hbm>>)
      tpu.yield
    }) : () -> ()
    return
  }
}

module attributes {stable_mosaic.version = 14 : i64} {
  func.func @_scale_body(%arg0: i32, %arg1: memref<2000x128xf32, #tpu.memory_space<vmem>>, %arg2: memref<2000x1xf32, #tpu.memory_space<vmem>>, %arg3: memref<2000x128xf32, #tpu.memory_space<vmem>>) attributes {dimension_semantics = [#tpu.dimension_semantics<arbitrary>], iteration_bounds = array<i64: 5>, scalar_prefetch = 0 : i64, scratch_operands = 0 : i64, tpu.core_type = #tpu.core_type<tc>, window_params = [{transform_indices = @transform_0, window_bounds = array<i64: 2000, 128>}, {transform_indices = @transform_1, window_bounds = array<i64: 2000, 1>}, {transform_indices = @transform_2, window_bounds = array<i64: 2000, 128>}]} {
    %get3A = arith.constant 0 : index
    %get3A_0 = arith.constant 0 : index
    %get3A_1 = vector.load %arg1[%get3A, %get3A_0] : memref<2000x128xf32, #tpu.memory_space<vmem>>, vector<2000x128xf32>
    %get3A_2 = arith.constant 0 : index
    %get3A_3 = arith.constant 0 : index
    %get3A_4 = vector.load %arg2[%get3A_2, %get3A_3] : memref<2000x1xf32, #tpu.memory_space<vmem>>, vector<2000x1xf32>
    %mul3A = vector.broadcast %get3A_4 : vector<2000x1xf32> to vector<2000x128xf32>
    %mul3A_5 = arith.mulf %get3A_1, %mul3A : vector<2000x128xf32>
    %swap3A = arith.constant 0 : index
    %swap3A_6 = arith.constant 0 : index
    %swap3A_7 = vector.load %arg3[%swap3A, %swap3A_6] : memref<2000x128xf32, #tpu.memory_space<vmem>>, vector<2000x128xf32>
    tpu.vector_store %arg3[%swap3A, %swap3A_6], %mul3A_5 {strides = array<i32>} : memref<2000x128xf32, #tpu.memory_space<vmem>>, vector<2000x128xf32>,
    return
  }
  func.func @transform_0(%arg0: i32) -> (i32, i32) {
    %c0_i32 = arith.constant 0 : i32
    %c0_i32_0 = arith.constant 0 : i32
    return %arg0, %c0_i32 : i32, i32
  }
  func.func @transform_1(%arg0: i32) -> (i32, i32) {
    %c0_i32 = arith.constant 0 : i32
    %c0_i32_0 = arith.constant 0 : i32
    return %arg0, %c0_i32 : i32, i32
  }
  func.func @transform_2(%arg0: i32) -> (i32, i32) {
    %c0_i32 = arith.constant 0 : i32
    %c0_i32_0 = arith.constant 0 : i32
    return %arg0, %c0_i32 : i32, i32
  }
}

module attributes {stable_mosaic.version = 14 : i64} {
  func.func @_combine_body(%arg0: i32, %arg1: memref<2x2000x128xf32, #tpu.memory_space<vmem>>, %arg2: memref<2000x128xf32, #tpu.memory_space<vmem>>, %arg3: memref<2000x128xf32, #tpu.memory_space<vmem>>, %arg4: memref<2000x1xf32, #tpu.memory_space<vmem>>, %arg5: memref<2000x1xf32, #tpu.memory_space<vmem>>, %arg6: memref<2000x128xf32, #tpu.memory_space<vmem>>) attributes {dimension_semantics = [#tpu.dimension_semantics<arbitrary>], iteration_bounds = array<i64: 5>, scalar_prefetch = 0 : i64, scratch_operands = 0 : i64, tpu.core_type = #tpu.core_type<tc>, window_params = [{transform_indices = @transform_0, window_bounds = array<i64: 2, 2000, 128>}, {transform_indices = @transform_1, window_bounds = array<i64: 2000, 128>}, {transform_indices = @transform_2, window_bounds = array<i64: 2000, 128>}, {transform_indices = @transform_3, window_bounds = array<i64: 2000, 1>}, {transform_indices = @transform_4, window_bounds = array<i64: 2000, 1>}, {transform_indices = @transform_5, window_bounds = array<i64: 2000, 128>}]} {
    %get3A = arith.constant 0 : index
    %get3A_0 = arith.constant 0 : index
    %get3A_1 = arith.constant 0 : index
    %get3A_2 = vector.load %arg1[%get3A, %get3A_0, %get3A_1] : memref<2x2000x128xf32, #tpu.memory_space<vmem>>, vector<1x2000x128xf32>
    %get3A_3 = vector.shape_cast %get3A_2 : vector<1x2000x128xf32> to vector<2000x128xf32>
    %get3A_4 = arith.constant 1 : index
    %get3A_5 = arith.constant 0 : index
    %get3A_6 = arith.constant 0 : index
    %get3A_7 = vector.load %arg1[%get3A_4, %get3A_5, %get3A_6] : memref<2x2000x128xf32, #tpu.memory_space<vmem>>, vector<1x2000x128xf32>
    %get3A_8 = vector.shape_cast %get3A_7 : vector<1x2000x128xf32> to vector<2000x128xf32>
    %add3A = arith.addf %get3A_3, %get3A_8 : vector<2000x128xf32>
    %mul3A = arith.constant 1.000000e-01 : f32
    %mul3A_9 = vector.broadcast %mul3A : f32 to vector<2000x128xf32>
    %mul3A_10 = arith.mulf %mul3A_9, %add3A : vector<2000x128xf32>
    %get3A_11 = arith.constant 0 : index
    %get3A_12 = arith.constant 0 : index
    %get3A_13 = vector.load %arg4[%get3A_11, %get3A_12] : memref<2000x1xf32, #tpu.memory_space<vmem>>, vector<2000x1xf32>
    %mul3A_14 = vector.broadcast %get3A_13 : vector<2000x1xf32> to vector<2000x128xf32>
    %mul3A_15 = arith.mulf %mul3A_10, %mul3A_14 : vector<2000x128xf32>
    %get3A_16 = arith.constant 0 : index
    %get3A_17 = arith.constant 0 : index
    %get3A_18 = vector.load %arg2[%get3A_16, %get3A_17] : memref<2000x128xf32, #tpu.memory_space<vmem>>, vector<2000x128xf32>
    %mul3A_19 = arith.constant 0.899999976 : f32
    %mul3A_20 = vector.broadcast %mul3A_19 : f32 to vector<2000x128xf32>
    %mul3A_21 = arith.mulf %mul3A_20, %get3A_18 : vector<2000x128xf32>
    %add3A_22 = arith.addf %mul3A_15, %mul3A_21 : vector<2000x128xf32>
    %get3A_23 = arith.constant 0 : index
    %get3A_24 = arith.constant 0 : index
    %get3A_25 = vector.load %arg3[%get3A_23, %get3A_24] : memref<2000x128xf32, #tpu.memory_space<vmem>>, vector<2000x128xf32>
    %mul3A_26 = arith.constant 1.000000e-01 : f32
    %mul3A_27 = vector.broadcast %mul3A_26 : f32 to vector<2000x128xf32>
    %mul3A_28 = arith.mulf %mul3A_27, %get3A_25 : vector<2000x128xf32>
    %get3A_29 = arith.constant 0 : index
    %get3A_30 = arith.constant 0 : index
    %get3A_31 = vector.load %arg5[%get3A_29, %get3A_30] : memref<2000x1xf32, #tpu.memory_space<vmem>>, vector<2000x1xf32>
    %mul3A_32 = vector.broadcast %get3A_31 : vector<2000x1xf32> to vector<2000x128xf32>
    %mul3A_33 = arith.mulf %mul3A_28, %mul3A_32 : vector<2000x128xf32>
    %add3A_34 = arith.addf %add3A_22, %mul3A_33 : vector<2000x128xf32>
    %swap3A = arith.constant 0 : index
    %swap3A_35 = arith.constant 0 : index
    %swap3A_36 = vector.load %arg6[%swap3A, %swap3A_35] : memref<2000x128xf32, #tpu.memory_space<vmem>>, vector<2000x128xf32>
    tpu.vector_store %arg6[%swap3A, %swap3A_35], %add3A_34 {strides = array<i32>} : memref<2000x128xf32, #tpu.memory_space<vmem>>, vector<2000x128xf32>,
    return
  }
  func.func @transform_0(%arg0: i32) -> (i32, i32, i32) {
    %c0_i32 = arith.constant 0 : i32
    %c0_i32_0 = arith.constant 0 : i32
    %c0_i32_1 = arith.constant 0 : i32
    return %c0_i32, %arg0, %c0_i32_0 : i32, i32, i32
  }
  func.func @transform_1(%arg0: i32) -> (i32, i32) {
    %c0_i32 = arith.constant 0 : i32
    %c0_i32_0 = arith.constant 0 : i32
    return %arg0, %c0_i32 : i32, i32
  }
  func.func @transform_2(%arg0: i32) -> (i32, i32) {
    %c0_i32 = arith.constant 0 : i32
    %c0_i32_0 = arith.constant 0 : i32
    return %arg0, %c0_i32 : i32, i32
  }
  func.func @transform_3(%arg0: i32) -> (i32, i32) {
    %c0_i32 = arith.constant 0 : i32
    %c0_i32_0 = arith.constant 0 : i32
    return %arg0, %c0_i32 : i32, i32
  }
  func.func @transform_4(%arg0: i32) -> (i32, i32) {
    %c0_i32 = arith.constant 0 : i32
    %c0_i32_0 = arith.constant 0 : i32
    return %arg0, %c0_i32 : i32, i32
  }
  func.func @transform_5(%arg0: i32) -> (i32, i32) {
    %c0_i32 = arith.constant 0 : i32
    %c0_i32_0 = arith.constant 0 : i32
    return %arg0, %c0_i32 : i32, i32
  }
}

</mosaic_0001>

<sc_bundles>
// kernel: kernel.5.cloned.1.call-start
scs
__scs_entry_jumppad:
0x0: {  	(pc) =	sbr.rel $0x88, $3  }
0x1: {  	(tag) =	ssettag $0x0;
	lr =	simm.s32 $0x1  }
0x2: {  	[smem:$0x3F9B] =	sst lr;
	_ =	strace $0xD0000000  }
0x3: {  	_ = 	snop  }
0x4: {  	_ = 	snop  }
0x5: {  	_ = 	snop  }
0x6: {  	_ = 	snop  }
0x7: {  	_ = 	snop  }
__scs_overlays_trampoline_lowered:
0x8: {  	[smem:$0x3FAA] =	sst s0  }
0x9: {  	[smem:$0x3FAB] =	sst s1  }
0xa: {  	[smem:$0x3FAC] =	sst s2  }
0xb: {  	[smem:$0x3FAD] =	sst s3  }
0xc: {  	[smem:$0x3FAE] =	sst s4  }
0xd: {  	[smem:$0x3FAF] =	sst s5  }
0xe: {  	[smem:$0x3FB0] =	sst s6  }
0xf: {  	[smem:$0x3FB1] =	sst s7  }
0x10: {  	[smem:$0x3FB2] =	sst s8  }
0x11: {  	[smem:$0x3FB3] =	sst s9;
	s0 =	simm.s32 @!p0 $0x0  }
0x12: {  	s1 =	sld [smem:$0x3F99];
	s0 =	simm.s32 @p0 $0x1  }
0x13: {  	[smem:$0x3FB4] =	sst s0;
	s0 =	simm.s32 @!p1 $0x0  }
0x14: {  	s2 =	sld [smem:$0x3F98];
	s0 =	simm.s32 @p1 $0x1  }
0x15: {  	[smem:$0x3FB5] =	sst s0;
	s0 =	simm.s32 @!p2 $0x0  }
0x16: {  	s3 =	sld [smem:$0x3FDB];
	s0 =	simm.s32 @p2 $0x1  }
0x17: {  	s4 =	simm.s32 $0x1BF5;
	[smem:$0x3FB7] =	sst s0  }
0x18: {  	s0 =	sld [smem:$0x3F9A];
	_ =	swait.ge [sflag:s4], $0x0  }
0x19: {  	s7 =	sld [smem:$0x3F9B]  }
0x1a: {  	s8 =	sadd.s32 $0xFFFFE003, lr  }
0x1b: {  	s9 =	sadd.s32 $0xFFFFFEF7, lr;
	s5 =	simm.s32 $0xFFFFFFFF;
	p2 =	slt.u32 s8, $0xFFFFF086  }
0x1c: {  	p1 =	slt.u32 s9, $0xF7A;
	s5 =	simm.s32 @!p2 $0x0  }
0x1d: {  	s5 =	simm.s32 @p1 $0x1;
	p0 =	seq.s32 s7, s2  }
0x1e: {  	s7 =	smul.u32 @!p0 $0xF7A, s2;
	p2 =	seq.s32 @!p0 s5, $0x0  }
0x1f: {  	s9 =	smul.u32 $0xF7A, s1;
	s8 =	simm.s32 @!p0 $0x1BF5;
	p2 =	por !p2, p0  }
0x20: {  	[sflag:s8] =	ssyncset.s32 @!p0 $0xFFFFF086;
	s6 =	sadd.s32 @!p0 s3, s7;
	s7 =	simm.s32 @!p0 $0x108  }
0x21: {  	s3 =	sadd.s32 s3, s9;
	s6 =	sadd.s32 @!p0 $0x88, s6;
	s7 =	simm.s32 @p2 $0x1082  }
0x22: {  	[simem:s7], [sflag:s8] =	dma.local @!p0 [hbm:s6], $0xF7A  }
0x23: {  	s9 =	sor.u32 $0xD0000000, s2;
	s6 =	simm.s32 $0x108;
	_ =	swait.ge @!p0 [sflag:s8], $0x0  }
0x24: {  	s3 =	sadd.s32 $0x88, s3;
	s6 =	simm.s32 @!p1 $0x1082;
	[sflag:s4] =	ssyncset.s32 $0xFFFFF086  }
0x25: {  	[simem:s6], [sflag:s4] =	dma.local [hbm:s3], $0xF7A  }
0x26: {  	[smem:$0x3F9B] =	sst s1;
	(tag) =	ssettag s2;
	_ =	strace s9  }
0x27: {  	s1 =	sld [smem:$0x3FAB]  }
0x28: {  	s2 =	sld [smem:$0x3FAC]  }
0x29: {  	s4 =	sld [smem:$0x3FAE]  }
0x2a: {  	p0 =	seq.s32 s5, $0x0;
	s5 =	sld [smem:$0x3FAF]  }
0x2b: {  	s6 =	sld [smem:$0x3FB0]  }
0x2c: {  	s7 =	sld [smem:$0x3FB1]  }
0x2d: {  	s3 =	simm.s32 $0x108;
	s8 =	sld [smem:$0x3FB2]  }
0x2e: {  	s3 =	simm.s32 @!p0 $0x1082;
	s9 =	sld [smem:$0x3FB3]  }
0x2f: {  	lr =	sadd.s32 s0, s3;
	s0 =	sld [smem:$0x3FAA]  }
0x30: {  	s3 =	sld [smem:$0x3FAD]  }
0x31: {  	[smem:$0x3FB6] =	sst s10  }
0x32: {  	s10 =	sld [smem:$0x3FB4];
	_ =	sdelay $0x3  }
0x33: {  	p0 =	seq.s32 s10, $0x1;
	s10 =	sld [smem:$0x3FB6];
	_ =	sdelay $0x3  }
0x34: {  	[smem:$0x3FB6] =	sst s10  }
0x35: {  	s10 =	sld [smem:$0x3FB5];
	_ =	sdelay $0x3  }
0x36: {  	p1 =	seq.s32 s10, $0x1;
	s10 =	sld [smem:$0x3FB6];
	_ =	sdelay $0x3  }
0x37: {  	[smem:$0x3FB6] =	sst s10  }
0x38: {  	s10 =	sld [smem:$0x3FB7]  }
0x39: {  	_ = 	snop;
	(pc) =	sbr.ind lr, $3  }
0x3a: {  	_ = 	snop  }
0x3b: {  	_ = 	snop  }
0x3c: {  	p2 =	seq.s32 s10, $0x1;
	s10 =	sld [smem:$0x3FB6]  }
0x3d: {  	_ =	shalt  }
0x3e: {  	_ =	shalt  }
0x3f: {  	_ =	shalt  }
0x40: {  	_ =	shalt  }
0x41: {  	_ =	shalt  }
0x42: {  	_ =	shalt  }
0x43: {  	_ =	shalt  }
0x44: {  	_ =	shalt  }
0x45: {  	_ =	shalt  }
0x46: {  	_ =	shalt  }
0x47: {  	_ =	shalt  }
0x48: {  	_ =	shalt  }
0x49: {  	_ =	shalt  }
0x4a: {  	_ =	shalt  }
0x4b: {  	_ =	shalt  }
0x4c: {  	_ =	shalt  }
0x4d: {  	_ =	shalt  }
0x4e: {  	_ =	shalt  }
0x4f: {  	_ =	shalt  }
0x50: {  	_ =	shalt  }
0x51: {  	_ =	shalt  }
0x52: {  	_ =	shalt  }
0x53: {  	_ =	shalt  }
0x54: {  	_ =	shalt  }
0x55: {  	_ =	shalt  }
0x56: {  	_ =	shalt  }
0x57: {  	_ =	shalt  }
0x58: {  	_ =	shalt  }
0x59: {  	_ =	shalt  }
0x5a: {  	_ =	shalt  }
0x5b: {  	_ =	shalt  }
0x5c: {  	_ =	shalt  }
0x5d: {  	_ =	shalt  }
0x5e: {  	_ =	shalt  }
0x5f: {  	_ =	shalt  }
0x60: {  	_ =	shalt  }
0x61: {  	_ =	shalt  }
0x62: {  	_ =	shalt  }
0x63: {  	_ =	shalt  }
0x64: {  	_ =	shalt  }
0x65: {  	_ =	shalt  }
0x66: {  	_ =	shalt  }
0x67: {  	_ =	shalt  }
0x68: {  	_ =	shalt  }
0x69: {  	_ =	shalt  }
0x6a: {  	_ =	shalt  }
0x6b: {  	_ =	shalt  }
0x6c: {  	_ =	shalt  }
0x6d: {  	_ =	shalt  }
0x6e: {  	_ =	shalt  }
0x6f: {  	_ =	shalt  }
0x70: {  	_ =	shalt  }
0x71: {  	_ =	shalt  }
0x72: {  	_ =	shalt  }
0x73: {  	_ =	shalt  }
0x74: {  	_ =	shalt  }
0x75: {  	_ =	shalt  }
0x76: {  	_ =	shalt  }
0x77: {  	_ =	shalt  }
0x78: {  	_ =	shalt  }
0x79: {  	_ =	shalt  }
0x7a: {  	_ =	shalt  }
0x7b: {  	_ =	shalt  }
0x7c: {  	_ =	shalt  }
0x7d: {  	_ =	shalt  }
0x7e: {  	_ =	shalt  }
0x7f: {  	_ =	shalt  }
0x80: {  	_ =	shalt  }
0x81: {  	_ =	shalt  }
0x82: {  	_ =	shalt  }
0x83: {  	_ =	shalt  }
0x84: {  	_ =	shalt  }
0x85: {  	_ =	shalt  }
0x86: {  	_ =	shalt  }
0x87: {  	_ =	shalt  }
.Lfunc_end0:
.L_simem_size_0:
called_computation_lowered:
.L_overlay_start_0:
0x88: {  	s2 =	sld [smem:$0x3FD9]  }
0x89: {  	s3 =	sld [smem:$0x3FFE];
	_ =	sdelay $0x1  }
0x8a: {  	s1 =	srdreg.scid  }
0x8b: {  	s0 =	sand.u32 $0x1, s1  }
0x8c: {  	s17 =	sshll.u32 s0, $0xA;
	s2 =	sadd.s32 s3, s2  }
0x8d: {  	s2 =	sadd.s32 s2, s17  }
0x8e: {  	[smem:$0x3FC2] =	sst s2  }
0x8f: {  	_ = 	snop  }
0x90: {  	s2 =	sld [smem:$0x3FD0];
	(tm) =	ssettm $0x1  }
0x91: {  	s18 =	sld [smem:$0x3FFB];
	_ =	sdelay $0x3  }
0x92: {  	_ =	strace s18  }
0x93: {  	s3 =	sld [smem:$0x3FFC];
	_ =	sdelay $0x3  }
0x94: {  	_ =	strace s3  }
0x95: {  	s3 =	sld [smem:$0x3FFD];
	_ =	sdelay $0x3  }
0x96: {  	_ =	strace s3  }
0x97: {  	_ =	strace $0x8FFFFFFF  }
0x98: {  	s19 =	sld [smem:$0x3FDB];
	_ =	sdelay $0x1  }
0x99: {  	s4 =	simm.s32 $_scs_section_size  }
0x9a: {  	s5 =	simm.s32 $_size__tile_overlayer_lowered;
	s6 =	simm.s32 $_tile_overlayer_lowered  }
0x9b: {  	s22 =	simm.s32 $0x1BFF;
	s21 =	sshll.u32 s6, $0x1;
	s3 =	sadd.s32 s4, s19  }
0x9c: {  	s7 =	simm.s32 $0x0;
	s20 =	sshll.u32 s5, $0x1;
	s5 =	sadd.s32 s21, s3  }
0x9d: {  	[timem:s7], [sflag:s22] =	dma.local [hbm:s5], s20  }
0x9e: {  	_ =	swait.ge [sflag:s22], s20  }
0x9f: {  	s4 =	ssub.s32 $0x0, s20;
	[sflag:s22] =	ssyncset.done $0x0  }
0xa0: {  	[sflag:s22] =	ssyncadd.s32 s4;
	_ =	sdelay $0x1  }
0xa1: {  	s23 =	simm.s32 $0x1B8B  }
0xa2: {  	_ =	swait.ge [sflag:s23], $0x1  }
0xa3: {  	[sflag:s23] =	ssyncset.done $0x0  }
0xa4: {  	s25 =	simm.s32 $0x1B8E;
	s24 =	sld [smem:$0x3FFE];
	[sflag:s23] =	ssyncadd.s32 $0xFFFFFFFF  }
0xa5: {  	s26 =	simm.s32 $execute0_lowered;
	[smem:$0x3FD2] =	sst s25  }
0xa6: {  	s5 =	sshll.u32 s26, $0x1;
	_ =	strace $0x80000046;
	[dreg:$0x1] =	wrdreg $0xFFFFFFFF  }
0xa7: {  	s28 =	simm.s32 $_size_execute0_lowered;
	s3 =	sadd.s32 s3, s5;
	[dreg:$0x0] =	wrdreg $0x0  }
0xa8: {  	s5 =	sshll.u32 s28, $0x1;
	[dreg:$0x2] =	wrdreg s3  }
0xa9: {  	[dreg:$0x3] =	wrdreg s5  }
0xaa: {  	[dreg:$0x4] =	wrdreg $0xC0  }
0xab: {  	_ =	task [dreg:s7], $0x5FFFF  }
0xac: {  	[dreg:$0x1] =	wrdreg $0xFFFFFFFF  }
0xad: {  	[dreg:$0x0] =	wrdreg $0x60  }
0xae: {  	[dreg:$0x2] =	wrdreg s24  }
0xaf: {  	[dreg:$0x3] =	wrdreg s2  }
0xb0: {  	[dreg:$0x4] =	wrdreg $0x0  }
0xb1: {  	[dreg:$0x5] =	wrdreg $0x9  }
0xb2: {  	_ =	task.clear_ibuf [dreg:s7], $0x6FFFF;
	_ =	strace $0x90000046  }
0xb3: {  	s29 =	simm.s32 $0x9;
	_ =	strace $0x80000048  }
0xb4: {  	_ =	swait.ge [sflag:s29], $0x1  }
0xb5: {  	[sflag:s29] =	ssyncadd.s32 $0xFFFFFFFF  }
0xb6: {  	_ =	strace $0x90000048  }
0xb7: {  	_ =	sfence  }
0xb8: {  	s30 =	sld [smem:$0x0];
	_ =	sdelay $0x2  }
0xb9: {  	s31 =	sshll.u32 s1, $0xD;
	s1 =	sshrl.u32 s1, $0x2  }
0xba: {  	s3 =	sand.u32 $0x4000, s31;
	s1 =	sadd.s32 s1, s30  }
0xbb: {  	s0 =	sor.u32 s3, s0;
	s1 =	sshll.u32 s1, $0x11  }
0xbc: {  	s0 =	sor.u32 s1, s0  }
0xbd: {  	s0 =	sadd.s32 $0x8F2B, s0  }
0xbe: {  	[sflag:s0] =	ssyncadd.remote.s32 $0x1  }
0xbf: {  	_ =	sfence.sel $0xFFFF  }
0xc0: {  	[dreg:$0x0] =	wrdreg $0xFFFFFFFF;
	(pc) =	sbr.abs _section_cstart, $3  }
0xc1: {  	[dreg:$0x1] =	wrdreg $0xFFFFFFFF  }
0xc2: {  	_ =	task.clear_ibuf [dreg:s7], $0x2FFFF;
	_ =	strace $0x9FFFFFFF  }
0xc3: {  	(tm) =	ssettm $0x7FFFFFFF  }
tec
execute0_lowered:
.L_overlay_start_1:
0x0: {  	(tag) =	ssettag $0x1  }
0x1: {  	s0 =	rddreg [dreg:$0x0]  }
0x2: {  	s12 =	rddreg [dreg:$0x1];
	s11 =	stileid.u32  }
0x3: {  	s3 =	rddreg [dreg:$0x2];
	s2 =	smul.u32 $0x13C00, s11  }
0x4: {  	s1 =	srdreg.scid;
	s8 =	smul.u32 $0x4F000, s11  }
0x5: {  	s4 =	simm.s32 $0x0;
	s28 =	simm.s32 $0x80;
	s10 =	smul.u32 $0x4800, s11  }
0x6: {  	s29 =	simm.s32 $0x15400;
	s31 =	simm.s32 $0x19400;
	s13 =	smul.u32 $0x1800, s11  }
0x7: {  	s1 =	sand.u32 $0x1, s1;
	[smem:$0x7FF] =	sst s4;
	s16 =	smul.u32 $0x300, s11  }
0x8: {  	s5 =	sadd.s32 $0xD200, s0;
	s6 =	sadd.s32 $0x1200, s0;
	s7 =	smul.u32 $0x13C000, s1  }
0x9: {  	_ =	strace $0x80000047;
	s4 =	ssub.s32 $0x2, s1;
	[dreg:$0x13] =	wrdreg s6  }
0xa: {  	p0 =	sne.s32 s1, $0x0;
	s9 =	sshrl.u32 s4, $0x1;
	s8 =	sshrl.u32 s8, $0x2  }
0xb: {  	s14 =	sshrl.u32 s10, $0x3;
	[dreg:$0x6] =	wrdreg s16;
	s30 =	sadd.s32 $0x1BC00, s10  }
0xc: {  	s7 =	sadd.s32 s2, s7;
	s8 =	sadd.s32 s8, s3;
	[dreg:$0x11] =	wrdreg s30  }
0xd: {  	s2 =	sshrl.u32 s2, $0x3;
	s26 =	sadd.s32 $0x3600, s14;
	[dreg:$0x4] =	wrdreg s8  }
0xe: {  	s17 =	sadd.s32 $0x3000, s14;
	s8 =	sadd.s32 $0xC00, s13;
	[dreg:$0x10] =	wrdreg s26  }
0xf: {  	s19 =	sadd.s32 $0x3180, s14;
	s18 =	sadd.s32 s12, s17;
	[dreg:$0x7] =	wrdreg s8  }
0x10: {  	s21 =	sadd.s32 $0x3300, s14;
	s20 =	sadd.s32 s12, s19;
	[dreg:$0x8] =	wrdreg s18  }
0x11: {  	s23 =	sadd.s32 $0x3480, s14;
	s22 =	sadd.s32 s12, s21;
	[dreg:$0xa] =	wrdreg s20  }
0x12: {  	s7 =	sshrl.u32 s7, $0x3;
	s24 =	sadd.s32 s12, s23;
	[dreg:$0xc] =	wrdreg s22  }
0x13: {  	s2 =	sadd.s32 s2, s0;
	s25 =	sadd.s32 s6, s23;
	[dreg:$0xe] =	wrdreg s24  }
0x14: {  	s0 =	sadd.s32 s7, s0;
	s2 =	sadd.s32 $0x34400, s2;
	[dreg:$0xf] =	wrdreg s25  }
0x15: {  	s7 =	ssub.s32 s4, s9;
	s8 =	sadd.s32 s6, s19;
	[dreg:$0x5] =	wrdreg s2  }
.Ltmp0:
0x16: {  	s2 =	sadd.s32 s6, s17;
	[dreg:$0xb] =	wrdreg s8;
	(pc) =	sbr.rel .LBB2_1-.Ltmp0, $4  }
0x17: {  	s9 =	sshll.u32 s11, $0x6;
	s0 =	sadd.s32 $0x5BC00, s0;
	[dreg:$0x9] =	wrdreg s2  }
0x18: {  	s12 =	simm.s32 $0x2;
	s15 =	sor.u32 $0x1C03, s9;
	[dreg:$0x12] =	wrdreg s0  }
0x19: {  	s24 =	simm.s32 $0x3;
	s2 =	sadd.s32 s6, s21;
	[dreg:$0x14] =	wrdreg s15  }
0x1a: {  	s0 =	simm.s32 $0x1;
	[dreg:$0xd] =	wrdreg s2;
	s2 =	smax.u32 s7, $0x1  }
.LBB2_3:
0x1b: {  	s17 =	rddreg [dreg:$0x1]  }
0x1c: {  	s25 =	simm.s32 $0x0;
	s26 =	simm.s32 $0x13C00;
	s16 =	sadd.s32 s17, s15  }
0x1d: {  	[tilespmem:s26], [sflag:$0x3] =	stream.linear.gather [hbm4b:s16+s25], $0xA00, $0x38;
	[tilespmem:$0x1D400] =	vst v63  }
0x1e: {  	_ =	swait.ge [sflag:s24], $0xA00  }
0x1f: {  	[sflag:s24] =	ssyncset.done $0x0;
	s8 =	rddreg [dreg:$0x13]  }
0x20: {  	s23 =	simm.s32 $0x14800;
	s16 =	sadd.s32 s8, s15;
	[sflag:s24] =	ssyncadd.s32 $0xFFFFF600  }
0x21: {  	[tilespmem:s23], [sflag:$0x3] =	stream.linear.gather [hbm4b:s16+s25], $0xA00, $0x38;
	[tilespmem:$0x1D400] =	vst v63  }
0x22: {  	_ =	swait.ge [sflag:s24], $0xA00  }
0x23: {  	[sflag:s24] =	ssyncset.done $0x0  }
0x24: {  	[sflag:s24] =	ssyncadd.s32 $0xFFFFF600  }
0x25: {  	[tilespmem:s29], [sflag:$0x1] =	stream.indirect.gather [hbm4b:s5+s28], $0x80, s26, s28, $0xb8;
	[tilespmem:$0x1D400] =	vst v63  }
0x26: {  	s16 =	simm.s32 $0x13C80  }
0x27: {  	[tilespmem:s31], [sflag:$0x2] =	stream.indirect.gather [hbm4b:s5+s28], $0x80, s16, s28, $0xb8;
	[tilespmem:$0x1D400] =	vst v63  }
0x28: {  	_ =	swait.ge [sflag:s0], $0x4000  }
0x29: {  	[sflag:s0] =	ssyncset.done $0x0  }
0x2a: {  	[sflag:s0] =	ssyncadd.s32 $0xFFFFC000  }
0x2b: {  	[spmem:s3] =	stream.indirect.scatter.add.f32 [tilespmem:s29], [sflag:$0x3], $0x80, s23, s28, $0xb8;
	[tilespmem:$0x1D400] =	vst v63  }
0x2c: {  	_ =	swait.ge [sflag:s24], $0x4000  }
0x2d: {  	[sflag:s24] =	ssyncset.done $0x0  }
0x2e: {  	s19 =	simm.s32 $0x13D00;
	[sflag:s24] =	ssyncadd.s32 $0xFFFFC000  }
0x2f: {  	[tilespmem:s29], [sflag:$0x1] =	stream.indirect.gather [hbm4b:s5+s28], $0x80, s19, s28, $0xb8;
	[tilespmem:$0x1D400] =	vst v63  }
0x30: {  	_ =	swait.ge [sflag:s12], $0x4000  }
0x31: {  	[sflag:s12] =	ssyncset.done $0x0  }
0x32: {  	s20 =	simm.s32 $0x14880;
	[sflag:s12] =	ssyncadd.s32 $0xFFFFC000  }
0x33: {  	[spmem:s3] =	stream.indirect.scatter.add.f32 [tilespmem:s31], [sflag:$0x3], $0x80, s20, s28, $0xb8;
	[tilespmem:$0x1D400] =	vst v63  }
0x34: {  	_ =	swait.ge [sflag:s24], $0x4000  }
0x35: {  	[sflag:s24] =	ssyncset.done $0x0  }
0x36: {  	s21 =	simm.s32 $0x13D80;
	[sflag:s24] =	ssyncadd.s32 $0xFFFFC000  }
0x37: {  	[tilespmem:s31], [sflag:$0x2] =	stream.indirect.gather [hbm4b:s5+s28], $0x80, s21, s28, $0xb8;
	[tilespmem:$0x1D400] =	vst v63  }
0x38: {  	_ =	swait.ge [sflag:s0], $0x4000  }
0x39: {  	[sflag:s0] =	ssyncset.done $0x0  }
0x3a: {  	s7 =	simm.s32 $0x14900;
	[sflag:s0] =	ssyncadd.s32 $0xFFFFC000  }
0x3b: {  	[spmem:s3] =	stream.indirect.scatter.add.f32 [tilespmem:s29], [sflag:$0x3], $0x80, s7, s28, $0xb8;
	[tilespmem:$0x1D400] =	vst v63  }
0x3c: {  	_ =	swait.ge [sflag:s24], $0x4000  }
0x3d: {  	[sflag:s24] =	ssyncset.done $0x0  }
0x3e: {  	s6 =	simm.s32 $0x13E00;
	[sflag:s24] =	ssyncadd.s32 $0xFFFFC000  }
0x3f: {  	[tilespmem:s29], [sflag:$0x1] =	stream.indirect.gather [hbm4b:s5+s28], $0x80, s6, s28, $0xb8;
	[tilespmem:$0x1D400] =	vst v63  }
0x40: {  	_ =	swait.ge [sflag:s12], $0x4000  }
0x41: {  	[sflag:s12] =	ssyncset.done $0x0  }
0x42: {  	s10 =	simm.s32 $0x14980;
	[sflag:s12] =	ssyncadd.s32 $0xFFFFC000  }
0x43: {  	[spmem:s3] =	stream.indirect.scatter.add.f32 [tilespmem:s31], [sflag:$0x3], $0x80, s10, s28, $0xb8;
	[tilespmem:$0x1D400] =	vst v63  }
0x44: {  	_ =	swait.ge [sflag:s24], $0x4000  }
0x45: {  	[sflag:s24] =	ssyncset.done $0x0  }
0x46: {  	s11 =	simm.s32 $0x13E80;
	[sflag:s24] =	ssyncadd.s32 $0xFFFFC000  }
0x47: {  	[tilespmem:s31], [sflag:$0x2] =	stream.indirect.gather [hbm4b:s5+s28], $0x80, s11, s28, $0xb8;
	[tilespmem:$0x1D400] =	vst v63  }
0x48: {  	_ =	swait.ge [sflag:s0], $0x4000  }
0x49: {  	[sflag:s0] =	ssyncset.done $0x0  }
0x4a: {  	s22 =	simm.s32 $0x14A00;
	[sflag:s0] =	ssyncadd.s32 $0xFFFFC000  }
0x4b: {  	[spmem:s3] =	stream.indirect.scatter.add.f32 [tilespmem:s29], [sflag:$0x3], $0x80, s22, s28, $0xb8;
	[tilespmem:$0x1D400] =	vst v63  }
0x4c: {  	_ =	swait.ge [sflag:s24], $0x4000  }
0x4d: {  	[sflag:s24] =	ssyncset.done $0x0  }
0x4e: {  	s2 =	simm.s32 $0x13F00;
	[sflag:s24] =	ssyncadd.s32 $0xFFFFC000  }
0x4f: {  	[tilespmem:s29], [sflag:$0x1] =	stream.indirect.gather [hbm4b:s5+s28], $0x80, s2, s28, $0xb8;
	[tilespmem:$0x1D400] =	vst v63  }
0x50: {  	_ =	swait.ge [sflag:s12], $0x4000  }
0x51: {  	[sflag:s12] =	ssyncset.done $0x0  }
0x52: {  	s9 =	simm.s32 $0x14A80;
	[sflag:s12] =	ssyncadd.s32 $0xFFFFC000  }
0x53: {  	[spmem:s3] =	stream.indirect.scatter.add.f32 [tilespmem:s31], [sflag:$0x3], $0x80, s9, s28, $0xb8;
	[tilespmem:$0x1D400] =	vst v63  }
0x54: {  	_ =	swait.ge [sflag:s24], $0x4000  }
0x55: {  	[sflag:s24] =	ssyncset.done $0x0  }
0x56: {  	s30 =	simm.s32 $0x13F80;
	[sflag:s24] =	ssyncadd.s32 $0xFFFFC000  }
0x57: {  	[tilespmem:s31], [sflag:$0x2] =	stream.indirect.gather [hbm4b:s5+s28], $0x80, s30, s28, $0xb8;
	[tilespmem:$0x1D400] =	vst v63  }
0x58: {  	_ =	swait.ge [sflag:s0], $0x4000  }
0x59: {  	[sflag:s0] =	ssyncset.done $0x0  }
0x5a: {  	s1 =	simm.s32 $0x14B00;
	[sflag:s0] =	ssyncadd.s32 $0xFFFFC000  }
0x5b: {  	[spmem:s3] =	stream.indirect.scatter.add.f32 [tilespmem:s29], [sflag:$0x3], $0x80, s1, s28, $0xb8;
	[tilespmem:$0x1D400] =	vst v63  }
0x5c: {  	_ =	swait.ge [sflag:s24], $0x4000  }
0x5d: {  	[sflag:s24] =	ssyncset.done $0x0  }
0x5e: {  	s18 =	simm.s32 $0x14000;
	[sflag:s24] =	ssyncadd.s32 $0xFFFFC000  }
0x5f: {  	[tilespmem:s29], [sflag:$0x1] =	stream.indirect.gather [hbm4b:s5+s28], $0x80, s18, s28, $0xb8;
	[tilespmem:$0x1D400] =	vst v63  }
0x60: {  	_ =	swait.ge [sflag:s12], $0x4000  }
0x61: {  	[sflag:s12] =	ssyncset.done $0x0  }
0x62: {  	s13 =	simm.s32 $0x14B80;
	[sflag:s12] =	ssyncadd.s32 $0xFFFFC000  }
0x63: {  	[spmem:s3] =	stream.indirect.scatter.add.f32 [tilespmem:s31], [sflag:$0x3], $0x80, s13, s28, $0xb8;
	[tilespmem:$0x1D400] =	vst v63  }
0x64: {  	_ =	swait.ge [sflag:s24], $0x4000  }
0x65: {  	[sflag:s24] =	ssyncset.done $0x0  }
0x66: {  	s4 =	simm.s32 $0x14080;
	[sflag:s24] =	ssyncadd.s32 $0xFFFFC000  }
0x67: {  	[tilespmem:s31], [sflag:$0x2] =	stream.indirect.gather [hbm4b:s5+s28], $0x80, s4, s28, $0xb8;
	[tilespmem:$0x1D400] =	vst v63  }
0x68: {  	_ =	swait.ge [sflag:s0], $0x4000  }
0x69: {  	[sflag:s0] =	ssyncset.done $0x0  }
0x6a: {  	s15 =	simm.s32 $0x14C00;
	[sflag:s0] =	ssyncadd.s32 $0xFFFFC000  }
0x6b: {  	[spmem:s3] =	stream.indirect.scatter.add.f32 [tilespmem:s29], [sflag:$0x3], $0x80, s15, s28, $0xb8;
	[tilespmem:$0x1D400] =	vst v63  }
0x6c: {  	_ =	swait.ge [sflag:s24], $0x4000  }
0x6d: {  	[sflag:s24] =	ssyncset.done $0x0  }
0x6e: {  	s15 =	simm.s32 $0x14100;
	[sflag:s24] =	ssyncadd.s32 $0xFFFFC000  }
0x6f: {  	[tilespmem:s29], [sflag:$0x1] =	stream.indirect.gather [hbm4b:s5+s28], $0x80, s15, s28, $0xb8;
	[tilespmem:$0x1D400] =	vst v63  }
0x70: {  	_ =	swait.ge [sflag:s12], $0x4000  }
0x71: {  	[sflag:s12] =	ssyncset.done $0x0  }
0x72: {  	s15 =	simm.s32 $0x14C80;
	[sflag:s12] =	ssyncadd.s32 $0xFFFFC000  }
0x73: {  	[spmem:s3] =	stream.indirect.scatter.add.f32 [tilespmem:s31], [sflag:$0x3], $0x80, s15, s28, $0xb8;
	[tilespmem:$0x1D400] =	vst v63  }
0x74: {  	_ =	swait.ge [sflag:s24], $0x4000  }
0x75: {  	[sflag:s24] =	ssyncset.done $0x0  }
0x76: {  	s15 =	simm.s32 $0x14180;
	[sflag:s24] =	ssyncadd.s32 $0xFFFFC000  }
0x77: {  	[tilespmem:s31], [sflag:$0x2] =	stream.indirect.gather [hbm4b:s5+s28], $0x80, s15, s28, $0xb8;
	[tilespmem:$0x1D400] =	vst v63  }
0x78: {  	_ =	swait.ge [sflag:s0], $0x4000  }
0x79: {  	[sflag:s0] =	ssyncset.done $0x0  }
0x7a: {  	s15 =	simm.s32 $0x14D00;
	[sflag:s0] =	ssyncadd.s32 $0xFFFFC000  }
0x7b: {  	[spmem:s3] =	stream.indirect.scatter.add.f32 [tilespmem:s29], [sflag:$0x3], $0x80, s15, s28, $0xb8;
	[tilespmem:$0x1D400] =	vst v63  }
0x7c: {  	_ =	swait.ge [sflag:s24], $0x4000  }
0x7d: {  	[sflag:s24] =	ssyncset.done $0x0  }
0x7e: {  	s15 =	simm.s32 $0x14200;
	[sflag:s24] =	ssyncadd.s32 $0xFFFFC000  }
0x7f: {  	[tilespmem:s29], [sflag:$0x1] =	stream.indirect.gather [hbm4b:s5+s28], $0x80, s15, s28, $0xb8;
	[tilespmem:$0x1D400] =	vst v63  }
0x80: {  	_ =	swait.ge [sflag:s12], $0x4000  }
0x81: {  	[sflag:s12] =	ssyncset.done $0x0  }
0x82: {  	s15 =	simm.s32 $0x14D80;
	[sflag:s12] =	ssyncadd.s32 $0xFFFFC000  }
0x83: {  	[spmem:s3] =	stream.indirect.scatter.add.f32 [tilespmem:s31], [sflag:$0x3], $0x80, s15, s28, $0xb8;
	[tilespmem:$0x1D400] =	vst v63  }
0x84: {  	_ =	swait.ge [sflag:s24], $0x4000  }
0x85: {  	[sflag:s24] =	ssyncset.done $0x0  }
0x86: {  	s15 =	simm.s32 $0x14280;
	[sflag:s24] =	ssyncadd.s32 $0xFFFFC000  }
0x87: {  	[tilespmem:s31], [sflag:$0x2] =	stream.indirect.gather [hbm4b:s5+s28], $0x80, s15, s28, $0xb8;
	[tilespmem:$0x1D400] =	vst v63  }
0x88: {  	_ =	swait.ge [sflag:s0], $0x4000  }
0x89: {  	[sflag:s0] =	ssyncset.done $0x0  }
0x8a: {  	s15 =	simm.s32 $0x14E00;
	[sflag:s0] =	ssyncadd.s32 $0xFFFFC000  }
0x8b: {  	[spmem:s3] =	stream.indirect.scatter.add.f32 [tilespmem:s29], [sflag:$0x3], $0x80, s15, s28, $0xb8;
	[tilespmem:$0x1D400] =	vst v63  }
0x8c: {  	_ =	swait.ge [sflag:s24], $0x4000  }
0x8d: {  	[sflag:s24] =	ssyncset.done $0x0  }
0x8e: {  	s15 =	simm.s32 $0x14300;
	[sflag:s24] =	ssyncadd.s32 $0xFFFFC000  }
0x8f: {  	[tilespmem:s29], [sflag:$0x1] =	stream.indirect.gather [hbm4b:s5+s28], $0x80, s15, s28, $0xb8;
	[tilespmem:$0x1D400] =	vst v63  }
0x90: {  	_ =	swait.ge [sflag:s12], $0x4000  }
0x91: {  	[sflag:s12] =	ssyncset.done $0x0  }
0x92: {  	s15 =	simm.s32 $0x14E80;
	[sflag:s12] =	ssyncadd.s32 $0xFFFFC000  }
0x93: {  	[spmem:s3] =	stream.indirect.scatter.add.f32 [tilespmem:s31], [sflag:$0x3], $0x80, s15, s28, $0xb8;
	[tilespmem:$0x1D400] =	vst v63  }
0x94: {  	_ =	swait.ge [sflag:s24], $0x4000  }
0x95: {  	[sflag:s24] =	ssyncset.done $0x0  }
0x96: {  	s15 =	simm.s32 $0x14380;
	[sflag:s24] =	ssyncadd.s32 $0xFFFFC000  }
0x97: {  	[tilespmem:s31], [sflag:$0x2] =	stream.indirect.gather [hbm4b:s5+s28], $0x80, s15, s28, $0xb8;
	[tilespmem:$0x1D400] =	vst v63  }
0x98: {  	_ =	swait.ge [sflag:s0], $0x4000  }
0x99: {  	[sflag:s0] =	ssyncset.done $0x0  }
0x9a: {  	s15 =	simm.s32 $0x14F00;
	[sflag:s0] =	ssyncadd.s32 $0xFFFFC000  }
0x9b: {  	[spmem:s3] =	stream.indirect.scatter.add.f32 [tilespmem:s29], [sflag:$0x3], $0x80, s15, s28, $0xb8;
	[tilespmem:$0x1D400] =	vst v63  }
0x9c: {  	_ =	swait.ge [sflag:s24], $0x4000  }
0x9d: {  	[sflag:s24] =	ssyncset.done $0x0  }
0x9e: {  	s15 =	simm.s32 $0x14400;
	[sflag:s24] =	ssyncadd.s32 $0xFFFFC000  }
0x9f: {  	[tilespmem:s29], [sflag:$0x1] =	stream.indirect.gather [hbm4b:s5+s28], $0x80, s15, s28, $0xb8;
	[tilespmem:$0x1D400] =	vst v63  }
0xa0: {  	_ =	swait.ge [sflag:s12], $0x4000  }
0xa1: {  	[sflag:s12] =	ssyncset.done $0x0  }
0xa2: {  	s15 =	simm.s32 $0x14F80;
	[sflag:s12] =	ssyncadd.s32 $0xFFFFC000  }
0xa3: {  	[spmem:s3] =	stream.indirect.scatter.add.f32 [tilespmem:s31], [sflag:$0x3], $0x80, s15, s28, $0xb8;
	[tilespmem:$0x1D400] =	vst v63  }
0xa4: {  	_ =	swait.ge [sflag:s24], $0x4000  }
0xa5: {  	[sflag:s24] =	ssyncset.done $0x0  }
0xa6: {  	s15 =	simm.s32 $0x14480;
	[sflag:s24] =	ssyncadd.s32 $0xFFFFC000  }
0xa7: {  	[tilespmem:s31], [sflag:$0x2] =	stream.indirect.gather [hbm4b:s5+s28], $0x80, s15, s28, $0xb8;
	[tilespmem:$0x1D400] =	vst v63  }
0xa8: {  	_ =	swait.ge [sflag:s0], $0x4000  }
0xa9: {  	[sflag:s0] =	ssyncset.done $0x0  }
0xaa: {  	s15 =	simm.s32 $0x15000;
	[sflag:s0] =	ssyncadd.s32 $0xFFFFC000  }
0xab: {  	[spmem:s3] =	stream.indirect.scatter.add.f32 [tilespmem:s29], [sflag:$0x3], $0x80, s15, s28, $0xb8;
	[tilespmem:$0x1D400] =	vst v63  }
0xac: {  	_ =	swait.ge [sflag:s24], $0x4000  }
0xad: {  	[sflag:s24] =	ssyncset.done $0x0  }
0xae: {  	s15 =	simm.s32 $0x14500;
	[sflag:s24] =	ssyncadd.s32 $0xFFFFC000  }
0xaf: {  	[tilespmem:s29], [sflag:$0x1] =	stream.indirect.gather [hbm4b:s5+s28], $0x80, s15, s28, $0xb8;
	[tilespmem:$0x1D400] =	vst v63  }
0xb0: {  	_ =	swait.ge [sflag:s12], $0x4000  }
0xb1: {  	[sflag:s12] =	ssyncset.done $0x0  }
0xb2: {  	s15 =	simm.s32 $0x15080;
	[sflag:s12] =	ssyncadd.s32 $0xFFFFC000  }
0xb3: {  	[spmem:s3] =	stream.indirect.scatter.add.f32 [tilespmem:s31], [sflag:$0x3], $0x80, s15, s28, $0xb8;
	[tilespmem:$0x1D400] =	vst v63  }
0xb4: {  	_ =	swait.ge [sflag:s24], $0x4000  }
0xb5: {  	[sflag:s24] =	ssyncset.done $0x0  }
0xb6: {  	s15 =	simm.s32 $0x14580;
	[sflag:s24] =	ssyncadd.s32 $0xFFFFC000  }
0xb7: {  	[tilespmem:s31], [sflag:$0x2] =	stream.indirect.gather [hbm4b:s5+s28], $0x80, s15, s28, $0xb8;
	[tilespmem:$0x1D400] =	vst v63  }
0xb8: {  	_ =	swait.ge [sflag:s0], $0x4000  }
0xb9: {  	[sflag:s0] =	ssyncset.done $0x0  }
0xba: {  	s15 =	simm.s32 $0x15100;
	[sflag:s0] =	ssyncadd.s32 $0xFFFFC000  }
0xbb: {  	[spmem:s3] =	stream.indirect.scatter.add.f32 [tilespmem:s29], [sflag:$0x3], $0x80, s15, s28, $0xb8;
	[tilespmem:$0x1D400] =	vst v63  }
0xbc: {  	_ =	swait.ge [sflag:s24], $0x4000  }
0xbd: {  	[sflag:s24] =	ssyncset.done $0x0  }
0xbe: {  	[sflag:s24] =	ssyncadd.s32 $0xFFFFC000  }
0xbf: {  	_ =	swait.ge [sflag:s12], $0x4000  }
0xc0: {  	[sflag:s12] =	ssyncset.done $0x0  }
0xc1: {  	s15 =	simm.s32 $0x15180;
	[sflag:s12] =	ssyncadd.s32 $0xFFFFC000  }
0xc2: {  	[spmem:s3] =	stream.indirect.scatter.add.f32 [tilespmem:s31], [sflag:$0x3], $0x80, s15, s28, $0xb8;
	[tilespmem:$0x1D400] =	vst v63  }
0xc3: {  	_ =	swait.ge [sflag:s24], $0x4000  }
0xc4: {  	s14 =	sshrl.u32 s14, $0x3;
	[sflag:s24] =	ssyncset.done $0x0  }
0xc5: {  	s17 =	sadd.s32 s17, s14;
	[sflag:s24] =	ssyncadd.s32 $0xFFFFC000  }
0xc6: {  	[tilespmem:s26], [sflag:$0x3] =	stream.linear.gather [hbm4b:s17+s25], $0xA00, $0x38;
	[tilespmem:$0x1D400] =	vst v63  }
0xc7: {  	_ =	swait.ge [sflag:s24], $0xA00  }
0xc8: {  	[sflag:s24] =	ssyncset.done $0x0  }
0xc9: {  	s14 =	sadd.s32 s8, s14;
	[sflag:s24] =	ssyncadd.s32 $0xFFFFF600  }
0xca: {  	[tilespmem:s23], [sflag:$0x3] =	stream.linear.gather [hbm4b:s14+s25], $0xA00, $0x38;
	[tilespmem:$0x1D400] =	vst v63  }
0xcb: {  	_ =	swait.ge [sflag:s24], $0xA00  }
0xcc: {  	[sflag:s24] =	ssyncset.done $0x0  }
0xcd: {  	[sflag:s24] =	ssyncadd.s32 $0xFFFFF600  }
0xce: {  	[tilespmem:s29], [sflag:$0x1] =	stream.indirect.gather [hbm4b:s5+s28], $0x80, s26, s28, $0xb8;
	[tilespmem:$0x1D400] =	vst v63  }
0xcf: {  	_ = 	snop  }
0xd0: {  	[tilespmem:s31], [sflag:$0x2] =	stream.indirect.gather [hbm4b:s5+s28], $0x80, s16, s28, $0xb8;
	[tilespmem:$0x1D400] =	vst v63  }
0xd1: {  	_ =	swait.ge [sflag:s0], $0x4000  }
0xd2: {  	[sflag:s0] =	ssyncset.done $0x0  }
0xd3: {  	[sflag:s0] =	ssyncadd.s32 $0xFFFFC000  }
0xd4: {  	[spmem:s3] =	stream.indirect.scatter.add.f32 [tilespmem:s29], [sflag:$0x3], $0x80, s23, s28, $0xb8;
	[tilespmem:$0x1D400] =	vst v63  }
0xd5: {  	_ =	swait.ge [sflag:s24], $0x4000  }
0xd6: {  	[sflag:s24] =	ssyncset.done $0x0  }
0xd7: {  	[sflag:s24] =	ssyncadd.s32 $0xFFFFC000  }
0xd8: {  	[tilespmem:s29], [sflag:$0x1] =	stream.indirect.gather [hbm4b:s5+s28], $0x80, s19, s28, $0xb8;
	[tilespmem:$0x1D400] =	vst v63  }
0xd9: {  	_ =	swait.ge [sflag:s12], $0x4000  }
0xda: {  	[sflag:s12] =	ssyncset.done $0x0  }
0xdb: {  	[sflag:s12] =	ssyncadd.s32 $0xFFFFC000  }
0xdc: {  	[spmem:s3] =	stream.indirect.scatter.add.f32 [tilespmem:s31], [sflag:$0x3], $0x80, s20, s28, $0xb8;
	[tilespmem:$0x1D400] =	vst v63  }
0xdd: {  	_ =	swait.ge [sflag:s24], $0x4000  }
0xde: {  	[sflag:s24] =	ssyncset.done $0x0  }
0xdf: {  	[sflag:s24] =	ssyncadd.s32 $0xFFFFC000  }
0xe0: {  	[tilespmem:s31], [sflag:$0x2] =	stream.indirect.gather [hbm4b:s5+s28], $0x80, s21, s28, $0xb8;
	[tilespmem:$0x1D400] =	vst v63  }
0xe1: {  	_ =	swait.ge [sflag:s0], $0x4000  }
0xe2: {  	[sflag:s0] =	ssyncset.done $0x0  }
0xe3: {  	[sflag:s0] =	ssyncadd.s32 $0xFFFFC000  }
0xe4: {  	[spmem:s3] =	stream.indirect.scatter.add.f32 [tilespmem:s29], [sflag:$0x3], $0x80, s7, s28, $0xb8;
	[tilespmem:$0x1D400] =	vst v63  }
0xe5: {  	_ =	swait.ge [sflag:s24], $0x4000  }
0xe6: {  	[sflag:s24] =	ssyncset.done $0x0  }
0xe7: {  	[sflag:s24] =	ssyncadd.s32 $0xFFFFC000  }
0xe8: {  	[tilespmem:s29], [sflag:$0x1] =	stream.indirect.gather [hbm4b:s5+s28], $0x80, s6, s28, $0xb8;
	[tilespmem:$0x1D400] =	vst v63  }
0xe9: {  	_ =	swait.ge [sflag:s12], $0x4000  }
0xea: {  	[sflag:s12] =	ssyncset.done $0x0  }
0xeb: {  	[sflag:s12] =	ssyncadd.s32 $0xFFFFC000  }
0xec: {  	[spmem:s3] =	stream.indirect.scatter.add.f32 [tilespmem:s31], [sflag:$0x3], $0x80, s10, s28, $0xb8;
	[tilespmem:$0x1D400] =	vst v63  }
0xed: {  	_ =	swait.ge [sflag:s24], $0x4000  }
0xee: {  	[sflag:s24] =	ssyncset.done $0x0  }
0xef: {  	[sflag:s24] =	ssyncadd.s32 $0xFFFFC000  }
0xf0: {  	[tilespmem:s31], [sflag:$0x2] =	stream.indirect.gather [hbm4b:s5+s28], $0x80, s11, s28, $0xb8;
	[tilespmem:$0x1D400] =	vst v63  }
0xf1: {  	_ =	swait.ge [sflag:s0], $0x4000  }
0xf2: {  	[sflag:s0] =	ssyncset.done $0x0  }
0xf3: {  	[sflag:s0] =	ssyncadd.s32 $0xFFFFC000  }
0xf4: {  	[spmem:s3] =	stream.indirect.scatter.add.f32 [tilespmem:s29], [sflag:$0x3], $0x80, s22, s28, $0xb8;
	[tilespmem:$0x1D400] =	vst v63  }
0xf5: {  	_ =	swait.ge [sflag:s24], $0x4000  }
0xf6: {  	[sflag:s24] =	ssyncset.done $0x0  }
0xf7: {  	[sflag:s24] =	ssyncadd.s32 $0xFFFFC000  }
0xf8: {  	[tilespmem:s29], [sflag:$0x1] =	stream.indirect.gather [hbm4b:s5+s28], $0x80, s2, s28, $0xb8;
	[tilespmem:$0x1D400] =	vst v63  }
0xf9: {  	_ =	swait.ge [sflag:s12], $0x4000  }
0xfa: {  	[sflag:s12] =	ssyncset.done $0x0  }
0xfb: {  	[sflag:s12] =	ssyncadd.s32 $0xFFFFC000  }
0xfc: {  	[spmem:s3] =	stream.indirect.scatter.add.f32 [tilespmem:s31], [sflag:$0x3], $0x80, s9, s28, $0xb8;
	[tilespmem:$0x1D400] =	vst v63  }
0xfd: {  	_ =	swait.ge [sflag:s24], $0x4000  }
0xfe: {  	[sflag:s24] =	ssyncset.done $0x0  }
0xff: {  	[sflag:s24] =	ssyncadd.s32 $0xFFFFC000  }
0x100: {  	[tilespmem:s31], [sflag:$0x2] =	stream.indirect.gather [hbm4b:s5+s28], $0x80, s30, s28, $0xb8;
	[tilespmem:$0x1D400] =	vst v63  }
0x101: {  	_ =	swait.ge [sflag:s0], $0x4000  }
0x102: {  	[sflag:s0] =	ssyncset.done $0x0  }
0x103: {  	[sflag:s0] =	ssyncadd.s32 $0xFFFFC000  }
0x104: {  	[spmem:s3] =	stream.indirect.scatter.add.f32 [tilespmem:s29], [sflag:$0x3], $0x80, s1, s28, $0xb8;
	[tilespmem:$0x1D400] =	vst v63  }
0x105: {  	_ =	swait.ge [sflag:s24], $0x4000  }
0x106: {  	[sflag:s24] =	ssyncset.done $0x0  }
0x107: {  	[sflag:s24] =	ssyncadd.s32 $0xFFFFC000  }
0x108: {  	[tilespmem:s29], [sflag:$0x1] =	stream.indirect.gather [hbm4b:s5+s28], $0x80, s18, s28, $0xb8;
	[tilespmem:$0x1D400] =	vst v63  }
0x109: {  	_ =	swait.ge [sflag:s12], $0x4000  }
0x10a: {  	[sflag:s12] =	ssyncset.done $0x0  }
0x10b: {  	[sflag:s12] =	ssyncadd.s32 $0xFFFFC000  }
0x10c: {  	[spmem:s3] =	stream.indirect.scatter.add.f32 [tilespmem:s31], [sflag:$0x3], $0x80, s13, s28, $0xb8;
	[tilespmem:$0x1D400] =	vst v63  }
0x10d: {  	_ =	swait.ge [sflag:s24], $0x4000  }
0x10e: {  	[sflag:s24] =	ssyncset.done $0x0  }
0x10f: {  	[sflag:s24] =	ssyncadd.s32 $0xFFFFC000  }
0x110: {  	[tilespmem:s31], [sflag:$0x2] =	stream.indirect.gather [hbm4b:s5+s28], $0x80, s4, s28, $0xb8;
	[tilespmem:$0x1D400] =	vst v63  }
0x111: {  	_ =	swait.ge [sflag:s0], $0x4000  }
0x112: {  	[sflag:s0] =	ssyncset.done $0x0  }
0x113: {  	s25 =	simm.s32 $0x14C00;
	[sflag:s0] =	ssyncadd.s32 $0xFFFFC000  }
0x114: {  	[spmem:s3] =	stream.indirect.scatter.add.f32 [tilespmem:s29], [sflag:$0x3], $0x80, s25, s28, $0xb8;
	[tilespmem:$0x1D400] =	vst v63  }
0x115: {  	_ =	swait.ge [sflag:s24], $0x4000  }
0x116: {  	[sflag:s24] =	ssyncset.done $0x0  }
0x117: {  	s26 =	simm.s32 $0x14100;
	[sflag:s24] =	ssyncadd.s32 $0xFFFFC000  }
0x118: {  	[tilespmem:s29], [sflag:$0x1] =	stream.indirect.gather [hbm4b:s5+s28], $0x80, s26, s28, $0xb8;
	[tilespmem:$0x1D400] =	vst v63  }
0x119: {  	_ =	swait.ge [sflag:s12], $0x4000  }
0x11a: {  	[sflag:s12] =	ssyncset.done $0x0  }
0x11b: {  	s30 =	simm.s32 $0x14C80;
	[sflag:s12] =	ssyncadd.s32 $0xFFFFC000  }
0x11c: {  	[spmem:s3] =	stream.indirect.scatter.add.f32 [tilespmem:s31], [sflag:$0x3], $0x80, s30, s28, $0xb8;
	[tilespmem:$0x1D400] =	vst v63  }
0x11d: {  	_ =	swait.ge [sflag:s24], $0x4000  }
0x11e: {  	[sflag:s24] =	ssyncset.done $0x0  }
0x11f: {  	s2 =	simm.s32 $0x14180;
	[sflag:s24] =	ssyncadd.s32 $0xFFFFC000  }
0x120: {  	[tilespmem:s31], [sflag:$0x2] =	stream.indirect.gather [hbm4b:s5+s28], $0x80, s2, s28, $0xb8;
	[tilespmem:$0x1D400] =	vst v63  }
0x121: {  	_ =	swait.ge [sflag:s0], $0x4000  }
0x122: {  	[sflag:s0] =	ssyncset.done $0x0  }
0x123: {  	s4 =	simm.s32 $0x14D00;
	[sflag:s0] =	ssyncadd.s32 $0xFFFFC000  }
0x124: {  	[spmem:s3] =	stream.indirect.scatter.add.f32 [tilespmem:s29], [sflag:$0x3], $0x80, s4, s28, $0xb8;
	[tilespmem:$0x1D400] =	vst v63  }
0x125: {  	_ =	swait.ge [sflag:s24], $0x4000  }
0x126: {  	[sflag:s24] =	ssyncset.done $0x0  }
0x127: {  	s6 =	simm.s32 $0x14200;
	[sflag:s24] =	ssyncadd.s32 $0xFFFFC000  }
0x128: {  	[tilespmem:s29], [sflag:$0x1] =	stream.indirect.gather [hbm4b:s5+s28], $0x80, s6, s28, $0xb8;
	[tilespmem:$0x1D400] =	vst v63  }
0x129: {  	_ =	swait.ge [sflag:s12], $0x4000  }
0x12a: {  	[sflag:s12] =	ssyncset.done $0x0  }
0x12b: {  	s7 =	simm.s32 $0x14D80;
	[sflag:s12] =	ssyncadd.s32 $0xFFFFC000  }
0x12c: {  	[spmem:s3] =	stream.indirect.scatter.add.f32 [tilespmem:s31], [sflag:$0x3], $0x80, s7, s28, $0xb8;
	[tilespmem:$0x1D400] =	vst v63  }
0x12d: {  	_ =	swait.ge [sflag:s24], $0x4000  }
0x12e: {  	[sflag:s24] =	ssyncset.done $0x0  }
0x12f: {  	s8 =	simm.s32 $0x14280;
	[sflag:s24] =	ssyncadd.s32 $0xFFFFC000  }
0x130: {  	[tilespmem:s31], [sflag:$0x2] =	stream.indirect.gather [hbm4b:s5+s28], $0x80, s8, s28, $0xb8;
	[tilespmem:$0x1D400] =	vst v63  }
0x131: {  	_ =	swait.ge [sflag:s0], $0x4000  }
0x132: {  	[sflag:s0] =	ssyncset.done $0x0  }
0x133: {  	s9 =	simm.s32 $0x14E00;
	[sflag:s0] =	ssyncadd.s32 $0xFFFFC000  }
0x134: {  	[spmem:s3] =	stream.indirect.scatter.add.f32 [tilespmem:s29], [sflag:$0x3], $0x80, s9, s28, $0xb8;
	[tilespmem:$0x1D400] =	vst v63  }
0x135: {  	_ =	swait.ge [sflag:s24], $0x4000  }
0x136: {  	[sflag:s24] =	ssyncset.done $0x0  }
0x137: {  	s10 =	simm.s32 $0x14300;
	[sflag:s24] =	ssyncadd.s32 $0xFFFFC000  }
0x138: {  	[tilespmem:s29], [sflag:$0x1] =	stream.indirect.gather [hbm4b:s5+s28], $0x80, s10, s28, $0xb8;
	[tilespmem:$0x1D400] =	vst v63  }
0x139: {  	_ =	swait.ge [sflag:s12], $0x4000  }
0x13a: {  	[sflag:s12] =	ssyncset.done $0x0  }
0x13b: {  	s11 =	simm.s32 $0x14E80;
	[sflag:s12] =	ssyncadd.s32 $0xFFFFC000  }
0x13c: {  	[spmem:s3] =	stream.indirect.scatter.add.f32 [tilespmem:s31], [sflag:$0x3], $0x80, s11, s28, $0xb8;
	[tilespmem:$0x1D400] =	vst v63  }
0x13d: {  	_ =	swait.ge [sflag:s24], $0x4000  }
0x13e: {  	[sflag:s24] =	ssyncset.done $0x0  }
0x13f: {  	s13 =	simm.s32 $0x14380;
	[sflag:s24] =	ssyncadd.s32 $0xFFFFC000  }
0x140: {  	[tilespmem:s31], [sflag:$0x2] =	stream.indirect.gather [hbm4b:s5+s28], $0x80, s13, s28, $0xb8;
	[tilespmem:$0x1D400] =	vst v63  }
0x141: {  	_ =	swait.ge [sflag:s0], $0x4000  }
0x142: {  	[sflag:s0] =	ssyncset.done $0x0  }
0x143: {  	s14 =	simm.s32 $0x14F00;
	[sflag:s0] =	ssyncadd.s32 $0xFFFFC000  }
0x144: {  	[spmem:s3] =	stream.indirect.scatter.add.f32 [tilespmem:s29], [sflag:$0x3], $0x80, s14, s28, $0xb8;
	[tilespmem:$0x1D400] =	vst v63  }
0x145: {  	_ =	swait.ge [sflag:s24], $0x4000  }
0x146: {  	[sflag:s24] =	ssyncset.done $0x0  }
0x147: {  	s15 =	simm.s32 $0x14400;
	[sflag:s24] =	ssyncadd.s32 $0xFFFFC000  }
0x148: {  	[tilespmem:s29], [sflag:$0x1] =	stream.indirect.gather [hbm4b:s5+s28], $0x80, s15, s28, $0xb8;
	[tilespmem:$0x1D400] =	vst v63  }
0x149: {  	_ =	swait.ge [sflag:s12], $0x4000  }
0x14a: {  	[sflag:s12] =	ssyncset.done $0x0  }
0x14b: {  	s16 =	simm.s32 $0x14F80;
	[sflag:s12] =	ssyncadd.s32 $0xFFFFC000  }
0x14c: {  	[spmem:s3] =	stream.indirect.scatter.add.f32 [tilespmem:s31], [sflag:$0x3], $0x80, s16, s28, $0xb8;
	[tilespmem:$0x1D400] =	vst v63  }
0x14d: {  	_ =	swait.ge [sflag:s24], $0x4000  }
0x14e: {  	[sflag:s24] =	ssyncset.done $0x0  }
0x14f: {  	s17 =	simm.s32 $0x14480;
	[sflag:s24] =	ssyncadd.s32 $0xFFFFC000  }
0x150: {  	[tilespmem:s31], [sflag:$0x2] =	stream.indirect.gather [hbm4b:s5+s28], $0x80, s17, s28, $0xb8;
	[tilespmem:$0x1D400] =	vst v63  }
0x151: {  	_ =	swait.ge [sflag:s0], $0x4000  }
0x152: {  	[sflag:s0] =	ssyncset.done $0x0  }
0x153: {  	s18 =	simm.s32 $0x15000;
	[sflag:s0] =	ssyncadd.s32 $0xFFFFC000  }
0x154: {  	[spmem:s3] =	stream.indirect.scatter.add.f32 [tilespmem:s29], [sflag:$0x3], $0x80, s18, s28, $0xb8;
	[tilespmem:$0x1D400] =	vst v63  }
0x155: {  	_ =	swait.ge [sflag:s24], $0x4000  }
0x156: {  	[sflag:s24] =	ssyncset.done $0x0  }
0x157: {  	s19 =	simm.s32 $0x14500;
	[sflag:s24] =	ssyncadd.s32 $0xFFFFC000  }
0x158: {  	[tilespmem:s29], [sflag:$0x1] =	stream.indirect.gather [hbm4b:s5+s28], $0x80, s19, s28, $0xb8;
	[tilespmem:$0x1D400] =	vst v63  }
0x159: {  	_ =	swait.ge [sflag:s12], $0x4000  }
0x15a: {  	[sflag:s12] =	ssyncset.done $0x0  }
0x15b: {  	s20 =	simm.s32 $0x15080;
	[sflag:s12] =	ssyncadd.s32 $0xFFFFC000  }
0x15c: {  	[spmem:s3] =	stream.indirect.scatter.add.f32 [tilespmem:s31], [sflag:$0x3], $0x80, s20, s28, $0xb8;
	[tilespmem:$0x1D400] =	vst v63  }
0x15d: {  	_ =	swait.ge [sflag:s24], $0x4000  }
0x15e: {  	[sflag:s24] =	ssyncset.done $0x0  }
0x15f: {  	s21 =	simm.s32 $0x14580;
	[sflag:s24] =	ssyncadd.s32 $0xFFFFC000  }
0x160: {  	[tilespmem:s31], [sflag:$0x2] =	stream.indirect.gather [hbm4b:s5+s28], $0x80, s21, s28, $0xb8;
	[tilespmem:$0x1D400] =	vst v63  }
0x161: {  	_ =	swait.ge [sflag:s0], $0x4000  }
0x162: {  	[sflag:s0] =	ssyncset.done $0x0  }
0x163: {  	s22 =	simm.s32 $0x15100;
	[sflag:s0] =	ssyncadd.s32 $0xFFFFC000  }
0x164: {  	[spmem:s3] =	stream.indirect.scatter.add.f32 [tilespmem:s29], [sflag:$0x3], $0x80, s22, s28, $0xb8;
	[tilespmem:$0x1D400] =	vst v63  }
0x165: {  	_ =	swait.ge [sflag:s24], $0x4000  }
0x166: {  	[sflag:s24] =	ssyncset.done $0x0  }
0x167: {  	[sflag:s24] =	ssyncadd.s32 $0xFFFFC000  }
0x168: {  	_ =	swait.ge [sflag:s12], $0x4000  }
0x169: {  	[sflag:s12] =	ssyncset.done $0x0  }
0x16a: {  	s23 =	simm.s32 $0x15180;
	[sflag:s12] =	ssyncadd.s32 $0xFFFFC000  }
0x16b: {  	[spmem:s3] =	stream.indirect.scatter.add.f32 [tilespmem:s31], [sflag:$0x3], $0x80, s23, s28, $0xb8;
	[tilespmem:$0x1D400] =	vst v63  }
0x16c: {  	_ =	swait.ge [sflag:s24], $0x4000  }
0x16d: {  	[sflag:s24] =	ssyncset.done $0x0  }
0x16e: {  	[sflag:s24] =	ssyncadd.s32 $0xFFFFC000  }
0x16f: {  	[bflag:$0x0] =	sbarrier.arrive $0xFFFF  }
0x170: {  	s15 =	rddreg [dreg:$0x14]  }
0x171: {  	s25 =	rddreg [dreg:$0x12]  }
0x172: {  	s26 =	rddreg [dreg:$0x15]  }
0x173: {  	[hbm:s25], [sflag:s15] =	dma.local [spmem:s26], $0x2780  }
0x174: {  	_ =	swait.ge [sflag:s24], $0x2780  }
0x175: {  	s30 =	rddreg [dreg:$0x16]  }
0x176: {  	s2 =	sadd.s32 $0xFFFFFFFF, s30  }
0x177: {  	p1 =	sne.s32 s2, $0x0  }
.Ltmp1:
0x178: {  	_ = 	snop;
	(pc) =	sbr.rel @!p1 .LBB2_4-.Ltmp1, $3  }
0x179: {  	_ =	sdelay $0x1  }
0x17a: {  	[sflag:s24] =	ssyncset.done $0x0  }
0x17b: {  	[sflag:s24] =	ssyncadd.s32 $0xFFFFD880  }
.LBB2_1:
0x17c: {  	[dreg:$0x16] =	wrdreg s2  }
0x17d: {  	s13 =	rddreg [dreg:$0x4]  }
0x17e: {  	s14 =	rddreg [dreg:$0x5];
	s1 =	sshrl.u32 s13, $0x3  }
0x17f: {  	[dreg:$0x15] =	wrdreg s1  }
0x180: {  	[spmem:s1], [sflag:s15] =	dma.local [hbm:s14], $0x2780  }
0x181: {  	_ =	swait.ge [sflag:s24], $0x2780  }
.Ltmp2:
0x182: {  	[sflag:s24] =	ssyncset.done $0x0;
	(pc) =	sbr.rel @p0 .LBB2_3-.Ltmp2, $4  }
0x183: {  	[sflag:s24] =	ssyncadd.s32 $0xFFFFD880  }
0x184: {  	[bflag:$0x0] =	sbarrier.arrive $0xFFFF  }
0x185: {  	s15 =	rddreg [dreg:$0x6]  }
0x186: {  	s14 =	rddreg [dreg:$0x7]  }
0x187: {  	s14 =	rddreg [dreg:$0x8];
	s4 =	simm.s32 $0x0;
	s22 =	simm.s32 $0x13C00  }
0x188: {  	[tilespmem:s22], [sflag:$0x3] =	stream.linear.gather [hbm4b:s14+s4], $0xA00, $0x38;
	[tilespmem:$0x1D400] =	vst v63  }
0x189: {  	_ =	swait.ge [sflag:s24], $0xA00  }
0x18a: {  	[sflag:s24] =	ssyncset.done $0x0  }
0x18b: {  	s25 =	simm.s32 $0x14800;
	s20 =	rddreg [dreg:$0x9];
	[sflag:s24] =	ssyncadd.s32 $0xFFFFF600  }
0x18c: {  	[tilespmem:s25], [sflag:$0x3] =	stream.linear.gather [hbm4b:s20+s4], $0xA00, $0x38;
	[tilespmem:$0x1D400] =	vst v63  }
0x18d: {  	_ =	swait.ge [sflag:s24], $0xA00  }
0x18e: {  	[sflag:s24] =	ssyncset.done $0x0  }
0x18f: {  	[sflag:s24] =	ssyncadd.s32 $0xFFFFF600  }
0x190: {  	[tilespmem:s29], [sflag:$0x1] =	stream.indirect.gather [hbm4b:s5+s28], $0x80, s22, s28, $0xb8;
	[tilespmem:$0x1D400] =	vst v63  }
0x191: {  	s1 =	simm.s32 $0x13C80  }
0x192: {  	[tilespmem:s31], [sflag:$0x2] =	stream.indirect.gather [hbm4b:s5+s28], $0x80, s1, s28, $0xb8;
	[tilespmem:$0x1D400] =	vst v63  }
0x193: {  	_ =	swait.ge [sflag:s0], $0x4000  }
0x194: {  	[sflag:s0] =	ssyncset.done $0x0  }
0x195: {  	[sflag:s0] =	ssyncadd.s32 $0xFFFFC000  }
0x196: {  	[spmem:s3] =	stream.indirect.scatter.add.f32 [tilespmem:s29], [sflag:$0x3], $0x80, s25, s28, $0xb8;
	[tilespmem:$0x1D400] =	vst v63  }
0x197: {  	_ =	swait.ge [sflag:s24], $0x4000  }
0x198: {  	[sflag:s24] =	ssyncset.done $0x0  }
0x199: {  	s21 =	simm.s32 $0x13D00;
	[sflag:s24] =	ssyncadd.s32 $0xFFFFC000  }
0x19a: {  	[tilespmem:s29], [sflag:$0x1] =	stream.indirect.gather [hbm4b:s5+s28], $0x80, s21, s28, $0xb8;
	[tilespmem:$0x1D400] =	vst v63  }
0x19b: {  	_ =	swait.ge [sflag:s12], $0x4000  }
0x19c: {  	[sflag:s12] =	ssyncset.done $0x0  }
0x19d: {  	s23 =	simm.s32 $0x14880;
	[sflag:s12] =	ssyncadd.s32 $0xFFFFC000  }
0x19e: {  	[spmem:s3] =	stream.indirect.scatter.add.f32 [tilespmem:s31], [sflag:$0x3], $0x80, s23, s28, $0xb8;
	[tilespmem:$0x1D400] =	vst v63  }
0x19f: {  	_ =	swait.ge [sflag:s24], $0x4000  }
0x1a0: {  	[sflag:s24] =	ssyncset.done $0x0  }
0x1a1: {  	s26 =	simm.s32 $0x13D80;
	[sflag:s24] =	ssyncadd.s32 $0xFFFFC000  }
0x1a2: {  	[tilespmem:s31], [sflag:$0x2] =	stream.indirect.gather [hbm4b:s5+s28], $0x80, s26, s28, $0xb8;
	[tilespmem:$0x1D400] =	vst v63  }
0x1a3: {  	_ =	swait.ge [sflag:s0], $0x4000  }
0x1a4: {  	[sflag:s0] =	ssyncset.done $0x0  }
0x1a5: {  	s30 =	simm.s32 $0x14900;
	[sflag:s0] =	ssyncadd.s32 $0xFFFFC000  }
0x1a6: {  	[spmem:s3] =	stream.indirect.scatter.add.f32 [tilespmem:s29], [sflag:$0x3], $0x80, s30, s28, $0xb8;
	[tilespmem:$0x1D400] =	vst v63  }
0x1a7: {  	_ =	swait.ge [sflag:s24], $0x4000  }
0x1a8: {  	[sflag:s24] =	ssyncset.done $0x0  }
0x1a9: {  	s2 =	simm.s32 $0x13E00;
	[sflag:s24] =	ssyncadd.s32 $0xFFFFC000  }
0x1aa: {  	[tilespmem:s29], [sflag:$0x1] =	stream.indirect.gather [hbm4b:s5+s28], $0x80, s2, s28, $0xb8;
	[tilespmem:$0x1D400] =	vst v63  }
0x1ab: {  	_ =	swait.ge [sflag:s12], $0x4000  }
0x1ac: {  	[sflag:s12] =	ssyncset.done $0x0  }
0x1ad: {  	s8 =	simm.s32 $0x14980;
	[sflag:s12] =	ssyncadd.s32 $0xFFFFC000  }
0x1ae: {  	[spmem:s3] =	stream.indirect.scatter.add.f32 [tilespmem:s31], [sflag:$0x3], $0x80, s8, s28, $0xb8;
	[tilespmem:$0x1D400] =	vst v63  }
0x1af: {  	_ =	swait.ge [sflag:s24], $0x4000  }
0x1b0: {  	[sflag:s24] =	ssyncset.done $0x0  }
0x1b1: {  	s10 =	simm.s32 $0x13E80;
	[sflag:s24] =	ssyncadd.s32 $0xFFFFC000  }
0x1b2: {  	[tilespmem:s31], [sflag:$0x2] =	stream.indirect.gather [hbm4b:s5+s28], $0x80, s10, s28, $0xb8;
	[tilespmem:$0x1D400] =	vst v63  }
0x1b3: {  	_ =	swait.ge [sflag:s0], $0x4000  }
0x1b4: {  	[sflag:s0] =	ssyncset.done $0x0  }
0x1b5: {  	s11 =	simm.s32 $0x14A00;
	[sflag:s0] =	ssyncadd.s32 $0xFFFFC000  }
0x1b6: {  	[spmem:s3] =	stream.indirect.scatter.add.f32 [tilespmem:s29], [sflag:$0x3], $0x80, s11, s28, $0xb8;
	[tilespmem:$0x1D400] =	vst v63  }
0x1b7: {  	_ =	swait.ge [sflag:s24], $0x4000  }
0x1b8: {  	[sflag:s24] =	ssyncset.done $0x0  }
0x1b9: {  	s13 =	simm.s32 $0x13F00;
	[sflag:s24] =	ssyncadd.s32 $0xFFFFC000  }
0x1ba: {  	[tilespmem:s29], [sflag:$0x1] =	stream.indirect.gather [hbm4b:s5+s28], $0x80, s13, s28, $0xb8;
	[tilespmem:$0x1D400] =	vst v63  }
0x1bb: {  	_ =	swait.ge [sflag:s12], $0x4000  }
0x1bc: {  	[sflag:s12] =	ssyncset.done $0x0  }
0x1bd: {  	s14 =	simm.s32 $0x14A80;
	[sflag:s12] =	ssyncadd.s32 $0xFFFFC000  }
0x1be: {  	[spmem:s3] =	stream.indirect.scatter.add.f32 [tilespmem:s31], [sflag:$0x3], $0x80, s14, s28, $0xb8;
	[tilespmem:$0x1D400] =	vst v63  }
0x1bf: {  	_ =	swait.ge [sflag:s24], $0x4000  }
0x1c0: {  	[sflag:s24] =	ssyncset.done $0x0  }
0x1c1: {  	s15 =	simm.s32 $0x13F80;
	[sflag:s24] =	ssyncadd.s32 $0xFFFFC000  }
0x1c2: {  	[tilespmem:s31], [sflag:$0x2] =	stream.indirect.gather [hbm4b:s5+s28], $0x80, s15, s28, $0xb8;
	[tilespmem:$0x1D400] =	vst v63  }
0x1c3: {  	_ =	swait.ge [sflag:s0], $0x4000  }
0x1c4: {  	[sflag:s0] =	ssyncset.done $0x0  }
0x1c5: {  	s16 =	simm.s32 $0x14B00;
	[sflag:s0] =	ssyncadd.s32 $0xFFFFC000  }
0x1c6: {  	[spmem:s3] =	stream.indirect.scatter.add.f32 [tilespmem:s29], [sflag:$0x3], $0x80, s16, s28, $0xb8;
	[tilespmem:$0x1D400] =	vst v63  }
0x1c7: {  	_ =	swait.ge [sflag:s24], $0x4000  }
0x1c8: {  	[sflag:s24] =	ssyncset.done $0x0  }
0x1c9: {  	s17 =	simm.s32 $0x14000;
	[sflag:s24] =	ssyncadd.s32 $0xFFFFC000  }
0x1ca: {  	[tilespmem:s29], [sflag:$0x1] =	stream.indirect.gather [hbm4b:s5+s28], $0x80, s17, s28, $0xb8;
	[tilespmem:$0x1D400] =	vst v63  }
0x1cb: {  	_ =	swait.ge [sflag:s12], $0x4000  }
0x1cc: {  	[sflag:s12] =	ssyncset.done $0x0  }
0x1cd: {  	s18 =	simm.s32 $0x14B80;
	[sflag:s12] =	ssyncadd.s32 $0xFFFFC000  }
0x1ce: {  	[spmem:s3] =	stream.indirect.scatter.add.f32 [tilespmem:s31], [sflag:$0x3], $0x80, s18, s28, $0xb8;
	[tilespmem:$0x1D400] =	vst v63  }
0x1cf: {  	_ =	swait.ge [sflag:s24], $0x4000  }
0x1d0: {  	[sflag:s24] =	ssyncset.done $0x0  }
0x1d1: {  	s19 =	simm.s32 $0x14080;
	[sflag:s24] =	ssyncadd.s32 $0xFFFFC000  }
0x1d2: {  	[tilespmem:s31], [sflag:$0x2] =	stream.indirect.gather [hbm4b:s5+s28], $0x80, s19, s28, $0xb8;
	[tilespmem:$0x1D400] =	vst v63  }
0x1d3: {  	_ =	swait.ge [sflag:s0], $0x4000  }
0x1d4: {  	[sflag:s0] =	ssyncset.done $0x0  }
0x1d5: {  	s20 =	simm.s32 $0x14C00;
	[sflag:s0] =	ssyncadd.s32 $0xFFFFC000  }
0x1d6: {  	[spmem:s3] =	stream.indirect.scatter.add.f32 [tilespmem:s29], [sflag:$0x3], $0x80, s20, s28, $0xb8;
	[tilespmem:$0x1D400] =	vst v63  }
0x1d7: {  	_ =	swait.ge [sflag:s24], $0x4000  }
0x1d8: {  	[sflag:s24] =	ssyncset.done $0x0  }
0x1d9: {  	s21 =	simm.s32 $0x14100;
	[sflag:s24] =	ssyncadd.s32 $0xFFFFC000  }
0x1da: {  	[tilespmem:s29], [sflag:$0x1] =	stream.indirect.gather [hbm4b:s5+s28], $0x80, s21, s28, $0xb8;
	[tilespmem:$0x1D400] =	vst v63  }
0x1db: {  	_ =	swait.ge [sflag:s12], $0x4000  }
0x1dc: {  	[sflag:s12] =	ssyncset.done $0x0  }
0x1dd: {  	s23 =	simm.s32 $0x14C80;
	[sflag:s12] =	ssyncadd.s32 $0xFFFFC000  }
0x1de: {  	[spmem:s3] =	stream.indirect.scatter.add.f32 [tilespmem:s31], [sflag:$0x3], $0x80, s23, s28, $0xb8;
	[tilespmem:$0x1D400] =	vst v63  }
0x1df: {  	_ =	swait.ge [sflag:s24], $0x4000  }
0x1e0: {  	[sflag:s24] =	ssyncset.done $0x0  }
0x1e1: {  	s26 =	simm.s32 $0x14180;
	[sflag:s24] =	ssyncadd.s32 $0xFFFFC000  }
0x1e2: {  	[tilespmem:s31], [sflag:$0x2] =	stream.indirect.gather [hbm4b:s5+s28], $0x80, s26, s28, $0xb8;
	[tilespmem:$0x1D400] =	vst v63  }
0x1e3: {  	_ =	swait.ge [sflag:s0], $0x4000  }
0x1e4: {  	[sflag:s0] =	ssyncset.done $0x0  }
0x1e5: {  	s30 =	simm.s32 $0x14D00;
	[sflag:s0] =	ssyncadd.s32 $0xFFFFC000  }
0x1e6: {  	[spmem:s3] =	stream.indirect.scatter.add.f32 [tilespmem:s29], [sflag:$0x3], $0x80, s30, s28, $0xb8;
	[tilespmem:$0x1D400] =	vst v63  }
0x1e7: {  	_ =	swait.ge [sflag:s24], $0x4000  }
0x1e8: {  	[sflag:s24] =	ssyncset.done $0x0  }
0x1e9: {  	s1 =	simm.s32 $0x14200;
	[sflag:s24] =	ssyncadd.s32 $0xFFFFC000  }
0x1ea: {  	[tilespmem:s29], [sflag:$0x1] =	stream.indirect.gather [hbm4b:s5+s28], $0x80, s1, s28, $0xb8;
	[tilespmem:$0x1D400] =	vst v63  }
0x1eb: {  	_ =	swait.ge [sflag:s12], $0x4000  }
0x1ec: {  	[sflag:s12] =	ssyncset.done $0x0  }
0x1ed: {  	s11 =	simm.s32 $0x14D80;
	[sflag:s12] =	ssyncadd.s32 $0xFFFFC000  }
0x1ee: {  	[spmem:s3] =	stream.indirect.scatter.add.f32 [tilespmem:s31], [sflag:$0x3], $0x80, s11, s28, $0xb8;
	[tilespmem:$0x1D400] =	vst v63  }
0x1ef: {  	_ =	swait.ge [sflag:s24], $0x4000  }
0x1f0: {  	[sflag:s24] =	ssyncset.done $0x0  }
0x1f1: {  	s13 =	simm.s32 $0x14280;
	[sflag:s24] =	ssyncadd.s32 $0xFFFFC000  }
0x1f2: {  	[tilespmem:s31], [sflag:$0x2] =	stream.indirect.gather [hbm4b:s5+s28], $0x80, s13, s28, $0xb8;
	[tilespmem:$0x1D400] =	vst v63  }
0x1f3: {  	_ =	swait.ge [sflag:s0], $0x4000  }
0x1f4: {  	[sflag:s0] =	ssyncset.done $0x0  }
0x1f5: {  	s15 =	simm.s32 $0x14E00;
	[sflag:s0] =	ssyncadd.s32 $0xFFFFC000  }
0x1f6: {  	[spmem:s3] =	stream.indirect.scatter.add.f32 [tilespmem:s29], [sflag:$0x3], $0x80, s15, s28, $0xb8;
	[tilespmem:$0x1D400] =	vst v63  }
0x1f7: {  	_ =	swait.ge [sflag:s24], $0x4000  }
0x1f8: {  	[sflag:s24] =	ssyncset.done $0x0  }
0x1f9: {  	s16 =	simm.s32 $0x14300;
	[sflag:s24] =	ssyncadd.s32 $0xFFFFC000  }
0x1fa: {  	[tilespmem:s29], [sflag:$0x1] =	stream.indirect.gather [hbm4b:s5+s28], $0x80, s16, s28, $0xb8;
	[tilespmem:$0x1D400] =	vst v63  }
0x1fb: {  	_ =	swait.ge [sflag:s12], $0x4000  }
0x1fc: {  	[sflag:s12] =	ssyncset.done $0x0  }
0x1fd: {  	s17 =	simm.s32 $0x14E80;
	[sflag:s12] =	ssyncadd.s32 $0xFFFFC000  }
0x1fe: {  	[spmem:s3] =	stream.indirect.scatter.add.f32 [tilespmem:s31], [sflag:$0x3], $0x80, s17, s28, $0xb8;
	[tilespmem:$0x1D400] =	vst v63  }
0x1ff: {  	_ =	swait.ge [sflag:s24], $0x4000  }
0x200: {  	[sflag:s24] =	ssyncset.done $0x0  }
0x201: {  	s18 =	simm.s32 $0x14380;
	[sflag:s24] =	ssyncadd.s32 $0xFFFFC000  }
0x202: {  	[tilespmem:s31], [sflag:$0x2] =	stream.indirect.gather [hbm4b:s5+s28], $0x80, s18, s28, $0xb8;
	[tilespmem:$0x1D400] =	vst v63  }
0x203: {  	_ =	swait.ge [sflag:s0], $0x4000  }
0x204: {  	[sflag:s0] =	ssyncset.done $0x0  }
0x205: {  	s19 =	simm.s32 $0x14F00;
	[sflag:s0] =	ssyncadd.s32 $0xFFFFC000  }
0x206: {  	[spmem:s3] =	stream.indirect.scatter.add.f32 [tilespmem:s29], [sflag:$0x3], $0x80, s19, s28, $0xb8;
	[tilespmem:$0x1D400] =	vst v63  }
0x207: {  	_ =	swait.ge [sflag:s24], $0x4000  }
0x208: {  	[sflag:s24] =	ssyncset.done $0x0  }
0x209: {  	s20 =	simm.s32 $0x14400;
	[sflag:s24] =	ssyncadd.s32 $0xFFFFC000  }
0x20a: {  	[tilespmem:s29], [sflag:$0x1] =	stream.indirect.gather [hbm4b:s5+s28], $0x80, s20, s28, $0xb8;
	[tilespmem:$0x1D400] =	vst v63  }
0x20b: {  	_ =	swait.ge [sflag:s12], $0x4000  }
0x20c: {  	[sflag:s12] =	ssyncset.done $0x0  }
0x20d: {  	s21 =	simm.s32 $0x14F80;
	[sflag:s12] =	ssyncadd.s32 $0xFFFFC000  }
0x20e: {  	[spmem:s3] =	stream.indirect.scatter.add.f32 [tilespmem:s31], [sflag:$0x3], $0x80, s21, s28, $0xb8;
	[tilespmem:$0x1D400] =	vst v63  }
0x20f: {  	_ =	swait.ge [sflag:s24], $0x4000  }
0x210: {  	[sflag:s24] =	ssyncset.done $0x0  }
0x211: {  	s23 =	simm.s32 $0x14480;
	[sflag:s24] =	ssyncadd.s32 $0xFFFFC000  }
0x212: {  	[tilespmem:s31], [sflag:$0x2] =	stream.indirect.gather [hbm4b:s5+s28], $0x80, s23, s28, $0xb8;
	[tilespmem:$0x1D400] =	vst v63  }
0x213: {  	_ =	swait.ge [sflag:s0], $0x4000  }
0x214: {  	[sflag:s0] =	ssyncset.done $0x0  }
0x215: {  	s26 =	simm.s32 $0x15000;
	[sflag:s0] =	ssyncadd.s32 $0xFFFFC000  }
0x216: {  	[spmem:s3] =	stream.indirect.scatter.add.f32 [tilespmem:s29], [sflag:$0x3], $0x80, s26, s28, $0xb8;
	[tilespmem:$0x1D400] =	vst v63  }
0x217: {  	_ =	swait.ge [sflag:s24], $0x4000  }
0x218: {  	[sflag:s24] =	ssyncset.done $0x0  }
0x219: {  	s30 =	simm.s32 $0x14500;
	[sflag:s24] =	ssyncadd.s32 $0xFFFFC000  }
0x21a: {  	[tilespmem:s29], [sflag:$0x1] =	stream.indirect.gather [hbm4b:s5+s28], $0x80, s30, s28, $0xb8;
	[tilespmem:$0x1D400] =	vst v63  }
0x21b: {  	_ =	swait.ge [sflag:s12], $0x4000  }
0x21c: {  	[sflag:s12] =	ssyncset.done $0x0  }
0x21d: {  	s1 =	simm.s32 $0x15080;
	[sflag:s12] =	ssyncadd.s32 $0xFFFFC000  }
0x21e: {  	[spmem:s3] =	stream.indirect.scatter.add.f32 [tilespmem:s31], [sflag:$0x3], $0x80, s1, s28, $0xb8;
	[tilespmem:$0x1D400] =	vst v63  }
0x21f: {  	_ =	swait.ge [sflag:s24], $0x4000  }
0x220: {  	[sflag:s24] =	ssyncset.done $0x0  }
0x221: {  	s11 =	simm.s32 $0x14580;
	[sflag:s24] =	ssyncadd.s32 $0xFFFFC000  }
0x222: {  	[tilespmem:s31], [sflag:$0x2] =	stream.indirect.gather [hbm4b:s5+s28], $0x80, s11, s28, $0xb8;
	[tilespmem:$0x1D400] =	vst v63  }
0x223: {  	_ =	swait.ge [sflag:s0], $0x4000  }
0x224: {  	[sflag:s0] =	ssyncset.done $0x0  }
0x225: {  	s13 =	simm.s32 $0x15100;
	[sflag:s0] =	ssyncadd.s32 $0xFFFFC000  }
0x226: {  	[spmem:s3] =	stream.indirect.scatter.add.f32 [tilespmem:s29], [sflag:$0x3], $0x80, s13, s28, $0xb8;
	[tilespmem:$0x1D400] =	vst v63  }
0x227: {  	_ =	swait.ge [sflag:s24], $0x4000  }
0x228: {  	[sflag:s24] =	ssyncset.done $0x0  }
0x229: {  	[sflag:s24] =	ssyncadd.s32 $0xFFFFC000  }
0x22a: {  	_ =	swait.ge [sflag:s12], $0x4000  }
0x22b: {  	[sflag:s12] =	ssyncset.done $0x0  }
0x22c: {  	s15 =	simm.s32 $0x15180;
	[sflag:s12] =	ssyncadd.s32 $0xFFFFC000  }
0x22d: {  	[spmem:s3] =	stream.indirect.scatter.add.f32 [tilespmem:s31], [sflag:$0x3], $0x80, s15, s28, $0xb8;
	[tilespmem:$0x1D400] =	vst v63  }
0x22e: {  	_ =	swait.ge [sflag:s24], $0x4000  }
0x22f: {  	[sflag:s24] =	ssyncset.done $0x0  }
0x230: {  	s16 =	rddreg [dreg:$0xa];
	[sflag:s24] =	ssyncadd.s32 $0xFFFFC000  }
0x231: {  	[tilespmem:s22], [sflag:$0x3] =	stream.linear.gather [hbm4b:s16+s4], $0xA00, $0x38;
	[tilespmem:$0x1D400] =	vst v63  }
0x232: {  	_ =	swait.ge [sflag:s24], $0xA00  }
0x233: {  	[sflag:s24] =	ssyncset.done $0x0  }
0x234: {  	s17 =	rddreg [dreg:$0xb];
	[sflag:s24] =	ssyncadd.s32 $0xFFFFF600  }
0x235: {  	[tilespmem:s25], [sflag:$0x3] =	stream.linear.gather [hbm4b:s17+s4], $0xA00, $0x38;
	[tilespmem:$0x1D400] =	vst v63  }
0x236: {  	_ =	swait.ge [sflag:s24], $0xA00  }
0x237: {  	[sflag:s24] =	ssyncset.done $0x0  }
0x238: {  	[sflag:s24] =	ssyncadd.s32 $0xFFFFF600  }
0x239: {  	[tilespmem:s29], [sflag:$0x1] =	stream.indirect.gather [hbm4b:s5+s28], $0x80, s22, s28, $0xb8;
	[tilespmem:$0x1D400] =	vst v63  }
0x23a: {  	s6 =	simm.s32 $0x13C80  }
0x23b: {  	[tilespmem:s31], [sflag:$0x2] =	stream.indirect.gather [hbm4b:s5+s28], $0x80, s6, s28, $0xb8;
	[tilespmem:$0x1D400] =	vst v63  }
0x23c: {  	_ =	swait.ge [sflag:s0], $0x4000  }
0x23d: {  	[sflag:s0] =	ssyncset.done $0x0  }
0x23e: {  	[sflag:s0] =	ssyncadd.s32 $0xFFFFC000  }
0x23f: {  	[spmem:s3] =	stream.indirect.scatter.add.f32 [tilespmem:s29], [sflag:$0x3], $0x80, s25, s28, $0xb8;
	[tilespmem:$0x1D400] =	vst v63  }
0x240: {  	_ =	swait.ge [sflag:s24], $0x4000  }
0x241: {  	[sflag:s24] =	ssyncset.done $0x0  }
0x242: {  	s7 =	simm.s32 $0x13D00;
	[sflag:s24] =	ssyncadd.s32 $0xFFFFC000  }
0x243: {  	[tilespmem:s29], [sflag:$0x1] =	stream.indirect.gather [hbm4b:s5+s28], $0x80, s7, s28, $0xb8;
	[tilespmem:$0x1D400] =	vst v63  }
0x244: {  	_ =	swait.ge [sflag:s12], $0x4000  }
0x245: {  	[sflag:s12] =	ssyncset.done $0x0  }
0x246: {  	s9 =	simm.s32 $0x14880;
	[sflag:s12] =	ssyncadd.s32 $0xFFFFC000  }
0x247: {  	[spmem:s3] =	stream.indirect.scatter.add.f32 [tilespmem:s31], [sflag:$0x3], $0x80, s9, s28, $0xb8;
	[tilespmem:$0x1D400] =	vst v63  }
0x248: {  	_ =	swait.ge [sflag:s24], $0x4000  }
0x249: {  	[sflag:s24] =	ssyncset.done $0x0  }
0x24a: {  	s11 =	simm.s32 $0x13D80;
	[sflag:s24] =	ssyncadd.s32 $0xFFFFC000  }
0x24b: {  	[tilespmem:s31], [sflag:$0x2] =	stream.indirect.gather [hbm4b:s5+s28], $0x80, s11, s28, $0xb8;
	[tilespmem:$0x1D400] =	vst v63  }
0x24c: {  	_ =	swait.ge [sflag:s0], $0x4000  }
0x24d: {  	[sflag:s0] =	ssyncset.done $0x0  }
0x24e: {  	s13 =	simm.s32 $0x14900;
	[sflag:s0] =	ssyncadd.s32 $0xFFFFC000  }
0x24f: {  	[spmem:s3] =	stream.indirect.scatter.add.f32 [tilespmem:s29], [sflag:$0x3], $0x80, s13, s28, $0xb8;
	[tilespmem:$0x1D400] =	vst v63  }
0x250: {  	_ =	swait.ge [sflag:s24], $0x4000  }
0x251: {  	[sflag:s24] =	ssyncset.done $0x0  }
0x252: {  	s6 =	simm.s32 $0x13E00;
	[sflag:s24] =	ssyncadd.s32 $0xFFFFC000  }
0x253: {  	[tilespmem:s29], [sflag:$0x1] =	stream.indirect.gather [hbm4b:s5+s28], $0x80, s6, s28, $0xb8;
	[tilespmem:$0x1D400] =	vst v63  }
0x254: {  	_ =	swait.ge [sflag:s12], $0x4000  }
0x255: {  	[sflag:s12] =	ssyncset.done $0x0  }
0x256: {  	s2 =	simm.s32 $0x14980;
	[sflag:s12] =	ssyncadd.s32 $0xFFFFC000  }
0x257: {  	[spmem:s3] =	stream.indirect.scatter.add.f32 [tilespmem:s31], [sflag:$0x3], $0x80, s2, s28, $0xb8;
	[tilespmem:$0x1D400] =	vst v63  }
0x258: {  	_ =	swait.ge [sflag:s24], $0x4000  }
0x259: {  	[sflag:s24] =	ssyncset.done $0x0  }
0x25a: {  	s7 =	simm.s32 $0x13E80;
	[sflag:s24] =	ssyncadd.s32 $0xFFFFC000  }
0x25b: {  	[tilespmem:s31], [sflag:$0x2] =	stream.indirect.gather [hbm4b:s5+s28], $0x80, s7, s28, $0xb8;
	[tilespmem:$0x1D400] =	vst v63  }
0x25c: {  	_ =	swait.ge [sflag:s0], $0x4000  }
0x25d: {  	[sflag:s0] =	ssyncset.done $0x0  }
0x25e: {  	s8 =	simm.s32 $0x14A00;
	[sflag:s0] =	ssyncadd.s32 $0xFFFFC000  }
0x25f: {  	[spmem:s3] =	stream.indirect.scatter.add.f32 [tilespmem:s29], [sflag:$0x3], $0x80, s8, s28, $0xb8;
	[tilespmem:$0x1D400] =	vst v63  }
0x260: {  	_ =	swait.ge [sflag:s24], $0x4000  }
0x261: {  	[sflag:s24] =	ssyncset.done $0x0  }
0x262: {  	s9 =	simm.s32 $0x13F00;
	[sflag:s24] =	ssyncadd.s32 $0xFFFFC000  }
0x263: {  	[tilespmem:s29], [sflag:$0x1] =	stream.indirect.gather [hbm4b:s5+s28], $0x80, s9, s28, $0xb8;
	[tilespmem:$0x1D400] =	vst v63  }
0x264: {  	_ =	swait.ge [sflag:s12], $0x4000  }
0x265: {  	[sflag:s12] =	ssyncset.done $0x0  }
0x266: {  	s2 =	simm.s32 $0x14A80;
	[sflag:s12] =	ssyncadd.s32 $0xFFFFC000  }
0x267: {  	[spmem:s3] =	stream.indirect.scatter.add.f32 [tilespmem:s31], [sflag:$0x3], $0x80, s2, s28, $0xb8;
	[tilespmem:$0x1D400] =	vst v63  }
0x268: {  	_ =	swait.ge [sflag:s24], $0x4000  }
0x269: {  	[sflag:s24] =	ssyncset.done $0x0  }
0x26a: {  	s8 =	simm.s32 $0x13F80;
	[sflag:s24] =	ssyncadd.s32 $0xFFFFC000  }
0x26b: {  	[tilespmem:s31], [sflag:$0x2] =	stream.indirect.gather [hbm4b:s5+s28], $0x80, s8, s28, $0xb8;
	[tilespmem:$0x1D400] =	vst v63  }
0x26c: {  	_ =	swait.ge [sflag:s0], $0x4000  }
0x26d: {  	[sflag:s0] =	ssyncset.done $0x0  }
0x26e: {  	s15 =	simm.s32 $0x14B00;
	[sflag:s0] =	ssyncadd.s32 $0xFFFFC000  }
0x26f: {  	[spmem:s3] =	stream.indirect.scatter.add.f32 [tilespmem:s29], [sflag:$0x3], $0x80, s15, s28, $0xb8;
	[tilespmem:$0x1D400] =	vst v63  }
0x270: {  	_ =	swait.ge [sflag:s24], $0x4000  }
0x271: {  	[sflag:s24] =	ssyncset.done $0x0  }
0x272: {  	s1 =	simm.s32 $0x14000;
	[sflag:s24] =	ssyncadd.s32 $0xFFFFC000  }
0x273: {  	[tilespmem:s29], [sflag:$0x1] =	stream.indirect.gather [hbm4b:s5+s28], $0x80, s1, s28, $0xb8;
	[tilespmem:$0x1D400] =	vst v63  }
0x274: {  	_ =	swait.ge [sflag:s12], $0x4000  }
0x275: {  	[sflag:s12] =	ssyncset.done $0x0  }
0x276: {  	s10 =	simm.s32 $0x14B80;
	[sflag:s12] =	ssyncadd.s32 $0xFFFFC000  }
0x277: {  	[spmem:s3] =	stream.indirect.scatter.add.f32 [tilespmem:s31], [sflag:$0x3], $0x80, s10, s28, $0xb8;
	[tilespmem:$0x1D400] =	vst v63  }
0x278: {  	_ =	swait.ge [sflag:s24], $0x4000  }
0x279: {  	[sflag:s24] =	ssyncset.done $0x0  }
0x27a: {  	s10 =	simm.s32 $0x14080;
	[sflag:s24] =	ssyncadd.s32 $0xFFFFC000  }
0x27b: {  	[tilespmem:s31], [sflag:$0x2] =	stream.indirect.gather [hbm4b:s5+s28], $0x80, s10, s28, $0xb8;
	[tilespmem:$0x1D400] =	vst v63  }
0x27c: {  	_ =	swait.ge [sflag:s0], $0x4000  }
0x27d: {  	[sflag:s0] =	ssyncset.done $0x0  }
0x27e: {  	s16 =	simm.s32 $0x14C00;
	[sflag:s0] =	ssyncadd.s32 $0xFFFFC000  }
0x27f: {  	[spmem:s3] =	stream.indirect.scatter.add.f32 [tilespmem:s29], [sflag:$0x3], $0x80, s16, s28, $0xb8;
	[tilespmem:$0x1D400] =	vst v63  }
0x280: {  	_ =	swait.ge [sflag:s24], $0x4000  }
0x281: {  	[sflag:s24] =	ssyncset.done $0x0  }
0x282: {  	s17 =	simm.s32 $0x14100;
	[sflag:s24] =	ssyncadd.s32 $0xFFFFC000  }
0x283: {  	[tilespmem:s29], [sflag:$0x1] =	stream.indirect.gather [hbm4b:s5+s28], $0x80, s17, s28, $0xb8;
	[tilespmem:$0x1D400] =	vst v63  }
0x284: {  	_ =	swait.ge [sflag:s12], $0x4000  }
0x285: {  	[sflag:s12] =	ssyncset.done $0x0  }
0x286: {  	s14 =	simm.s32 $0x14C80;
	[sflag:s12] =	ssyncadd.s32 $0xFFFFC000  }
0x287: {  	[spmem:s3] =	stream.indirect.scatter.add.f32 [tilespmem:s31], [sflag:$0x3], $0x80, s14, s28, $0xb8;
	[tilespmem:$0x1D400] =	vst v63  }
0x288: {  	_ =	swait.ge [sflag:s24], $0x4000  }
0x289: {  	[sflag:s24] =	ssyncset.done $0x0  }
0x28a: {  	s14 =	simm.s32 $0x14180;
	[sflag:s24] =	ssyncadd.s32 $0xFFFFC000  }
0x28b: {  	[tilespmem:s31], [sflag:$0x2] =	stream.indirect.gather [hbm4b:s5+s28], $0x80, s14, s28, $0xb8;
	[tilespmem:$0x1D400] =	vst v63  }
0x28c: {  	_ =	swait.ge [sflag:s0], $0x4000  }
0x28d: {  	[sflag:s0] =	ssyncset.done $0x0  }
0x28e: {  	s14 =	simm.s32 $0x14D00;
	[sflag:s0] =	ssyncadd.s32 $0xFFFFC000  }
0x28f: {  	[spmem:s3] =	stream.indirect.scatter.add.f32 [tilespmem:s29], [sflag:$0x3], $0x80, s14, s28, $0xb8;
	[tilespmem:$0x1D400] =	vst v63  }
0x290: {  	_ =	swait.ge [sflag:s24], $0x4000  }
0x291: {  	[sflag:s24] =	ssyncset.done $0x0  }
0x292: {  	s14 =	simm.s32 $0x14200;
	[sflag:s24] =	ssyncadd.s32 $0xFFFFC000  }
0x293: {  	[tilespmem:s29], [sflag:$0x1] =	stream.indirect.gather [hbm4b:s5+s28], $0x80, s14, s28, $0xb8;
	[tilespmem:$0x1D400] =	vst v63  }
0x294: {  	_ =	swait.ge [sflag:s12], $0x4000  }
0x295: {  	[sflag:s12] =	ssyncset.done $0x0  }
0x296: {  	s14 =	simm.s32 $0x14D80;
	[sflag:s12] =	ssyncadd.s32 $0xFFFFC000  }
0x297: {  	[spmem:s3] =	stream.indirect.scatter.add.f32 [tilespmem:s31], [sflag:$0x3], $0x80, s14, s28, $0xb8;
	[tilespmem:$0x1D400] =	vst v63  }
0x298: {  	_ =	swait.ge [sflag:s24], $0x4000  }
0x299: {  	[sflag:s24] =	ssyncset.done $0x0  }
0x29a: {  	s14 =	simm.s32 $0x14280;
	[sflag:s24] =	ssyncadd.s32 $0xFFFFC000  }
0x29b: {  	[tilespmem:s31], [sflag:$0x2] =	stream.indirect.gather [hbm4b:s5+s28], $0x80, s14, s28, $0xb8;
	[tilespmem:$0x1D400] =	vst v63  }
0x29c: {  	_ =	swait.ge [sflag:s0], $0x4000  }
0x29d: {  	[sflag:s0] =	ssyncset.done $0x0  }
0x29e: {  	s14 =	simm.s32 $0x14E00;
	[sflag:s0] =	ssyncadd.s32 $0xFFFFC000  }
0x29f: {  	[spmem:s3] =	stream.indirect.scatter.add.f32 [tilespmem:s29], [sflag:$0x3], $0x80, s14, s28, $0xb8;
	[tilespmem:$0x1D400] =	vst v63  }
0x2a0: {  	_ =	swait.ge [sflag:s24], $0x4000  }
0x2a1: {  	[sflag:s24] =	ssyncset.done $0x0  }
0x2a2: {  	s14 =	simm.s32 $0x14300;
	[sflag:s24] =	ssyncadd.s32 $0xFFFFC000  }
0x2a3: {  	[tilespmem:s29], [sflag:$0x1] =	stream.indirect.gather [hbm4b:s5+s28], $0x80, s14, s28, $0xb8;
	[tilespmem:$0x1D400] =	vst v63  }
0x2a4: {  	_ =	swait.ge [sflag:s12], $0x4000  }
0x2a5: {  	[sflag:s12] =	ssyncset.done $0x0  }
0x2a6: {  	s14 =	simm.s32 $0x14E80;
	[sflag:s12] =	ssyncadd.s32 $0xFFFFC000  }
0x2a7: {  	[spmem:s3] =	stream.indirect.scatter.add.f32 [tilespmem:s31], [sflag:$0x3], $0x80, s14, s28, $0xb8;
	[tilespmem:$0x1D400] =	vst v63  }
0x2a8: {  	_ =	swait.ge [sflag:s24], $0x4000  }
0x2a9: {  	[sflag:s24] =	ssyncset.done $0x0  }
0x2aa: {  	s14 =	simm.s32 $0x14380;
	[sflag:s24] =	ssyncadd.s32 $0xFFFFC000  }
0x2ab: {  	[tilespmem:s31], [sflag:$0x2] =	stream.indirect.gather [hbm4b:s5+s28], $0x80, s14, s28, $0xb8;
	[tilespmem:$0x1D400] =	vst v63  }
0x2ac: {  	_ =	swait.ge [sflag:s0], $0x4000  }
0x2ad: {  	[sflag:s0] =	ssyncset.done $0x0  }
0x2ae: {  	s14 =	simm.s32 $0x14F00;
	[sflag:s0] =	ssyncadd.s32 $0xFFFFC000  }
0x2af: {  	[spmem:s3] =	stream.indirect.scatter.add.f32 [tilespmem:s29], [sflag:$0x3], $0x80, s14, s28, $0xb8;
	[tilespmem:$0x1D400] =	vst v63  }
0x2b0: {  	_ =	swait.ge [sflag:s24], $0x4000  }
0x2b1: {  	[sflag:s24] =	ssyncset.done $0x0  }
0x2b2: {  	s14 =	simm.s32 $0x14400;
	[sflag:s24] =	ssyncadd.s32 $0xFFFFC000  }
0x2b3: {  	[tilespmem:s29], [sflag:$0x1] =	stream.indirect.gather [hbm4b:s5+s28], $0x80, s14, s28, $0xb8;
	[tilespmem:$0x1D400] =	vst v63  }
0x2b4: {  	_ =	swait.ge [sflag:s12], $0x4000  }
0x2b5: {  	[sflag:s12] =	ssyncset.done $0x0  }
0x2b6: {  	s14 =	simm.s32 $0x14F80;
	[sflag:s12] =	ssyncadd.s32 $0xFFFFC000  }
0x2b7: {  	[spmem:s3] =	stream.indirect.scatter.add.f32 [tilespmem:s31], [sflag:$0x3], $0x80, s14, s28, $0xb8;
	[tilespmem:$0x1D400] =	vst v63  }
0x2b8: {  	_ =	swait.ge [sflag:s24], $0x4000  }
0x2b9: {  	[sflag:s24] =	ssyncset.done $0x0  }
0x2ba: {  	s18 =	simm.s32 $0x14480;
	[sflag:s24] =	ssyncadd.s32 $0xFFFFC000  }
0x2bb: {  	[tilespmem:s31], [sflag:$0x2] =	stream.indirect.gather [hbm4b:s5+s28], $0x80, s18, s28, $0xb8;
	[tilespmem:$0x1D400] =	vst v63  }
0x2bc: {  	_ =	swait.ge [sflag:s0], $0x4000  }
0x2bd: {  	[sflag:s0] =	ssyncset.done $0x0  }
0x2be: {  	s19 =	simm.s32 $0x15000;
	[sflag:s0] =	ssyncadd.s32 $0xFFFFC000  }
0x2bf: {  	[spmem:s3] =	stream.indirect.scatter.add.f32 [tilespmem:s29], [sflag:$0x3], $0x80, s19, s28, $0xb8;
	[tilespmem:$0x1D400] =	vst v63  }
0x2c0: {  	_ =	swait.ge [sflag:s24], $0x4000  }
0x2c1: {  	[sflag:s24] =	ssyncset.done $0x0  }
0x2c2: {  	s20 =	simm.s32 $0x14500;
	[sflag:s24] =	ssyncadd.s32 $0xFFFFC000  }
0x2c3: {  	[tilespmem:s29], [sflag:$0x1] =	stream.indirect.gather [hbm4b:s5+s28], $0x80, s20, s28, $0xb8;
	[tilespmem:$0x1D400] =	vst v63  }
0x2c4: {  	_ =	swait.ge [sflag:s12], $0x4000  }
0x2c5: {  	[sflag:s12] =	ssyncset.done $0x0  }
0x2c6: {  	s21 =	simm.s32 $0x15080;
	[sflag:s12] =	ssyncadd.s32 $0xFFFFC000  }
0x2c7: {  	[spmem:s3] =	stream.indirect.scatter.add.f32 [tilespmem:s31], [sflag:$0x3], $0x80, s21, s28, $0xb8;
	[tilespmem:$0x1D400] =	vst v63  }
0x2c8: {  	_ =	swait.ge [sflag:s24], $0x4000  }
0x2c9: {  	[sflag:s24] =	ssyncset.done $0x0  }
0x2ca: {  	s23 =	simm.s32 $0x14580;
	[sflag:s24] =	ssyncadd.s32 $0xFFFFC000  }
0x2cb: {  	[tilespmem:s31], [sflag:$0x2] =	stream.indirect.gather [hbm4b:s5+s28], $0x80, s23, s28, $0xb8;
	[tilespmem:$0x1D400] =	vst v63  }
0x2cc: {  	_ =	swait.ge [sflag:s0], $0x4000  }
0x2cd: {  	[sflag:s0] =	ssyncset.done $0x0  }
0x2ce: {  	s26 =	simm.s32 $0x15100;
	[sflag:s0] =	ssyncadd.s32 $0xFFFFC000  }
0x2cf: {  	[spmem:s3] =	stream.indirect.scatter.add.f32 [tilespmem:s29], [sflag:$0x3], $0x80, s26, s28, $0xb8;
	[tilespmem:$0x1D400] =	vst v63  }
0x2d0: {  	_ =	swait.ge [sflag:s24], $0x4000  }
0x2d1: {  	[sflag:s24] =	ssyncset.done $0x0  }
0x2d2: {  	[sflag:s24] =	ssyncadd.s32 $0xFFFFC000  }
0x2d3: {  	_ =	swait.ge [sflag:s12], $0x4000  }
0x2d4: {  	[sflag:s12] =	ssyncset.done $0x0  }
0x2d5: {  	s30 =	simm.s32 $0x15180;
	[sflag:s12] =	ssyncadd.s32 $0xFFFFC000  }
0x2d6: {  	[spmem:s3] =	stream.indirect.scatter.add.f32 [tilespmem:s31], [sflag:$0x3], $0x80, s30, s28, $0xb8;
	[tilespmem:$0x1D400] =	vst v63  }
0x2d7: {  	_ =	swait.ge [sflag:s24], $0x4000  }
0x2d8: {  	[sflag:s24] =	ssyncset.done $0x0  }
0x2d9: {  	s23 =	rddreg [dreg:$0xc];
	[sflag:s24] =	ssyncadd.s32 $0xFFFFC000  }
0x2da: {  	[tilespmem:s22], [sflag:$0x3] =	stream.linear.gather [hbm4b:s23+s4], $0xA00, $0x38;
	[tilespmem:$0x1D400] =	vst v63  }
0x2db: {  	_ =	swait.ge [sflag:s24], $0xA00  }
0x2dc: {  	[sflag:s24] =	ssyncset.done $0x0  }
0x2dd: {  	s26 =	rddreg [dreg:$0xd];
	[sflag:s24] =	ssyncadd.s32 $0xFFFFF600  }
0x2de: {  	[tilespmem:s25], [sflag:$0x3] =	stream.linear.gather [hbm4b:s26+s4], $0xA00, $0x38;
	[tilespmem:$0x1D400] =	vst v63  }
0x2df: {  	_ =	swait.ge [sflag:s24], $0xA00  }
0x2e0: {  	[sflag:s24] =	ssyncset.done $0x0  }
0x2e1: {  	[sflag:s24] =	ssyncadd.s32 $0xFFFFF600  }
0x2e2: {  	[tilespmem:s29], [sflag:$0x1] =	stream.indirect.gather [hbm4b:s5+s28], $0x80, s22, s28, $0xb8;
	[tilespmem:$0x1D400] =	vst v63  }
0x2e3: {  	s30 =	simm.s32 $0x13C80  }
0x2e4: {  	[tilespmem:s31], [sflag:$0x2] =	stream.indirect.gather [hbm4b:s5+s28], $0x80, s30, s28, $0xb8;
	[tilespmem:$0x1D400] =	vst v63  }
0x2e5: {  	_ =	swait.ge [sflag:s0], $0x4000  }
0x2e6: {  	[sflag:s0] =	ssyncset.done $0x0  }
0x2e7: {  	[sflag:s0] =	ssyncadd.s32 $0xFFFFC000  }
0x2e8: {  	[spmem:s3] =	stream.indirect.scatter.add.f32 [tilespmem:s29], [sflag:$0x3], $0x80, s25, s28, $0xb8;
	[tilespmem:$0x1D400] =	vst v63  }
0x2e9: {  	_ =	swait.ge [sflag:s24], $0x4000  }
0x2ea: {  	[sflag:s24] =	ssyncset.done $0x0  }
0x2eb: {  	s18 =	simm.s32 $0x13D00;
	[sflag:s24] =	ssyncadd.s32 $0xFFFFC000  }
0x2ec: {  	[tilespmem:s29], [sflag:$0x1] =	stream.indirect.gather [hbm4b:s5+s28], $0x80, s18, s28, $0xb8;
	[tilespmem:$0x1D400] =	vst v63  }
0x2ed: {  	_ =	swait.ge [sflag:s12], $0x4000  }
0x2ee: {  	[sflag:s12] =	ssyncset.done $0x0  }
0x2ef: {  	s19 =	simm.s32 $0x14880;
	[sflag:s12] =	ssyncadd.s32 $0xFFFFC000  }
0x2f0: {  	[spmem:s3] =	stream.indirect.scatter.add.f32 [tilespmem:s31], [sflag:$0x3], $0x80, s19, s28, $0xb8;
	[tilespmem:$0x1D400] =	vst v63  }
0x2f1: {  	_ =	swait.ge [sflag:s24], $0x4000  }
0x2f2: {  	[sflag:s24] =	ssyncset.done $0x0  }
0x2f3: {  	[sflag:s24] =	ssyncadd.s32 $0xFFFFC000  }
0x2f4: {  	[tilespmem:s31], [sflag:$0x2] =	stream.indirect.gather [hbm4b:s5+s28], $0x80, s11, s28, $0xb8;
	[tilespmem:$0x1D400] =	vst v63  }
0x2f5: {  	_ =	swait.ge [sflag:s0], $0x4000  }
0x2f6: {  	[sflag:s0] =	ssyncset.done $0x0  }
0x2f7: {  	[sflag:s0] =	ssyncadd.s32 $0xFFFFC000  }
0x2f8: {  	[spmem:s3] =	stream.indirect.scatter.add.f32 [tilespmem:s29], [sflag:$0x3], $0x80, s13, s28, $0xb8;
	[tilespmem:$0x1D400] =	vst v63  }
0x2f9: {  	_ =	swait.ge [sflag:s24], $0x4000  }
0x2fa: {  	[sflag:s24] =	ssyncset.done $0x0  }
0x2fb: {  	[sflag:s24] =	ssyncadd.s32 $0xFFFFC000  }
0x2fc: {  	[tilespmem:s29], [sflag:$0x1] =	stream.indirect.gather [hbm4b:s5+s28], $0x80, s6, s28, $0xb8;
	[tilespmem:$0x1D400] =	vst v63  }
0x2fd: {  	_ =	swait.ge [sflag:s12], $0x4000  }
0x2fe: {  	[sflag:s12] =	ssyncset.done $0x0  }
0x2ff: {  	s20 =	simm.s32 $0x14980;
	[sflag:s12] =	ssyncadd.s32 $0xFFFFC000  }
0x300: {  	[spmem:s3] =	stream.indirect.scatter.add.f32 [tilespmem:s31], [sflag:$0x3], $0x80, s20, s28, $0xb8;
	[tilespmem:$0x1D400] =	vst v63  }
0x301: {  	_ =	swait.ge [sflag:s24], $0x4000  }
0x302: {  	[sflag:s24] =	ssyncset.done $0x0  }
0x303: {  	[sflag:s24] =	ssyncadd.s32 $0xFFFFC000  }
0x304: {  	[tilespmem:s31], [sflag:$0x2] =	stream.indirect.gather [hbm4b:s5+s28], $0x80, s7, s28, $0xb8;
	[tilespmem:$0x1D400] =	vst v63  }
0x305: {  	_ =	swait.ge [sflag:s0], $0x4000  }
0x306: {  	[sflag:s0] =	ssyncset.done $0x0  }
0x307: {  	s21 =	simm.s32 $0x14A00;
	[sflag:s0] =	ssyncadd.s32 $0xFFFFC000  }
0x308: {  	[spmem:s3] =	stream.indirect.scatter.add.f32 [tilespmem:s29], [sflag:$0x3], $0x80, s21, s28, $0xb8;
	[tilespmem:$0x1D400] =	vst v63  }
0x309: {  	_ =	swait.ge [sflag:s24], $0x4000  }
0x30a: {  	[sflag:s24] =	ssyncset.done $0x0  }
0x30b: {  	[sflag:s24] =	ssyncadd.s32 $0xFFFFC000  }
0x30c: {  	[tilespmem:s29], [sflag:$0x1] =	stream.indirect.gather [hbm4b:s5+s28], $0x80, s9, s28, $0xb8;
	[tilespmem:$0x1D400] =	vst v63  }
0x30d: {  	_ =	swait.ge [sflag:s12], $0x4000  }
0x30e: {  	[sflag:s12] =	ssyncset.done $0x0  }
0x30f: {  	[sflag:s12] =	ssyncadd.s32 $0xFFFFC000  }
0x310: {  	[spmem:s3] =	stream.indirect.scatter.add.f32 [tilespmem:s31], [sflag:$0x3], $0x80, s2, s28, $0xb8;
	[tilespmem:$0x1D400] =	vst v63  }
0x311: {  	_ =	swait.ge [sflag:s24], $0x4000  }
0x312: {  	[sflag:s24] =	ssyncset.done $0x0  }
0x313: {  	[sflag:s24] =	ssyncadd.s32 $0xFFFFC000  }
0x314: {  	[tilespmem:s31], [sflag:$0x2] =	stream.indirect.gather [hbm4b:s5+s28], $0x80, s8, s28, $0xb8;
	[tilespmem:$0x1D400] =	vst v63  }
0x315: {  	_ =	swait.ge [sflag:s0], $0x4000  }
0x316: {  	[sflag:s0] =	ssyncset.done $0x0  }
0x317: {  	[sflag:s0] =	ssyncadd.s32 $0xFFFFC000  }
0x318: {  	[spmem:s3] =	stream.indirect.scatter.add.f32 [tilespmem:s29], [sflag:$0x3], $0x80, s15, s28, $0xb8;
	[tilespmem:$0x1D400] =	vst v63  }
0x319: {  	_ =	swait.ge [sflag:s24], $0x4000  }
0x31a: {  	[sflag:s24] =	ssyncset.done $0x0  }
0x31b: {  	[sflag:s24] =	ssyncadd.s32 $0xFFFFC000  }
0x31c: {  	[tilespmem:s29], [sflag:$0x1] =	stream.indirect.gather [hbm4b:s5+s28], $0x80, s1, s28, $0xb8;
	[tilespmem:$0x1D400] =	vst v63  }
0x31d: {  	_ =	swait.ge [sflag:s12], $0x4000  }
0x31e: {  	[sflag:s12] =	ssyncset.done $0x0  }
0x31f: {  	s23 =	simm.s32 $0x14B80;
	[sflag:s12] =	ssyncadd.s32 $0xFFFFC000  }
0x320: {  	[spmem:s3] =	stream.indirect.scatter.add.f32 [tilespmem:s31], [sflag:$0x3], $0x80, s23, s28, $0xb8;
	[tilespmem:$0x1D400] =	vst v63  }
0x321: {  	_ =	swait.ge [sflag:s24], $0x4000  }
0x322: {  	[sflag:s24] =	ssyncset.done $0x0  }
0x323: {  	[sflag:s24] =	ssyncadd.s32 $0xFFFFC000  }
0x324: {  	[tilespmem:s31], [sflag:$0x2] =	stream.indirect.gather [hbm4b:s5+s28], $0x80, s10, s28, $0xb8;
	[tilespmem:$0x1D400] =	vst v63  }
0x325: {  	_ =	swait.ge [sflag:s0], $0x4000  }
0x326: {  	[sflag:s0] =	ssyncset.done $0x0  }
0x327: {  	[sflag:s0] =	ssyncadd.s32 $0xFFFFC000  }
0x328: {  	[spmem:s3] =	stream.indirect.scatter.add.f32 [tilespmem:s29], [sflag:$0x3], $0x80, s16, s28, $0xb8;
	[tilespmem:$0x1D400] =	vst v63  }
0x329: {  	_ =	swait.ge [sflag:s24], $0x4000  }
0x32a: {  	[sflag:s24] =	ssyncset.done $0x0  }
0x32b: {  	[sflag:s24] =	ssyncadd.s32 $0xFFFFC000  }
0x32c: {  	[tilespmem:s29], [sflag:$0x1] =	stream.indirect.gather [hbm4b:s5+s28], $0x80, s17, s28, $0xb8;
	[tilespmem:$0x1D400] =	vst v63  }
0x32d: {  	_ =	swait.ge [sflag:s12], $0x4000  }
0x32e: {  	[sflag:s12] =	ssyncset.done $0x0  }
0x32f: {  	s26 =	simm.s32 $0x14C80;
	[sflag:s12] =	ssyncadd.s32 $0xFFFFC000  }
0x330: {  	[spmem:s3] =	stream.indirect.scatter.add.f32 [tilespmem:s31], [sflag:$0x3], $0x80, s26, s28, $0xb8;
	[tilespmem:$0x1D400] =	vst v63  }
0x331: {  	_ =	swait.ge [sflag:s24], $0x4000  }
0x332: {  	[sflag:s24] =	ssyncset.done $0x0  }
0x333: {  	s30 =	simm.s32 $0x14180;
	[sflag:s24] =	ssyncadd.s32 $0xFFFFC000  }
0x334: {  	[tilespmem:s31], [sflag:$0x2] =	stream.indirect.gather [hbm4b:s5+s28], $0x80, s30, s28, $0xb8;
	[tilespmem:$0x1D400] =	vst v63  }
0x335: {  	_ =	swait.ge [sflag:s0], $0x4000  }
0x336: {  	[sflag:s0] =	ssyncset.done $0x0  }
0x337: {  	s18 =	simm.s32 $0x14D00;
	[sflag:s0] =	ssyncadd.s32 $0xFFFFC000  }
0x338: {  	[spmem:s3] =	stream.indirect.scatter.add.f32 [tilespmem:s29], [sflag:$0x3], $0x80, s18, s28, $0xb8;
	[tilespmem:$0x1D400] =	vst v63  }
0x339: {  	_ =	swait.ge [sflag:s24], $0x4000  }
0x33a: {  	[sflag:s24] =	ssyncset.done $0x0  }
0x33b: {  	s19 =	simm.s32 $0x14200;
	[sflag:s24] =	ssyncadd.s32 $0xFFFFC000  }
0x33c: {  	[tilespmem:s29], [sflag:$0x1] =	stream.indirect.gather [hbm4b:s5+s28], $0x80, s19, s28, $0xb8;
	[tilespmem:$0x1D400] =	vst v63  }
0x33d: {  	_ =	swait.ge [sflag:s12], $0x4000  }
0x33e: {  	[sflag:s12] =	ssyncset.done $0x0  }
0x33f: {  	s20 =	simm.s32 $0x14D80;
	[sflag:s12] =	ssyncadd.s32 $0xFFFFC000  }
0x340: {  	[spmem:s3] =	stream.indirect.scatter.add.f32 [tilespmem:s31], [sflag:$0x3], $0x80, s20, s28, $0xb8;
	[tilespmem:$0x1D400] =	vst v63  }
0x341: {  	_ =	swait.ge [sflag:s24], $0x4000  }
0x342: {  	[sflag:s24] =	ssyncset.done $0x0  }
0x343: {  	s21 =	simm.s32 $0x14280;
	[sflag:s24] =	ssyncadd.s32 $0xFFFFC000  }
0x344: {  	[tilespmem:s31], [sflag:$0x2] =	stream.indirect.gather [hbm4b:s5+s28], $0x80, s21, s28, $0xb8;
	[tilespmem:$0x1D400] =	vst v63  }
0x345: {  	_ =	swait.ge [sflag:s0], $0x4000  }
0x346: {  	[sflag:s0] =	ssyncset.done $0x0  }
0x347: {  	s23 =	simm.s32 $0x14E00;
	[sflag:s0] =	ssyncadd.s32 $0xFFFFC000  }
0x348: {  	[spmem:s3] =	stream.indirect.scatter.add.f32 [tilespmem:s29], [sflag:$0x3], $0x80, s23, s28, $0xb8;
	[tilespmem:$0x1D400] =	vst v63  }
0x349: {  	_ =	swait.ge [sflag:s24], $0x4000  }
0x34a: {  	[sflag:s24] =	ssyncset.done $0x0  }
0x34b: {  	s26 =	simm.s32 $0x14300;
	[sflag:s24] =	ssyncadd.s32 $0xFFFFC000  }
0x34c: {  	[tilespmem:s29], [sflag:$0x1] =	stream.indirect.gather [hbm4b:s5+s28], $0x80, s26, s28, $0xb8;
	[tilespmem:$0x1D400] =	vst v63  }
0x34d: {  	_ =	swait.ge [sflag:s12], $0x4000  }
0x34e: {  	[sflag:s12] =	ssyncset.done $0x0  }
0x34f: {  	s14 =	simm.s32 $0x14E80;
	[sflag:s12] =	ssyncadd.s32 $0xFFFFC000  }
0x350: {  	[spmem:s3] =	stream.indirect.scatter.add.f32 [tilespmem:s31], [sflag:$0x3], $0x80, s14, s28, $0xb8;
	[tilespmem:$0x1D400] =	vst v63  }
0x351: {  	_ =	swait.ge [sflag:s24], $0x4000  }
0x352: {  	[sflag:s24] =	ssyncset.done $0x0  }
0x353: {  	s14 =	simm.s32 $0x14380;
	[sflag:s24] =	ssyncadd.s32 $0xFFFFC000  }
0x354: {  	[tilespmem:s31], [sflag:$0x2] =	stream.indirect.gather [hbm4b:s5+s28], $0x80, s14, s28, $0xb8;
	[tilespmem:$0x1D400] =	vst v63  }
0x355: {  	_ =	swait.ge [sflag:s0], $0x4000  }
0x356: {  	[sflag:s0] =	ssyncset.done $0x0  }
0x357: {  	s14 =	simm.s32 $0x14F00;
	[sflag:s0] =	ssyncadd.s32 $0xFFFFC000  }
0x358: {  	[spmem:s3] =	stream.indirect.scatter.add.f32 [tilespmem:s29], [sflag:$0x3], $0x80, s14, s28, $0xb8;
	[tilespmem:$0x1D400] =	vst v63  }
0x359: {  	_ =	swait.ge [sflag:s24], $0x4000  }
0x35a: {  	[sflag:s24] =	ssyncset.done $0x0  }
0x35b: {  	s14 =	simm.s32 $0x14400;
	[sflag:s24] =	ssyncadd.s32 $0xFFFFC000  }
0x35c: {  	[tilespmem:s29], [sflag:$0x1] =	stream.indirect.gather [hbm4b:s5+s28], $0x80, s14, s28, $0xb8;
	[tilespmem:$0x1D400] =	vst v63  }
0x35d: {  	_ =	swait.ge [sflag:s12], $0x4000  }
0x35e: {  	[sflag:s12] =	ssyncset.done $0x0  }
0x35f: {  	s14 =	simm.s32 $0x14F80;
	[sflag:s12] =	ssyncadd.s32 $0xFFFFC000  }
0x360: {  	[spmem:s3] =	stream.indirect.scatter.add.f32 [tilespmem:s31], [sflag:$0x3], $0x80, s14, s28, $0xb8;
	[tilespmem:$0x1D400] =	vst v63  }
0x361: {  	_ =	swait.ge [sflag:s24], $0x4000  }
0x362: {  	[sflag:s24] =	ssyncset.done $0x0  }
0x363: {  	s14 =	simm.s32 $0x14480;
	[sflag:s24] =	ssyncadd.s32 $0xFFFFC000  }
0x364: {  	[tilespmem:s31], [sflag:$0x2] =	stream.indirect.gather [hbm4b:s5+s28], $0x80, s14, s28, $0xb8;
	[tilespmem:$0x1D400] =	vst v63  }
0x365: {  	_ =	swait.ge [sflag:s0], $0x4000  }
0x366: {  	[sflag:s0] =	ssyncset.done $0x0  }
0x367: {  	s14 =	simm.s32 $0x15000;
	[sflag:s0] =	ssyncadd.s32 $0xFFFFC000  }
0x368: {  	[spmem:s3] =	stream.indirect.scatter.add.f32 [tilespmem:s29], [sflag:$0x3], $0x80, s14, s28, $0xb8;
	[tilespmem:$0x1D400] =	vst v63  }
0x369: {  	_ =	swait.ge [sflag:s24], $0x4000  }
0x36a: {  	[sflag:s24] =	ssyncset.done $0x0  }
0x36b: {  	s14 =	simm.s32 $0x14500;
	[sflag:s24] =	ssyncadd.s32 $0xFFFFC000  }
0x36c: {  	[tilespmem:s29], [sflag:$0x1] =	stream.indirect.gather [hbm4b:s5+s28], $0x80, s14, s28, $0xb8;
	[tilespmem:$0x1D400] =	vst v63  }
0x36d: {  	_ =	swait.ge [sflag:s12], $0x4000  }
0x36e: {  	[sflag:s12] =	ssyncset.done $0x0  }
0x36f: {  	s14 =	simm.s32 $0x15080;
	[sflag:s12] =	ssyncadd.s32 $0xFFFFC000  }
0x370: {  	[spmem:s3] =	stream.indirect.scatter.add.f32 [tilespmem:s31], [sflag:$0x3], $0x80, s14, s28, $0xb8;
	[tilespmem:$0x1D400] =	vst v63  }
0x371: {  	_ =	swait.ge [sflag:s24], $0x4000  }
0x372: {  	[sflag:s24] =	ssyncset.done $0x0  }
0x373: {  	s14 =	simm.s32 $0x14580;
	[sflag:s24] =	ssyncadd.s32 $0xFFFFC000  }
0x374: {  	[tilespmem:s31], [sflag:$0x2] =	stream.indirect.gather [hbm4b:s5+s28], $0x80, s14, s28, $0xb8;
	[tilespmem:$0x1D400] =	vst v63  }
0x375: {  	_ =	swait.ge [sflag:s0], $0x4000  }
0x376: {  	[sflag:s0] =	ssyncset.done $0x0  }
0x377: {  	s14 =	simm.s32 $0x15100;
	[sflag:s0] =	ssyncadd.s32 $0xFFFFC000  }
0x378: {  	[spmem:s3] =	stream.indirect.scatter.add.f32 [tilespmem:s29], [sflag:$0x3], $0x80, s14, s28, $0xb8;
	[tilespmem:$0x1D400] =	vst v63  }
0x379: {  	_ =	swait.ge [sflag:s24], $0x4000  }
0x37a: {  	[sflag:s24] =	ssyncset.done $0x0  }
0x37b: {  	[sflag:s24] =	ssyncadd.s32 $0xFFFFC000  }
0x37c: {  	_ =	swait.ge [sflag:s12], $0x4000  }
0x37d: {  	[sflag:s12] =	ssyncset.done $0x0  }
0x37e: {  	s14 =	simm.s32 $0x15180;
	[sflag:s12] =	ssyncadd.s32 $0xFFFFC000  }
0x37f: {  	[spmem:s3] =	stream.indirect.scatter.add.f32 [tilespmem:s31], [sflag:$0x3], $0x80, s14, s28, $0xb8;
	[tilespmem:$0x1D400] =	vst v63  }
0x380: {  	_ =	swait.ge [sflag:s24], $0x4000  }
0x381: {  	[sflag:s24] =	ssyncset.done $0x0  }
0x382: {  	s14 =	rddreg [dreg:$0xe];
	[sflag:s24] =	ssyncadd.s32 $0xFFFFC000  }
0x383: {  	[tilespmem:s22], [sflag:$0x3] =	stream.linear.gather [hbm4b:s14+s4], $0xA00, $0x38;
	[tilespmem:$0x1D400] =	vst v63  }
0x384: {  	_ =	swait.ge [sflag:s24], $0xA00  }
0x385: {  	[sflag:s24] =	ssyncset.done $0x0  }
0x386: {  	s14 =	rddreg [dreg:$0xf];
	[sflag:s24] =	ssyncadd.s32 $0xFFFFF600  }
0x387: {  	[tilespmem:s25], [sflag:$0x3] =	stream.linear.gather [hbm4b:s14+s4], $0xA00, $0x38;
	[tilespmem:$0x1D400] =	vst v63  }
0x388: {  	_ =	swait.ge [sflag:s24], $0xA00  }
0x389: {  	[sflag:s24] =	ssyncset.done $0x0  }
0x38a: {  	[sflag:s24] =	ssyncadd.s32 $0xFFFFF600  }
0x38b: {  	[tilespmem:s29], [sflag:$0x1] =	stream.indirect.gather [hbm4b:s5+s28], $0x80, s22, s28, $0xb8;
	[tilespmem:$0x1D400] =	vst v63  }
0x38c: {  	s14 =	simm.s32 $0x13C80  }
0x38d: {  	[tilespmem:s31], [sflag:$0x2] =	stream.indirect.gather [hbm4b:s5+s28], $0x80, s14, s28, $0xb8;
	[tilespmem:$0x1D400] =	vst v63  }
0x38e: {  	_ =	swait.ge [sflag:s0], $0x4000  }
0x38f: {  	[sflag:s0] =	ssyncset.done $0x0  }
0x390: {  	[sflag:s0] =	ssyncadd.s32 $0xFFFFC000  }
0x391: {  	[spmem:s3] =	stream.indirect.scatter.add.f32 [tilespmem:s29], [sflag:$0x3], $0x80, s25, s28, $0xb8;
	[tilespmem:$0x1D400] =	vst v63  }
0x392: {  	_ =	swait.ge [sflag:s24], $0x4000  }
0x393: {  	[sflag:s24] =	ssyncset.done $0x0  }
0x394: {  	s22 =	simm.s32 $0x13D00;
	[sflag:s24] =	ssyncadd.s32 $0xFFFFC000  }
0x395: {  	[tilespmem:s29], [sflag:$0x1] =	stream.indirect.gather [hbm4b:s5+s28], $0x80, s22, s28, $0xb8;
	[tilespmem:$0x1D400] =	vst v63  }
0x396: {  	_ =	swait.ge [sflag:s12], $0x4000  }
0x397: {  	[sflag:s12] =	ssyncset.done $0x0  }
0x398: {  	s25 =	simm.s32 $0x14880;
	[sflag:s12] =	ssyncadd.s32 $0xFFFFC000  }
0x399: {  	[spmem:s3] =	stream.indirect.scatter.add.f32 [tilespmem:s31], [sflag:$0x3], $0x80, s25, s28, $0xb8;
	[tilespmem:$0x1D400] =	vst v63  }
0x39a: {  	_ =	swait.ge [sflag:s24], $0x4000  }
0x39b: {  	[sflag:s24] =	ssyncset.done $0x0  }
0x39c: {  	s11 =	simm.s32 $0x13D80;
	[sflag:s24] =	ssyncadd.s32 $0xFFFFC000  }
0x39d: {  	[tilespmem:s31], [sflag:$0x2] =	stream.indirect.gather [hbm4b:s5+s28], $0x80, s11, s28, $0xb8;
	[tilespmem:$0x1D400] =	vst v63  }
0x39e: {  	_ =	swait.ge [sflag:s0], $0x4000  }
0x39f: {  	[sflag:s0] =	ssyncset.done $0x0  }
0x3a0: {  	s13 =	simm.s32 $0x14900;
	[sflag:s0] =	ssyncadd.s32 $0xFFFFC000  }
0x3a1: {  	[spmem:s3] =	stream.indirect.scatter.add.f32 [tilespmem:s29], [sflag:$0x3], $0x80, s13, s28, $0xb8;
	[tilespmem:$0x1D400] =	vst v63  }
0x3a2: {  	_ =	swait.ge [sflag:s24], $0x4000  }
0x3a3: {  	[sflag:s24] =	ssyncset.done $0x0  }
0x3a4: {  	s6 =	simm.s32 $0x13E00;
	[sflag:s24] =	ssyncadd.s32 $0xFFFFC000  }
0x3a5: {  	[tilespmem:s29], [sflag:$0x1] =	stream.indirect.gather [hbm4b:s5+s28], $0x80, s6, s28, $0xb8;
	[tilespmem:$0x1D400] =	vst v63  }
0x3a6: {  	_ =	swait.ge [sflag:s12], $0x4000  }
0x3a7: {  	[sflag:s12] =	ssyncset.done $0x0  }
0x3a8: {  	s6 =	simm.s32 $0x14980;
	[sflag:s12] =	ssyncadd.s32 $0xFFFFC000  }
0x3a9: {  	[spmem:s3] =	stream.indirect.scatter.add.f32 [tilespmem:s31], [sflag:$0x3], $0x80, s6, s28, $0xb8;
	[tilespmem:$0x1D400] =	vst v63  }
0x3aa: {  	_ =	swait.ge [sflag:s24], $0x4000  }
0x3ab: {  	[sflag:s24] =	ssyncset.done $0x0  }
0x3ac: {  	s7 =	simm.s32 $0x13E80;
	[sflag:s24] =	ssyncadd.s32 $0xFFFFC000  }
0x3ad: {  	[tilespmem:s31], [sflag:$0x2] =	stream.indirect.gather [hbm4b:s5+s28], $0x80, s7, s28, $0xb8;
	[tilespmem:$0x1D400] =	vst v63  }
0x3ae: {  	_ =	swait.ge [sflag:s0], $0x4000  }
0x3af: {  	[sflag:s0] =	ssyncset.done $0x0  }
0x3b0: {  	s11 =	simm.s32 $0x14A00;
	[sflag:s0] =	ssyncadd.s32 $0xFFFFC000  }
0x3b1: {  	[spmem:s3] =	stream.indirect.scatter.add.f32 [tilespmem:s29], [sflag:$0x3], $0x80, s11, s28, $0xb8;
	[tilespmem:$0x1D400] =	vst v63  }
0x3b2: {  	_ =	swait.ge [sflag:s24], $0x4000  }
0x3b3: {  	[sflag:s24] =	ssyncset.done $0x0  }
0x3b4: {  	s9 =	simm.s32 $0x13F00;
	[sflag:s24] =	ssyncadd.s32 $0xFFFFC000  }
0x3b5: {  	[tilespmem:s29], [sflag:$0x1] =	stream.indirect.gather [hbm4b:s5+s28], $0x80, s9, s28, $0xb8;
	[tilespmem:$0x1D400] =	vst v63  }
0x3b6: {  	_ =	swait.ge [sflag:s12], $0x4000  }
0x3b7: {  	[sflag:s12] =	ssyncset.done $0x0  }
0x3b8: {  	s2 =	simm.s32 $0x14A80;
	[sflag:s12] =	ssyncadd.s32 $0xFFFFC000  }
0x3b9: {  	[spmem:s3] =	stream.indirect.scatter.add.f32 [tilespmem:s31], [sflag:$0x3], $0x80, s2, s28, $0xb8;
	[tilespmem:$0x1D400] =	vst v63  }
0x3ba: {  	_ =	swait.ge [sflag:s24], $0x4000  }
0x3bb: {  	[sflag:s24] =	ssyncset.done $0x0  }
0x3bc: {  	s8 =	simm.s32 $0x13F80;
	[sflag:s24] =	ssyncadd.s32 $0xFFFFC000  }
0x3bd: {  	[tilespmem:s31], [sflag:$0x2] =	stream.indirect.gather [hbm4b:s5+s28], $0x80, s8, s28, $0xb8;
	[tilespmem:$0x1D400] =	vst v63  }
0x3be: {  	_ =	swait.ge [sflag:s0], $0x4000  }
0x3bf: {  	[sflag:s0] =	ssyncset.done $0x0  }
0x3c0: {  	s15 =	simm.s32 $0x14B00;
	[sflag:s0] =	ssyncadd.s32 $0xFFFFC000  }
0x3c1: {  	[spmem:s3] =	stream.indirect.scatter.add.f32 [tilespmem:s29], [sflag:$0x3], $0x80, s15, s28, $0xb8;
	[tilespmem:$0x1D400] =	vst v63  }
0x3c2: {  	_ =	swait.ge [sflag:s24], $0x4000  }
0x3c3: {  	[sflag:s24] =	ssyncset.done $0x0  }
0x3c4: {  	s1 =	simm.s32 $0x14000;
	[sflag:s24] =	ssyncadd.s32 $0xFFFFC000  }
0x3c5: {  	[tilespmem:s29], [sflag:$0x1] =	stream.indirect.gather [hbm4b:s5+s28], $0x80, s1, s28, $0xb8;
	[tilespmem:$0x1D400] =	vst v63  }
0x3c6: {  	_ =	swait.ge [sflag:s12], $0x4000  }
0x3c7: {  	[sflag:s12] =	ssyncset.done $0x0  }
0x3c8: {  	s13 =	simm.s32 $0x14B80;
	[sflag:s12] =	ssyncadd.s32 $0xFFFFC000  }
0x3c9: {  	[spmem:s3] =	stream.indirect.scatter.add.f32 [tilespmem:s31], [sflag:$0x3], $0x80, s13, s28, $0xb8;
	[tilespmem:$0x1D400] =	vst v63  }
0x3ca: {  	_ =	swait.ge [sflag:s24], $0x4000  }
0x3cb: {  	[sflag:s24] =	ssyncset.done $0x0  }
0x3cc: {  	s10 =	simm.s32 $0x14080;
	[sflag:s24] =	ssyncadd.s32 $0xFFFFC000  }
0x3cd: {  	[tilespmem:s31], [sflag:$0x2] =	stream.indirect.gather [hbm4b:s5+s28], $0x80, s10, s28, $0xb8;
	[tilespmem:$0x1D400] =	vst v63  }
0x3ce: {  	_ =	swait.ge [sflag:s0], $0x4000  }
0x3cf: {  	[sflag:s0] =	ssyncset.done $0x0  }
0x3d0: {  	s16 =	simm.s32 $0x14C00;
	[sflag:s0] =	ssyncadd.s32 $0xFFFFC000  }
0x3d1: {  	[spmem:s3] =	stream.indirect.scatter.add.f32 [tilespmem:s29], [sflag:$0x3], $0x80, s16, s28, $0xb8;
	[tilespmem:$0x1D400] =	vst v63  }
0x3d2: {  	_ =	swait.ge [sflag:s24], $0x4000  }
0x3d3: {  	[sflag:s24] =	ssyncset.done $0x0  }
0x3d4: {  	s17 =	simm.s32 $0x14100;
	[sflag:s24] =	ssyncadd.s32 $0xFFFFC000  }
0x3d5: {  	[tilespmem:s29], [sflag:$0x1] =	stream.indirect.gather [hbm4b:s5+s28], $0x80, s17, s28, $0xb8;
	[tilespmem:$0x1D400] =	vst v63  }
0x3d6: {  	_ =	swait.ge [sflag:s12], $0x4000  }
0x3d7: {  	[sflag:s12] =	ssyncset.done $0x0  }
0x3d8: {  	s14 =	simm.s32 $0x14C80;
	[sflag:s12] =	ssyncadd.s32 $0xFFFFC000  }
0x3d9: {  	[spmem:s3] =	stream.indirect.scatter.add.f32 [tilespmem:s31], [sflag:$0x3], $0x80, s14, s28, $0xb8;
	[tilespmem:$0x1D400] =	vst v63  }
0x3da: {  	_ =	swait.ge [sflag:s24], $0x4000  }
0x3db: {  	[sflag:s24] =	ssyncset.done $0x0  }
0x3dc: {  	s30 =	simm.s32 $0x14180;
	[sflag:s24] =	ssyncadd.s32 $0xFFFFC000  }
0x3dd: {  	[tilespmem:s31], [sflag:$0x2] =	stream.indirect.gather [hbm4b:s5+s28], $0x80, s30, s28, $0xb8;
	[tilespmem:$0x1D400] =	vst v63  }
0x3de: {  	_ =	swait.ge [sflag:s0], $0x4000  }
0x3df: {  	[sflag:s0] =	ssyncset.done $0x0  }
0x3e0: {  	s18 =	simm.s32 $0x14D00;
	[sflag:s0] =	ssyncadd.s32 $0xFFFFC000  }
0x3e1: {  	[spmem:s3] =	stream.indirect.scatter.add.f32 [tilespmem:s29], [sflag:$0x3], $0x80, s18, s28, $0xb8;
	[tilespmem:$0x1D400] =	vst v63  }
0x3e2: {  	_ =	swait.ge [sflag:s24], $0x4000  }
0x3e3: {  	[sflag:s24] =	ssyncset.done $0x0  }
0x3e4: {  	s19 =	simm.s32 $0x14200;
	[sflag:s24] =	ssyncadd.s32 $0xFFFFC000  }
0x3e5: {  	[tilespmem:s29], [sflag:$0x1] =	stream.indirect.gather [hbm4b:s5+s28], $0x80, s19, s28, $0xb8;
	[tilespmem:$0x1D400] =	vst v63  }
0x3e6: {  	_ =	swait.ge [sflag:s12], $0x4000  }
0x3e7: {  	[sflag:s12] =	ssyncset.done $0x0  }
0x3e8: {  	s20 =	simm.s32 $0x14D80;
	[sflag:s12] =	ssyncadd.s32 $0xFFFFC000  }
0x3e9: {  	[spmem:s3] =	stream.indirect.scatter.add.f32 [tilespmem:s31], [sflag:$0x3], $0x80, s20, s28, $0xb8;
	[tilespmem:$0x1D400] =	vst v63  }
0x3ea: {  	_ =	swait.ge [sflag:s24], $0x4000  }
0x3eb: {  	[sflag:s24] =	ssyncset.done $0x0  }
0x3ec: {  	s21 =	simm.s32 $0x14280;
	[sflag:s24] =	ssyncadd.s32 $0xFFFFC000  }
0x3ed: {  	[tilespmem:s31], [sflag:$0x2] =	stream.indirect.gather [hbm4b:s5+s28], $0x80, s21, s28, $0xb8;
	[tilespmem:$0x1D400] =	vst v63  }
0x3ee: {  	_ =	swait.ge [sflag:s0], $0x4000  }
0x3ef: {  	[sflag:s0] =	ssyncset.done $0x0  }
0x3f0: {  	s23 =	simm.s32 $0x14E00;
	[sflag:s0] =	ssyncadd.s32 $0xFFFFC000  }
0x3f1: {  	[spmem:s3] =	stream.indirect.scatter.add.f32 [tilespmem:s29], [sflag:$0x3], $0x80, s23, s28, $0xb8;
	[tilespmem:$0x1D400] =	vst v63  }
0x3f2: {  	_ =	swait.ge [sflag:s24], $0x4000  }
0x3f3: {  	[sflag:s24] =	ssyncset.done $0x0  }
0x3f4: {  	s26 =	simm.s32 $0x14300;
	[sflag:s24] =	ssyncadd.s32 $0xFFFFC000  }
0x3f5: {  	[tilespmem:s29], [sflag:$0x1] =	stream.indirect.gather [hbm4b:s5+s28], $0x80, s26, s28, $0xb8;
	[tilespmem:$0x1D400] =	vst v63  }
0x3f6: {  	_ =	swait.ge [sflag:s12], $0x4000  }
0x3f7: {  	[sflag:s12] =	ssyncset.done $0x0  }
0x3f8: {  	s15 =	simm.s32 $0x14E80;
	[sflag:s12] =	ssyncadd.s32 $0xFFFFC000  }
0x3f9: {  	[spmem:s3] =	stream.indirect.scatter.add.f32 [tilespmem:s31], [sflag:$0x3], $0x80, s15, s28, $0xb8;
	[tilespmem:$0x1D400] =	vst v63  }
0x3fa: {  	_ =	swait.ge [sflag:s24], $0x4000  }
0x3fb: {  	[sflag:s24] =	ssyncset.done $0x0  }
0x3fc: {  	s16 =	simm.s32 $0x14380;
	[sflag:s24] =	ssyncadd.s32 $0xFFFFC000  }
0x3fd: {  	[tilespmem:s31], [sflag:$0x2] =	stream.indirect.gather [hbm4b:s5+s28], $0x80, s16, s28, $0xb8;
	[tilespmem:$0x1D400] =	vst v63  }
0x3fe: {  	_ =	swait.ge [sflag:s0], $0x4000  }
0x3ff: {  	[sflag:s0] =	ssyncset.done $0x0  }
0x400: {  	s17 =	simm.s32 $0x14F00;
	[sflag:s0] =	ssyncadd.s32 $0xFFFFC000  }
0x401: {  	[spmem:s3] =	stream.indirect.scatter.add.f32 [tilespmem:s29], [sflag:$0x3], $0x80, s17, s28, $0xb8;
	[tilespmem:$0x1D400] =	vst v63  }
0x402: {  	_ =	swait.ge [sflag:s24], $0x4000  }
0x403: {  	[sflag:s24] =	ssyncset.done $0x0  }
0x404: {  	s18 =	simm.s32 $0x14400;
	[sflag:s24] =	ssyncadd.s32 $0xFFFFC000  }
0x405: {  	[tilespmem:s29], [sflag:$0x1] =	stream.indirect.gather [hbm4b:s5+s28], $0x80, s18, s28, $0xb8;
	[tilespmem:$0x1D400] =	vst v63  }
0x406: {  	_ =	swait.ge [sflag:s12], $0x4000  }
0x407: {  	[sflag:s12] =	ssyncset.done $0x0  }
0x408: {  	s19 =	simm.s32 $0x14F80;
	[sflag:s12] =	ssyncadd.s32 $0xFFFFC000  }
0x409: {  	[spmem:s3] =	stream.indirect.scatter.add.f32 [tilespmem:s31], [sflag:$0x3], $0x80, s19, s28, $0xb8;
	[tilespmem:$0x1D400] =	vst v63  }
0x40a: {  	_ =	swait.ge [sflag:s24], $0x4000  }
0x40b: {  	[sflag:s24] =	ssyncset.done $0x0  }
0x40c: {  	s20 =	simm.s32 $0x14480;
	[sflag:s24] =	ssyncadd.s32 $0xFFFFC000  }
0x40d: {  	[tilespmem:s31], [sflag:$0x2] =	stream.indirect.gather [hbm4b:s5+s28], $0x80, s20, s28, $0xb8;
	[tilespmem:$0x1D400] =	vst v63  }
0x40e: {  	_ =	swait.ge [sflag:s0], $0x4000  }
0x40f: {  	[sflag:s0] =	ssyncset.done $0x0  }
0x410: {  	s21 =	simm.s32 $0x15000;
	[sflag:s0] =	ssyncadd.s32 $0xFFFFC000  }
0x411: {  	[spmem:s3] =	stream.indirect.scatter.add.f32 [tilespmem:s29], [sflag:$0x3], $0x80, s21, s28, $0xb8;
	[tilespmem:$0x1D400] =	vst v63  }
0x412: {  	_ =	swait.ge [sflag:s24], $0x4000  }
0x413: {  	[sflag:s24] =	ssyncset.done $0x0  }
0x414: {  	s22 =	simm.s32 $0x14500;
	[sflag:s24] =	ssyncadd.s32 $0xFFFFC000  }
0x415: {  	[tilespmem:s29], [sflag:$0x1] =	stream.indirect.gather [hbm4b:s5+s28], $0x80, s22, s28, $0xb8;
	[tilespmem:$0x1D400] =	vst v63  }
0x416: {  	_ =	swait.ge [sflag:s12], $0x4000  }
0x417: {  	[sflag:s12] =	ssyncset.done $0x0  }
0x418: {  	s23 =	simm.s32 $0x15080;
	[sflag:s12] =	ssyncadd.s32 $0xFFFFC000  }
0x419: {  	[spmem:s3] =	stream.indirect.scatter.add.f32 [tilespmem:s31], [sflag:$0x3], $0x80, s23, s28, $0xb8;
	[tilespmem:$0x1D400] =	vst v63  }
0x41a: {  	_ =	swait.ge [sflag:s24], $0x4000  }
0x41b: {  	[sflag:s24] =	ssyncset.done $0x0  }
0x41c: {  	s25 =	simm.s32 $0x14580;
	[sflag:s24] =	ssyncadd.s32 $0xFFFFC000  }
0x41d: {  	[tilespmem:s31], [sflag:$0x2] =	stream.indirect.gather [hbm4b:s5+s28], $0x80, s25, s28, $0xb8;
	[tilespmem:$0x1D400] =	vst v63  }
0x41e: {  	_ =	swait.ge [sflag:s0], $0x4000  }
0x41f: {  	[sflag:s0] =	ssyncset.done $0x0  }
0x420: {  	s26 =	simm.s32 $0x15100;
	[sflag:s0] =	ssyncadd.s32 $0xFFFFC000  }
0x421: {  	[spmem:s3] =	stream.indirect.scatter.add.f32 [tilespmem:s29], [sflag:$0x3], $0x80, s26, s28, $0xb8;
	[tilespmem:$0x1D400] =	vst v63  }
0x422: {  	_ =	swait.ge [sflag:s24], $0x4000  }
0x423: {  	[sflag:s24] =	ssyncset.done $0x0  }
0x424: {  	[sflag:s24] =	ssyncadd.s32 $0xFFFFC000  }
0x425: {  	_ =	swait.ge [sflag:s12], $0x4000  }
0x426: {  	[sflag:s12] =	ssyncset.done $0x0  }
.Ltmp3:
0x427: {  	s30 =	simm.s32 $0x15180;
	[sflag:s12] =	ssyncadd.s32 $0xFFFFC000;
	(pc) =	sbr.rel .LBB2_3-.Ltmp3, $4  }
0x428: {  	[spmem:s3] =	stream.indirect.scatter.add.f32 [tilespmem:s31], [sflag:$0x3], $0x80, s30, s28, $0xb8;
	[tilespmem:$0x1D400] =	vst v63  }
0x429: {  	_ =	swait.ge [sflag:s24], $0x4000  }
0x42a: {  	[sflag:s24] =	ssyncset.done $0x0;
	s15 =	rddreg [dreg:$0x10]  }
0x42b: {  	s14 =	rddreg [dreg:$0x11];
	[sflag:s24] =	ssyncadd.s32 $0xFFFFC000  }
.LBB2_4:
0x42c: {  	_ =	sfence.sel $0x180000  }
0x42d: {  	[bflag:$0x0] =	sbarrier.arrive $0xFFFF  }
0x42e: {  	_ =	strace $0x90000047  }
0x42f: {  	s0 =	stileid.u32;
	[bflag:$0x2] =	sbarrier.arrive $0xFFFF  }
0x430: {  	p0 =	sne.s32 s0, $0x0;
	s0 =	rddreg [dreg:$0x3]  }
0x431: {  	s0 =	sadd.s32 @!p0 $0x100000, s0  }
0x432: {  	[sflag:s0] =	ssyncadd.tile.s32 @!p0 $0x1;
	_ =	shalt  }
.Lfunc_end2:
_tile_overlayer_lowered:
.L_overlay_start_2:
0x433: {  	(tag) =	ssettag $0x2  }
0x434: {  	s0 =	rddreg [dreg:$0x0];
	s2 =	stileid.u32  }
0x435: {  	s1 =	rddreg [dreg:$0x1];
	p0 =	sne.s32 s2, $0x0  }
0x436: {  	s3 =	rddreg [dreg:$0x2];
	[bflag:$0x3] =	sbarrier.arrive $0xFFFF;
	s2 =	simm.s32 @!p0 $0x1C03  }
0x437: {  	[timem:s3], [sflag:s2] =	dma.local @!p0 [hbm:s0], s1  }
0x438: {  	s0 =	simm.s32 @!p0 $0x3  }
0x439: {  	_ =	swait.ge @!p0 [sflag:s0], s1  }
0x43a: {  	s1 =	ssub.s32 @!p0 $0x0, s1;
	[sflag:s0] =	ssyncset.done @!p0 $0x0  }
0x43b: {  	[sflag:s0] =	ssyncadd.s32 @!p0 s1  }
0x43c: {  	[bflag:$0x3] =	sbarrier.arrive $0xFFFF  }
0x43d: {  	_ =	shalt  }

</sc_bundles>
